<compile_context>
chip_gen: v7x
topology: tpu7x:2x2x1
jax: 0.10.2.dev20260603
libtpu: 0.0.44.dev20260713+nightly
codegen_flags: <defaults>
</compile_context>

<pallas_src>
import functools

import jax
import jax.numpy as jnp
from jax import lax
from jax.experimental import pallas as pl
from jax.experimental.pallas import tpu as pltpu
from jax.experimental.pallas import tpu_sc as plsc

N, D = 16384, 64

_info = plsc.get_sparse_core_info()
NC, NS, L = _info.num_cores, _info.num_subcores, _info.num_lanes
NW = NC * NS
ROWS = N // NW
CH = 4
CR = ROWS // CH
PW = L + 1

_mesh = plsc.VectorSubcoreMesh(core_axis_name="c", subcore_axis_name="s")


@functools.partial(
    pl.kernel,
    out_type=jax.ShapeDtypeStruct((N,), jnp.float32),
    mesh=_mesh,
    compiler_params=pltpu.CompilerParams(
        needs_layout_passes=False, use_tc_tiling_on_sc=False),
    scratch_types=[
        pltpu.VMEM((CR, D), jnp.float32),
        pltpu.VMEM((CR, D), jnp.float32),
        pltpu.VMEM((CR, D), jnp.float32),
        pltpu.VMEM((CR, D), jnp.float32),
        pltpu.VMEM((CR, PW), jnp.float32),
        pltpu.VMEM((ROWS,), jnp.float32),
        pltpu.SemaphoreType.DMA,
        pltpu.SemaphoreType.DMA,
    ],
)
def _rowdot(gu_hbm, gi_hbm, out_hbm, u0, i0, u1, i1, p_v, o_v, sem0, sem1):
    wid = lax.axis_index("s") * NC + lax.axis_index("c")
    base = wid * ROWS
    lanes = lax.iota(jnp.int32, L)
    bufs = ((u0, i0, sem0), (u1, i1, sem1))

    def start(c, buf):
        u, i, sem = buf
        cu = pltpu.async_copy(gu_hbm.at[pl.ds(base + c * CR, CR), :], u, sem)
        ci = pltpu.async_copy(gi_hbm.at[pl.ds(base + c * CR, CR), :], i, sem)
        return cu, ci

    pending = start(0, bufs[0])
    for c in range(CH):
        nxt = start(c + 1, bufs[(c + 1) % 2]) if c + 1 < CH else None
        pending[0].wait()
        pending[1].wait()
        pending = nxt
        u, i, _ = bufs[c % 2]

        def grp_body(g, carry, u=u, i=i, c=c):
            rb = g * L
            for l in range(L):
                r = rb + l
                acc = u[r, pl.ds(0, L)] * i[r, pl.ds(0, L)]
                for j in range(1, D // L):
                    acc = acc + u[r, pl.ds(j * L, L)] * i[r, pl.ds(j * L, L)]
                p_v[r, pl.ds(0, L)] = acc
            rows = rb + lanes
            cols = [plsc.load_gather(p_v, [rows, jnp.full((L,), j, jnp.int32)])
                    for j in range(L)]
            while len(cols) > 1:
                cols = [cols[k] + cols[k + 1] for k in range(0, len(cols), 2)]
            o_v[pl.ds(c * CR + g * L, L)] = cols[0]
            return carry

        lax.fori_loop(0, CR // L, grp_body, 0)

    pltpu.sync_copy(o_v, out_hbm.at[pl.ds(base, ROWS)])


def kernel(gu, gi):
    return _rowdot(gu, gi)

# --- scband reference (transcript-rebuilt; emitter-appended) ---
"""Pipeline reference for scband-light-gcnmodel-22677427323221 (READ-ONLY COPY).

The authoritative reference and input builder live on the scoring server;
editing this copy changes nothing except your own understanding.
"""

import jax, jax.numpy as jnp
import numpy as np


def setup_inputs(seed: int = 0) -> dict:
    key = jax.random.key(seed)
    k1, k2 = jax.random.split(key, 2)
    gu = jax.random.normal(k1, (16384, 64), dtype=jnp.float32)
    gi = jax.random.normal(k2, (16384, 64), dtype=jnp.float32)
    return {"gu": gu, "gi": gi}


def reference(gu, gi):
    # Faithful translation of LightGCNModel.forward:
    #   gu, gi = inputs
    #   gamma_u = torch.squeeze(gu); gamma_i = torch.squeeze(gi)
    #   xui = torch.sum(gamma_u * gamma_i, -1)
    gamma_u = jnp.squeeze(gu)
    gamma_i = jnp.squeeze(gi)
    xui = jnp.sum(gamma_u * gamma_i, axis=-1)
    return xui

if __name__ == "__main__":
    import jax
    _d = setup_inputs()
    print(jax.jit(kernel)(*tuple(_d.values())))

</pallas_src>

<mosaic_0001>
#map = affine_map<(d0, d1) -> (0, 0)>
#map1 = affine_map<(d0, d1) -> (0)>
module attributes {stable_mosaic.version = 14 : i64} {
  func.func @_rowdot(%arg0: i32, %arg1: i32, %arg2: memref<16384x64xf32, #tpu.memory_space<hbm>>, %arg3: memref<16384x64xf32, #tpu.memory_space<hbm>>, %arg4: memref<16384xf32, #tpu.memory_space<hbm>>, %arg5: memref<128x64xf32, #tpu.memory_space<vmem>>, %arg6: memref<128x64xf32, #tpu.memory_space<vmem>>, %arg7: memref<128x64xf32, #tpu.memory_space<vmem>>, %arg8: memref<128x64xf32, #tpu.memory_space<vmem>>, %arg9: memref<128x17xf32, #tpu.memory_space<vmem>>, %arg10: memref<512xf32, #tpu.memory_space<vmem>>, %arg11: memref<!tpu.dma_semaphore, #tpu.memory_space<semaphore_mem>>, %arg12: memref<!tpu.dma_semaphore, #tpu.memory_space<semaphore_mem>>) attributes {dimension_semantics = [#tpu.dimension_semantics<core_parallel>, #tpu.dimension_semantics<subcore_parallel>], iteration_bounds = array<i64: 2, 16>, scalar_prefetch = 0 : i64, scratch_operands = 8 : i64, tpu.core_type = #tpu.core_type<sc_vector_subcore>, window_params = [{transform_indices = #map}, {transform_indices = #map}, {transform_indices = #map1}]} {
    %mul3A = arith.constant 2 : i32
    %mul3A_0 = arith.muli %arg1, %mul3A : i32
    %add3A = arith.addi %mul3A_0, %arg0 : i32
    %mul3A_1 = arith.constant 512 : i32
    %mul3A_2 = arith.muli %add3A, %mul3A_1 : i32
    %iota3A = tpu.iota {dimensions = array<i32: 0>} : vector<16xi32>
    %add3A_3 = arith.constant 0 : i32
    %add3A_4 = arith.addi %mul3A_2, %add3A_3 : i32
    %dma_start3A = arith.constant 0 : i32
    %dma_start3A_5 = tpu.memref_slice %arg2[%add3A_4, %dma_start3A] : memref<16384x64xf32, #tpu.memory_space<hbm>> -> memref<128x64xf32, #tpu.memory_space<hbm>>
    %dma_start3A_6 = arith.constant 0 : i32
    %dma_start3A_7 = tpu.memref_slice %arg2[%add3A_4, %dma_start3A_6] : memref<16384x64xf32, #tpu.memory_space<hbm>> -> memref<128x64xf32, #tpu.memory_space<hbm>>
    tpu.enqueue_dma source(%dma_start3A_7 : memref<128x64xf32, #tpu.memory_space<hbm>>) target(%arg5 : memref<128x64xf32, #tpu.memory_space<vmem>>) target_semaphore(%arg11 : memref<!tpu.dma_semaphore, #tpu.memory_space<semaphore_mem>>)
    %add3A_8 = arith.constant 0 : i32
    %add3A_9 = arith.addi %mul3A_2, %add3A_8 : i32
    %dma_start3A_10 = arith.constant 0 : i32
    %dma_start3A_11 = tpu.memref_slice %arg3[%add3A_9, %dma_start3A_10] : memref<16384x64xf32, #tpu.memory_space<hbm>> -> memref<128x64xf32, #tpu.memory_space<hbm>>
    %dma_start3A_12 = arith.constant 0 : i32
    %dma_start3A_13 = tpu.memref_slice %arg3[%add3A_9, %dma_start3A_12] : memref<16384x64xf32, #tpu.memory_space<hbm>> -> memref<128x64xf32, #tpu.memory_space<hbm>>
    tpu.enqueue_dma source(%dma_start3A_13 : memref<128x64xf32, #tpu.memory_space<hbm>>) target(%arg6 : memref<128x64xf32, #tpu.memory_space<vmem>>) target_semaphore(%arg11 : memref<!tpu.dma_semaphore, #tpu.memory_space<semaphore_mem>>)
    %add3A_14 = arith.constant 128 : i32
    %add3A_15 = arith.addi %mul3A_2, %add3A_14 : i32
    %dma_start3A_16 = arith.constant 0 : i32
    %dma_start3A_17 = tpu.memref_slice %arg2[%add3A_15, %dma_start3A_16] : memref<16384x64xf32, #tpu.memory_space<hbm>> -> memref<128x64xf32, #tpu.memory_space<hbm>>
    %dma_start3A_18 = arith.constant 0 : i32
    %dma_start3A_19 = tpu.memref_slice %arg2[%add3A_15, %dma_start3A_18] : memref<16384x64xf32, #tpu.memory_space<hbm>> -> memref<128x64xf32, #tpu.memory_space<hbm>>
    tpu.enqueue_dma source(%dma_start3A_19 : memref<128x64xf32, #tpu.memory_space<hbm>>) target(%arg7 : memref<128x64xf32, #tpu.memory_space<vmem>>) target_semaphore(%arg12 : memref<!tpu.dma_semaphore, #tpu.memory_space<semaphore_mem>>)
    %add3A_20 = arith.constant 128 : i32
    %add3A_21 = arith.addi %mul3A_2, %add3A_20 : i32
    %dma_start3A_22 = arith.constant 0 : i32
    %dma_start3A_23 = tpu.memref_slice %arg3[%add3A_21, %dma_start3A_22] : memref<16384x64xf32, #tpu.memory_space<hbm>> -> memref<128x64xf32, #tpu.memory_space<hbm>>
    %dma_start3A_24 = arith.constant 0 : i32
    %dma_start3A_25 = tpu.memref_slice %arg3[%add3A_21, %dma_start3A_24] : memref<16384x64xf32, #tpu.memory_space<hbm>> -> memref<128x64xf32, #tpu.memory_space<hbm>>
    tpu.enqueue_dma source(%dma_start3A_25 : memref<128x64xf32, #tpu.memory_space<hbm>>) target(%arg8 : memref<128x64xf32, #tpu.memory_space<vmem>>) target_semaphore(%arg12 : memref<!tpu.dma_semaphore, #tpu.memory_space<semaphore_mem>>)
    %dma_wait3A = arith.constant 0 : i32
    %dma_wait3A_26 = tpu.memref_slice %arg2[%add3A_4, %dma_wait3A] : memref<16384x64xf32, #tpu.memory_space<hbm>> -> memref<128x64xf32, #tpu.memory_space<hbm>>
    %dma_wait3A_27 = arith.constant 0 : i32
    %dma_wait3A_28 = tpu.memref_slice %arg2[%add3A_4, %dma_wait3A_27] : memref<16384x64xf32, #tpu.memory_space<hbm>> -> memref<128x64xf32, #tpu.memory_space<hbm>>
    tpu.wait_dma2 semaphore(%arg11 : memref<!tpu.dma_semaphore, #tpu.memory_space<semaphore_mem>>) src(%dma_wait3A_28 : memref<128x64xf32, #tpu.memory_space<hbm>>) dst(%arg5 : memref<128x64xf32, #tpu.memory_space<vmem>>)
    %dma_wait3A_29 = arith.constant 0 : i32
    %dma_wait3A_30 = tpu.memref_slice %arg3[%add3A_9, %dma_wait3A_29] : memref<16384x64xf32, #tpu.memory_space<hbm>> -> memref<128x64xf32, #tpu.memory_space<hbm>>
    %dma_wait3A_31 = arith.constant 0 : i32
    %dma_wait3A_32 = tpu.memref_slice %arg3[%add3A_9, %dma_wait3A_31] : memref<16384x64xf32, #tpu.memory_space<hbm>> -> memref<128x64xf32, #tpu.memory_space<hbm>>
    tpu.wait_dma2 semaphore(%arg11 : memref<!tpu.dma_semaphore, #tpu.memory_space<semaphore_mem>>) src(%dma_wait3A_32 : memref<128x64xf32, #tpu.memory_space<hbm>>) dst(%arg6 : memref<128x64xf32, #tpu.memory_space<vmem>>)
    %scan3A = arith.constant 0 : i32
    %scan3A_33 = arith.constant 0 : i32
    %scan3A_34 = arith.constant 8 : i32
    %scan3A_35 = arith.addi %scan3A_33, %scan3A_34 : i32
    %scan3A_36 = arith.constant 1 : i32
    scf.for %scan3A_104 = %scan3A_33 to %scan3A_35 step %scan3A_36  : i32 {
      %mul3A_105 = arith.constant 16 : i32
      %mul3A_106 = arith.muli %scan3A_104, %mul3A_105 : i32
      %add3A_107 = arith.constant 0 : i32
      %add3A_108 = arith.addi %mul3A_106, %add3A_107 : i32
      %get3A = arith.index_cast %add3A_108 : i32 to index
      %get3A_109 = arith.constant 0 : index
      %get3A_110 = tpu.vector_load %arg5[%get3A, %get3A_109] {strides = array<i32>} : memref<128x64xf32, #tpu.memory_space<vmem>>, vector<16xf32>,
      %get3A_111 = arith.index_cast %add3A_108 : i32 to index
      %get3A_112 = arith.constant 0 : index
      %get3A_113 = tpu.vector_load %arg6[%get3A_111, %get3A_112] {strides = array<i32>} : memref<128x64xf32, #tpu.memory_space<vmem>>, vector<16xf32>,
      %mul3A_114 = arith.mulf %get3A_110, %get3A_113 : vector<16xf32>
      %get3A_115 = arith.index_cast %add3A_108 : i32 to index
      %get3A_116 = arith.constant 16 : index
      %get3A_117 = tpu.vector_load %arg5[%get3A_115, %get3A_116] {strides = array<i32>} : memref<128x64xf32, #tpu.memory_space<vmem>>, vector<16xf32>,
      %get3A_118 = arith.index_cast %add3A_108 : i32 to index
      %get3A_119 = arith.constant 16 : index
      %get3A_120 = tpu.vector_load %arg6[%get3A_118, %get3A_119] {strides = array<i32>} : memref<128x64xf32, #tpu.memory_space<vmem>>, vector<16xf32>,
      %mul3A_121 = arith.mulf %get3A_117, %get3A_120 : vector<16xf32>
      %add3A_122 = arith.addf %mul3A_114, %mul3A_121 : vector<16xf32>
      %get3A_123 = arith.index_cast %add3A_108 : i32 to index
      %get3A_124 = arith.constant 32 : index
      %get3A_125 = tpu.vector_load %arg5[%get3A_123, %get3A_124] {strides = array<i32>} : memref<128x64xf32, #tpu.memory_space<vmem>>, vector<16xf32>,
      %get3A_126 = arith.index_cast %add3A_108 : i32 to index
      %get3A_127 = arith.constant 32 : index
      %get3A_128 = tpu.vector_load %arg6[%get3A_126, %get3A_127] {strides = array<i32>} : memref<128x64xf32, #tpu.memory_space<vmem>>, vector<16xf32>,
      %mul3A_129 = arith.mulf %get3A_125, %get3A_128 : vector<16xf32>
      %add3A_130 = arith.addf %add3A_122, %mul3A_129 : vector<16xf32>
      %get3A_131 = arith.index_cast %add3A_108 : i32 to index
      %get3A_132 = arith.constant 48 : index
      %get3A_133 = tpu.vector_load %arg5[%get3A_131, %get3A_132] {strides = array<i32>} : memref<128x64xf32, #tpu.memory_space<vmem>>, vector<16xf32>,
      %get3A_134 = arith.index_cast %add3A_108 : i32 to index
      %get3A_135 = arith.constant 48 : index
      %get3A_136 = tpu.vector_load %arg6[%get3A_134, %get3A_135] {strides = array<i32>} : memref<128x64xf32, #tpu.memory_space<vmem>>, vector<16xf32>,
      %mul3A_137 = arith.mulf %get3A_133, %get3A_136 : vector<16xf32>
      %add3A_138 = arith.addf %add3A_130, %mul3A_137 : vector<16xf32>
      %swap3A = arith.index_cast %add3A_108 : i32 to index
      %swap3A_139 = arith.constant 0 : index
      %swap3A_140 = tpu.vector_load %arg9[%swap3A, %swap3A_139] {strides = array<i32>} : memref<128x17xf32, #tpu.memory_space<vmem>>, vector<16xf32>,
      tpu.vector_store %arg9[%swap3A, %swap3A_139], %add3A_138 {strides = array<i32>} : memref<128x17xf32, #tpu.memory_space<vmem>>, vector<16xf32>,
      %add3A_141 = arith.constant 1 : i32
      %add3A_142 = arith.addi %mul3A_106, %add3A_141 : i32
      %get3A_143 = arith.index_cast %add3A_142 : i32 to index
      %get3A_144 = arith.constant 0 : index
      %get3A_145 = tpu.vector_load %arg5[%get3A_143, %get3A_144] {strides = array<i32>} : memref<128x64xf32, #tpu.memory_space<vmem>>, vector<16xf32>,
      %get3A_146 = arith.index_cast %add3A_142 : i32 to index
      %get3A_147 = arith.constant 0 : index
      %get3A_148 = tpu.vector_load %arg6[%get3A_146, %get3A_147] {strides = array<i32>} : memref<128x64xf32, #tpu.memory_space<vmem>>, vector<16xf32>,
      %mul3A_149 = arith.mulf %get3A_145, %get3A_148 : vector<16xf32>
      %get3A_150 = arith.index_cast %add3A_142 : i32 to index
      %get3A_151 = arith.constant 16 : index
      %get3A_152 = tpu.vector_load %arg5[%get3A_150, %get3A_151] {strides = array<i32>} : memref<128x64xf32, #tpu.memory_space<vmem>>, vector<16xf32>,
      %get3A_153 = arith.index_cast %add3A_142 : i32 to index
      %get3A_154 = arith.constant 16 : index
      %get3A_155 = tpu.vector_load %arg6[%get3A_153, %get3A_154] {strides = array<i32>} : memref<128x64xf32, #tpu.memory_space<vmem>>, vector<16xf32>,
      %mul3A_156 = arith.mulf %get3A_152, %get3A_155 : vector<16xf32>
      %add3A_157 = arith.addf %mul3A_149, %mul3A_156 : vector<16xf32>
      %get3A_158 = arith.index_cast %add3A_142 : i32 to index
      %get3A_159 = arith.constant 32 : index
      %get3A_160 = tpu.vector_load %arg5[%get3A_158, %get3A_159] {strides = array<i32>} : memref<128x64xf32, #tpu.memory_space<vmem>>, vector<16xf32>,
      %get3A_161 = arith.index_cast %add3A_142 : i32 to index
      %get3A_162 = arith.constant 32 : index
      %get3A_163 = tpu.vector_load %arg6[%get3A_161, %get3A_162] {strides = array<i32>} : memref<128x64xf32, #tpu.memory_space<vmem>>, vector<16xf32>,
      %mul3A_164 = arith.mulf %get3A_160, %get3A_163 : vector<16xf32>
      %add3A_165 = arith.addf %add3A_157, %mul3A_164 : vector<16xf32>
      %get3A_166 = arith.index_cast %add3A_142 : i32 to index
      %get3A_167 = arith.constant 48 : index
      %get3A_168 = tpu.vector_load %arg5[%get3A_166, %get3A_167] {strides = array<i32>} : memref<128x64xf32, #tpu.memory_space<vmem>>, vector<16xf32>,
      %get3A_169 = arith.index_cast %add3A_142 : i32 to index
      %get3A_170 = arith.constant 48 : index
      %get3A_171 = tpu.vector_load %arg6[%get3A_169, %get3A_170] {strides = array<i32>} : memref<128x64xf32, #tpu.memory_space<vmem>>, vector<16xf32>,
      %mul3A_172 = arith.mulf %get3A_168, %get3A_171 : vector<16xf32>
      %add3A_173 = arith.addf %add3A_165, %mul3A_172 : vector<16xf32>
      %swap3A_174 = arith.index_cast %add3A_142 : i32 to index
      %swap3A_175 = arith.constant 0 : index
      %swap3A_176 = tpu.vector_load %arg9[%swap3A_174, %swap3A_175] {strides = array<i32>} : memref<128x17xf32, #tpu.memory_space<vmem>>, vector<16xf32>,
      tpu.vector_store %arg9[%swap3A_174, %swap3A_175], %add3A_173 {strides = array<i32>} : memref<128x17xf32, #tpu.memory_space<vmem>>, vector<16xf32>,
      %add3A_177 = arith.constant 2 : i32
      %add3A_178 = arith.addi %mul3A_106, %add3A_177 : i32
      %get3A_179 = arith.index_cast %add3A_178 : i32 to index
      %get3A_180 = arith.constant 0 : index
      %get3A_181 = tpu.vector_load %arg5[%get3A_179, %get3A_180] {strides = array<i32>} : memref<128x64xf32, #tpu.memory_space<vmem>>, vector<16xf32>,
      %get3A_182 = arith.index_cast %add3A_178 : i32 to index
      %get3A_183 = arith.constant 0 : index
      %get3A_184 = tpu.vector_load %arg6[%get3A_182, %get3A_183] {strides = array<i32>} : memref<128x64xf32, #tpu.memory_space<vmem>>, vector<16xf32>,
      %mul3A_185 = arith.mulf %get3A_181, %get3A_184 : vector<16xf32>
      %get3A_186 = arith.index_cast %add3A_178 : i32 to index
      %get3A_187 = arith.constant 16 : index
      %get3A_188 = tpu.vector_load %arg5[%get3A_186, %get3A_187] {strides = array<i32>} : memref<128x64xf32, #tpu.memory_space<vmem>>, vector<16xf32>,
      %get3A_189 = arith.index_cast %add3A_178 : i32 to index
      %get3A_190 = arith.constant 16 : index
      %get3A_191 = tpu.vector_load %arg6[%get3A_189, %get3A_190] {strides = array<i32>} : memref<128x64xf32, #tpu.memory_space<vmem>>, vector<16xf32>,
      %mul3A_192 = arith.mulf %get3A_188, %get3A_191 : vector<16xf32>
      %add3A_193 = arith.addf %mul3A_185, %mul3A_192 : vector<16xf32>
      %get3A_194 = arith.index_cast %add3A_178 : i32 to index
      %get3A_195 = arith.constant 32 : index
      %get3A_196 = tpu.vector_load %arg5[%get3A_194, %get3A_195] {strides = array<i32>} : memref<128x64xf32, #tpu.memory_space<vmem>>, vector<16xf32>,
      %get3A_197 = arith.index_cast %add3A_178 : i32 to index
      %get3A_198 = arith.constant 32 : index
      %get3A_199 = tpu.vector_load %arg6[%get3A_197, %get3A_198] {strides = array<i32>} : memref<128x64xf32, #tpu.memory_space<vmem>>, vector<16xf32>,
      %mul3A_200 = arith.mulf %get3A_196, %get3A_199 : vector<16xf32>
      %add3A_201 = arith.addf %add3A_193, %mul3A_200 : vector<16xf32>
      %get3A_202 = arith.index_cast %add3A_178 : i32 to index
      %get3A_203 = arith.constant 48 : index
      %get3A_204 = tpu.vector_load %arg5[%get3A_202, %get3A_203] {strides = array<i32>} : memref<128x64xf32, #tpu.memory_space<vmem>>, vector<16xf32>,
      %get3A_205 = arith.index_cast %add3A_178 : i32 to index
      %get3A_206 = arith.constant 48 : index
      %get3A_207 = tpu.vector_load %arg6[%get3A_205, %get3A_206] {strides = array<i32>} : memref<128x64xf32, #tpu.memory_space<vmem>>, vector<16xf32>,
      %mul3A_208 = arith.mulf %get3A_204, %get3A_207 : vector<16xf32>
      %add3A_209 = arith.addf %add3A_201, %mul3A_208 : vector<16xf32>
      %swap3A_210 = arith.index_cast %add3A_178 : i32 to index
      %swap3A_211 = arith.constant 0 : index
      %swap3A_212 = tpu.vector_load %arg9[%swap3A_210, %swap3A_211] {strides = array<i32>} : memref<128x17xf32, #tpu.memory_space<vmem>>, vector<16xf32>,
      tpu.vector_store %arg9[%swap3A_210, %swap3A_211], %add3A_209 {strides = array<i32>} : memref<128x17xf32, #tpu.memory_space<vmem>>, vector<16xf32>,
      %add3A_213 = arith.constant 3 : i32
      %add3A_214 = arith.addi %mul3A_106, %add3A_213 : i32
      %get3A_215 = arith.index_cast %add3A_214 : i32 to index
      %get3A_216 = arith.constant 0 : index
      %get3A_217 = tpu.vector_load %arg5[%get3A_215, %get3A_216] {strides = array<i32>} : memref<128x64xf32, #tpu.memory_space<vmem>>, vector<16xf32>,
      %get3A_218 = arith.index_cast %add3A_214 : i32 to index
      %get3A_219 = arith.constant 0 : index
      %get3A_220 = tpu.vector_load %arg6[%get3A_218, %get3A_219] {strides = array<i32>} : memref<128x64xf32, #tpu.memory_space<vmem>>, vector<16xf32>,
      %mul3A_221 = arith.mulf %get3A_217, %get3A_220 : vector<16xf32>
      %get3A_222 = arith.index_cast %add3A_214 : i32 to index
      %get3A_223 = arith.constant 16 : index
      %get3A_224 = tpu.vector_load %arg5[%get3A_222, %get3A_223] {strides = array<i32>} : memref<128x64xf32, #tpu.memory_space<vmem>>, vector<16xf32>,
      %get3A_225 = arith.index_cast %add3A_214 : i32 to index
      %get3A_226 = arith.constant 16 : index
      %get3A_227 = tpu.vector_load %arg6[%get3A_225, %get3A_226] {strides = array<i32>} : memref<128x64xf32, #tpu.memory_space<vmem>>, vector<16xf32>,
      %mul3A_228 = arith.mulf %get3A_224, %get3A_227 : vector<16xf32>
      %add3A_229 = arith.addf %mul3A_221, %mul3A_228 : vector<16xf32>
      %get3A_230 = arith.index_cast %add3A_214 : i32 to index
      %get3A_231 = arith.constant 32 : index
      %get3A_232 = tpu.vector_load %arg5[%get3A_230, %get3A_231] {strides = array<i32>} : memref<128x64xf32, #tpu.memory_space<vmem>>, vector<16xf32>,
      %get3A_233 = arith.index_cast %add3A_214 : i32 to index
      %get3A_234 = arith.constant 32 : index
      %get3A_235 = tpu.vector_load %arg6[%get3A_233, %get3A_234] {strides = array<i32>} : memref<128x64xf32, #tpu.memory_space<vmem>>, vector<16xf32>,
      %mul3A_236 = arith.mulf %get3A_232, %get3A_235 : vector<16xf32>
      %add3A_237 = arith.addf %add3A_229, %mul3A_236 : vector<16xf32>
      %get3A_238 = arith.index_cast %add3A_214 : i32 to index
      %get3A_239 = arith.constant 48 : index
      %get3A_240 = tpu.vector_load %arg5[%get3A_238, %get3A_239] {strides = array<i32>} : memref<128x64xf32, #tpu.memory_space<vmem>>, vector<16xf32>,
      %get3A_241 = arith.index_cast %add3A_214 : i32 to index
      %get3A_242 = arith.constant 48 : index
      %get3A_243 = tpu.vector_load %arg6[%get3A_241, %get3A_242] {strides = array<i32>} : memref<128x64xf32, #tpu.memory_space<vmem>>, vector<16xf32>,
      %mul3A_244 = arith.mulf %get3A_240, %get3A_243 : vector<16xf32>
      %add3A_245 = arith.addf %add3A_237, %mul3A_244 : vector<16xf32>
      %swap3A_246 = arith.index_cast %add3A_214 : i32 to index
      %swap3A_247 = arith.constant 0 : index
      %swap3A_248 = tpu.vector_load %arg9[%swap3A_246, %swap3A_247] {strides = array<i32>} : memref<128x17xf32, #tpu.memory_space<vmem>>, vector<16xf32>,
      tpu.vector_store %arg9[%swap3A_246, %swap3A_247], %add3A_245 {strides = array<i32>} : memref<128x17xf32, #tpu.memory_space<vmem>>, vector<16xf32>,
      %add3A_249 = arith.constant 4 : i32
      %add3A_250 = arith.addi %mul3A_106, %add3A_249 : i32
      %get3A_251 = arith.index_cast %add3A_250 : i32 to index
      %get3A_252 = arith.constant 0 : index
      %get3A_253 = tpu.vector_load %arg5[%get3A_251, %get3A_252] {strides = array<i32>} : memref<128x64xf32, #tpu.memory_space<vmem>>, vector<16xf32>,
      %get3A_254 = arith.index_cast %add3A_250 : i32 to index
      %get3A_255 = arith.constant 0 : index
      %get3A_256 = tpu.vector_load %arg6[%get3A_254, %get3A_255] {strides = array<i32>} : memref<128x64xf32, #tpu.memory_space<vmem>>, vector<16xf32>,
      %mul3A_257 = arith.mulf %get3A_253, %get3A_256 : vector<16xf32>
      %get3A_258 = arith.index_cast %add3A_250 : i32 to index
      %get3A_259 = arith.constant 16 : index
      %get3A_260 = tpu.vector_load %arg5[%get3A_258, %get3A_259] {strides = array<i32>} : memref<128x64xf32, #tpu.memory_space<vmem>>, vector<16xf32>,
      %get3A_261 = arith.index_cast %add3A_250 : i32 to index
      %get3A_262 = arith.constant 16 : index
      %get3A_263 = tpu.vector_load %arg6[%get3A_261, %get3A_262] {strides = array<i32>} : memref<128x64xf32, #tpu.memory_space<vmem>>, vector<16xf32>,
      %mul3A_264 = arith.mulf %get3A_260, %get3A_263 : vector<16xf32>
      %add3A_265 = arith.addf %mul3A_257, %mul3A_264 : vector<16xf32>
      %get3A_266 = arith.index_cast %add3A_250 : i32 to index
      %get3A_267 = arith.constant 32 : index
      %get3A_268 = tpu.vector_load %arg5[%get3A_266, %get3A_267] {strides = array<i32>} : memref<128x64xf32, #tpu.memory_space<vmem>>, vector<16xf32>,
      %get3A_269 = arith.index_cast %add3A_250 : i32 to index
      %get3A_270 = arith.constant 32 : index
      %get3A_271 = tpu.vector_load %arg6[%get3A_269, %get3A_270] {strides = array<i32>} : memref<128x64xf32, #tpu.memory_space<vmem>>, vector<16xf32>,
      %mul3A_272 = arith.mulf %get3A_268, %get3A_271 : vector<16xf32>
      %add3A_273 = arith.addf %add3A_265, %mul3A_272 : vector<16xf32>
      %get3A_274 = arith.index_cast %add3A_250 : i32 to index
      %get3A_275 = arith.constant 48 : index
      %get3A_276 = tpu.vector_load %arg5[%get3A_274, %get3A_275] {strides = array<i32>} : memref<128x64xf32, #tpu.memory_space<vmem>>, vector<16xf32>,
      %get3A_277 = arith.index_cast %add3A_250 : i32 to index
      %get3A_278 = arith.constant 48 : index
      %get3A_279 = tpu.vector_load %arg6[%get3A_277, %get3A_278] {strides = array<i32>} : memref<128x64xf32, #tpu.memory_space<vmem>>, vector<16xf32>,
      %mul3A_280 = arith.mulf %get3A_276, %get3A_279 : vector<16xf32>
      %add3A_281 = arith.addf %add3A_273, %mul3A_280 : vector<16xf32>
      %swap3A_282 = arith.index_cast %add3A_250 : i32 to index
      %swap3A_283 = arith.constant 0 : index
      %swap3A_284 = tpu.vector_load %arg9[%swap3A_282, %swap3A_283] {strides = array<i32>} : memref<128x17xf32, #tpu.memory_space<vmem>>, vector<16xf32>,
      tpu.vector_store %arg9[%swap3A_282, %swap3A_283], %add3A_281 {strides = array<i32>} : memref<128x17xf32, #tpu.memory_space<vmem>>, vector<16xf32>,
      %add3A_285 = arith.constant 5 : i32
      %add3A_286 = arith.addi %mul3A_106, %add3A_285 : i32
      %get3A_287 = arith.index_cast %add3A_286 : i32 to index
      %get3A_288 = arith.constant 0 : index
      %get3A_289 = tpu.vector_load %arg5[%get3A_287, %get3A_288] {strides = array<i32>} : memref<128x64xf32, #tpu.memory_space<vmem>>, vector<16xf32>,
      %get3A_290 = arith.index_cast %add3A_286 : i32 to index
      %get3A_291 = arith.constant 0 : index
      %get3A_292 = tpu.vector_load %arg6[%get3A_290, %get3A_291] {strides = array<i32>} : memref<128x64xf32, #tpu.memory_space<vmem>>, vector<16xf32>,
      %mul3A_293 = arith.mulf %get3A_289, %get3A_292 : vector<16xf32>
      %get3A_294 = arith.index_cast %add3A_286 : i32 to index
      %get3A_295 = arith.constant 16 : index
      %get3A_296 = tpu.vector_load %arg5[%get3A_294, %get3A_295] {strides = array<i32>} : memref<128x64xf32, #tpu.memory_space<vmem>>, vector<16xf32>,
      %get3A_297 = arith.index_cast %add3A_286 : i32 to index
      %get3A_298 = arith.constant 16 : index
      %get3A_299 = tpu.vector_load %arg6[%get3A_297, %get3A_298] {strides = array<i32>} : memref<128x64xf32, #tpu.memory_space<vmem>>, vector<16xf32>,
      %mul3A_300 = arith.mulf %get3A_296, %get3A_299 : vector<16xf32>
      %add3A_301 = arith.addf %mul3A_293, %mul3A_300 : vector<16xf32>
      %get3A_302 = arith.index_cast %add3A_286 : i32 to index
      %get3A_303 = arith.constant 32 : index
      %get3A_304 = tpu.vector_load %arg5[%get3A_302, %get3A_303] {strides = array<i32>} : memref<128x64xf32, #tpu.memory_space<vmem>>, vector<16xf32>,
      %get3A_305 = arith.index_cast %add3A_286 : i32 to index
      %get3A_306 = arith.constant 32 : index
      %get3A_307 = tpu.vector_load %arg6[%get3A_305, %get3A_306] {strides = array<i32>} : memref<128x64xf32, #tpu.memory_space<vmem>>, vector<16xf32>,
      %mul3A_308 = arith.mulf %get3A_304, %get3A_307 : vector<16xf32>
      %add3A_309 = arith.addf %add3A_301, %mul3A_308 : vector<16xf32>
      %get3A_310 = arith.index_cast %add3A_286 : i32 to index
      %get3A_311 = arith.constant 48 : index
      %get3A_312 = tpu.vector_load %arg5[%get3A_310, %get3A_311] {strides = array<i32>} : memref<128x64xf32, #tpu.memory_space<vmem>>, vector<16xf32>,
      %get3A_313 = arith.index_cast %add3A_286 : i32 to index
      %get3A_314 = arith.constant 48 : index
      %get3A_315 = tpu.vector_load %arg6[%get3A_313, %get3A_314] {strides = array<i32>} : memref<128x64xf32, #tpu.memory_space<vmem>>, vector<16xf32>,
      %mul3A_316 = arith.mulf %get3A_312, %get3A_315 : vector<16xf32>
      %add3A_317 = arith.addf %add3A_309, %mul3A_316 : vector<16xf32>
      %swap3A_318 = arith.index_cast %add3A_286 : i32 to index
      %swap3A_319 = arith.constant 0 : index
      %swap3A_320 = tpu.vector_load %arg9[%swap3A_318, %swap3A_319] {strides = array<i32>} : memref<128x17xf32, #tpu.memory_space<vmem>>, vector<16xf32>,
      tpu.vector_store %arg9[%swap3A_318, %swap3A_319], %add3A_317 {strides = array<i32>} : memref<128x17xf32, #tpu.memory_space<vmem>>, vector<16xf32>,
      %add3A_321 = arith.constant 6 : i32
      %add3A_322 = arith.addi %mul3A_106, %add3A_321 : i32
      %get3A_323 = arith.index_cast %add3A_322 : i32 to index
      %get3A_324 = arith.constant 0 : index
      %get3A_325 = tpu.vector_load %arg5[%get3A_323, %get3A_324] {strides = array<i32>} : memref<128x64xf32, #tpu.memory_space<vmem>>, vector<16xf32>,
      %get3A_326 = arith.index_cast %add3A_322 : i32 to index
      %get3A_327 = arith.constant 0 : index
      %get3A_328 = tpu.vector_load %arg6[%get3A_326, %get3A_327] {strides = array<i32>} : memref<128x64xf32, #tpu.memory_space<vmem>>, vector<16xf32>,
      %mul3A_329 = arith.mulf %get3A_325, %get3A_328 : vector<16xf32>
      %get3A_330 = arith.index_cast %add3A_322 : i32 to index
      %get3A_331 = arith.constant 16 : index
      %get3A_332 = tpu.vector_load %arg5[%get3A_330, %get3A_331] {strides = array<i32>} : memref<128x64xf32, #tpu.memory_space<vmem>>, vector<16xf32>,
      %get3A_333 = arith.index_cast %add3A_322 : i32 to index
      %get3A_334 = arith.constant 16 : index
      %get3A_335 = tpu.vector_load %arg6[%get3A_333, %get3A_334] {strides = array<i32>} : memref<128x64xf32, #tpu.memory_space<vmem>>, vector<16xf32>,
      %mul3A_336 = arith.mulf %get3A_332, %get3A_335 : vector<16xf32>
      %add3A_337 = arith.addf %mul3A_329, %mul3A_336 : vector<16xf32>
      %get3A_338 = arith.index_cast %add3A_322 : i32 to index
      %get3A_339 = arith.constant 32 : index
      %get3A_340 = tpu.vector_load %arg5[%get3A_338, %get3A_339] {strides = array<i32>} : memref<128x64xf32, #tpu.memory_space<vmem>>, vector<16xf32>,
      %get3A_341 = arith.index_cast %add3A_322 : i32 to index
      %get3A_342 = arith.constant 32 : index
      %get3A_343 = tpu.vector_load %arg6[%get3A_341, %get3A_342] {strides = array<i32>} : memref<128x64xf32, #tpu.memory_space<vmem>>, vector<16xf32>,
      %mul3A_344 = arith.mulf %get3A_340, %get3A_343 : vector<16xf32>
      %add3A_345 = arith.addf %add3A_337, %mul3A_344 : vector<16xf32>
      %get3A_346 = arith.index_cast %add3A_322 : i32 to index
      %get3A_347 = arith.constant 48 : index
      %get3A_348 = tpu.vector_load %arg5[%get3A_346, %get3A_347] {strides = array<i32>} : memref<128x64xf32, #tpu.memory_space<vmem>>, vector<16xf32>,
      %get3A_349 = arith.index_cast %add3A_322 : i32 to index
      %get3A_350 = arith.constant 48 : index
      %get3A_351 = tpu.vector_load %arg6[%get3A_349, %get3A_350] {strides = array<i32>} : memref<128x64xf32, #tpu.memory_space<vmem>>, vector<16xf32>,
      %mul3A_352 = arith.mulf %get3A_348, %get3A_351 : vector<16xf32>
      %add3A_353 = arith.addf %add3A_345, %mul3A_352 : vector<16xf32>
      %swap3A_354 = arith.index_cast %add3A_322 : i32 to index
      %swap3A_355 = arith.constant 0 : index
      %swap3A_356 = tpu.vector_load %arg9[%swap3A_354, %swap3A_355] {strides = array<i32>} : memref<128x17xf32, #tpu.memory_space<vmem>>, vector<16xf32>,
      tpu.vector_store %arg9[%swap3A_354, %swap3A_355], %add3A_353 {strides = array<i32>} : memref<128x17xf32, #tpu.memory_space<vmem>>, vector<16xf32>,
      %add3A_357 = arith.constant 7 : i32
      %add3A_358 = arith.addi %mul3A_106, %add3A_357 : i32
      %get3A_359 = arith.index_cast %add3A_358 : i32 to index
      %get3A_360 = arith.constant 0 : index
      %get3A_361 = tpu.vector_load %arg5[%get3A_359, %get3A_360] {strides = array<i32>} : memref<128x64xf32, #tpu.memory_space<vmem>>, vector<16xf32>,
      %get3A_362 = arith.index_cast %add3A_358 : i32 to index
      %get3A_363 = arith.constant 0 : index
      %get3A_364 = tpu.vector_load %arg6[%get3A_362, %get3A_363] {strides = array<i32>} : memref<128x64xf32, #tpu.memory_space<vmem>>, vector<16xf32>,
      %mul3A_365 = arith.mulf %get3A_361, %get3A_364 : vector<16xf32>
      %get3A_366 = arith.index_cast %add3A_358 : i32 to index
      %get3A_367 = arith.constant 16 : index
      %get3A_368 = tpu.vector_load %arg5[%get3A_366, %get3A_367] {strides = array<i32>} : memref<128x64xf32, #tpu.memory_space<vmem>>, vector<16xf32>,
      %get3A_369 = arith.index_cast %add3A_358 : i32 to index
      %get3A_370 = arith.constant 16 : index
      %get3A_371 = tpu.vector_load %arg6[%get3A_369, %get3A_370] {strides = array<i32>} : memref<128x64xf32, #tpu.memory_space<vmem>>, vector<16xf32>,
      %mul3A_372 = arith.mulf %get3A_368, %get3A_371 : vector<16xf32>
      %add3A_373 = arith.addf %mul3A_365, %mul3A_372 : vector<16xf32>
      %get3A_374 = arith.index_cast %add3A_358 : i32 to index
      %get3A_375 = arith.constant 32 : index
      %get3A_376 = tpu.vector_load %arg5[%get3A_374, %get3A_375] {strides = array<i32>} : memref<128x64xf32, #tpu.memory_space<vmem>>, vector<16xf32>,
      %get3A_377 = arith.index_cast %add3A_358 : i32 to index
      %get3A_378 = arith.constant 32 : index
      %get3A_379 = tpu.vector_load %arg6[%get3A_377, %get3A_378] {strides = array<i32>} : memref<128x64xf32, #tpu.memory_space<vmem>>, vector<16xf32>,
      %mul3A_380 = arith.mulf %get3A_376, %get3A_379 : vector<16xf32>
      %add3A_381 = arith.addf %add3A_373, %mul3A_380 : vector<16xf32>
      %get3A_382 = arith.index_cast %add3A_358 : i32 to index
      %get3A_383 = arith.constant 48 : index
      %get3A_384 = tpu.vector_load %arg5[%get3A_382, %get3A_383] {strides = array<i32>} : memref<128x64xf32, #tpu.memory_space<vmem>>, vector<16xf32>,
      %get3A_385 = arith.index_cast %add3A_358 : i32 to index
      %get3A_386 = arith.constant 48 : index
      %get3A_387 = tpu.vector_load %arg6[%get3A_385, %get3A_386] {strides = array<i32>} : memref<128x64xf32, #tpu.memory_space<vmem>>, vector<16xf32>,
      %mul3A_388 = arith.mulf %get3A_384, %get3A_387 : vector<16xf32>
      %add3A_389 = arith.addf %add3A_381, %mul3A_388 : vector<16xf32>
      %swap3A_390 = arith.index_cast %add3A_358 : i32 to index
      %swap3A_391 = arith.constant 0 : index
      %swap3A_392 = tpu.vector_load %arg9[%swap3A_390, %swap3A_391] {strides = array<i32>} : memref<128x17xf32, #tpu.memory_space<vmem>>, vector<16xf32>,
      tpu.vector_store %arg9[%swap3A_390, %swap3A_391], %add3A_389 {strides = array<i32>} : memref<128x17xf32, #tpu.memory_space<vmem>>, vector<16xf32>,
      %add3A_393 = arith.constant 8 : i32
      %add3A_394 = arith.addi %mul3A_106, %add3A_393 : i32
      %get3A_395 = arith.index_cast %add3A_394 : i32 to index
      %get3A_396 = arith.constant 0 : index
      %get3A_397 = tpu.vector_load %arg5[%get3A_395, %get3A_396] {strides = array<i32>} : memref<128x64xf32, #tpu.memory_space<vmem>>, vector<16xf32>,
      %get3A_398 = arith.index_cast %add3A_394 : i32 to index
      %get3A_399 = arith.constant 0 : index
      %get3A_400 = tpu.vector_load %arg6[%get3A_398, %get3A_399] {strides = array<i32>} : memref<128x64xf32, #tpu.memory_space<vmem>>, vector<16xf32>,
      %mul3A_401 = arith.mulf %get3A_397, %get3A_400 : vector<16xf32>
      %get3A_402 = arith.index_cast %add3A_394 : i32 to index
      %get3A_403 = arith.constant 16 : index
      %get3A_404 = tpu.vector_load %arg5[%get3A_402, %get3A_403] {strides = array<i32>} : memref<128x64xf32, #tpu.memory_space<vmem>>, vector<16xf32>,
      %get3A_405 = arith.index_cast %add3A_394 : i32 to index
      %get3A_406 = arith.constant 16 : index
      %get3A_407 = tpu.vector_load %arg6[%get3A_405, %get3A_406] {strides = array<i32>} : memref<128x64xf32, #tpu.memory_space<vmem>>, vector<16xf32>,
      %mul3A_408 = arith.mulf %get3A_404, %get3A_407 : vector<16xf32>
      %add3A_409 = arith.addf %mul3A_401, %mul3A_408 : vector<16xf32>
      %get3A_410 = arith.index_cast %add3A_394 : i32 to index
      %get3A_411 = arith.constant 32 : index
      %get3A_412 = tpu.vector_load %arg5[%get3A_410, %get3A_411] {strides = array<i32>} : memref<128x64xf32, #tpu.memory_space<vmem>>, vector<16xf32>,
      %get3A_413 = arith.index_cast %add3A_394 : i32 to index
      %get3A_414 = arith.constant 32 : index
      %get3A_415 = tpu.vector_load %arg6[%get3A_413, %get3A_414] {strides = array<i32>} : memref<128x64xf32, #tpu.memory_space<vmem>>, vector<16xf32>,
      %mul3A_416 = arith.mulf %get3A_412, %get3A_415 : vector<16xf32>
      %add3A_417 = arith.addf %add3A_409, %mul3A_416 : vector<16xf32>
      %get3A_418 = arith.index_cast %add3A_394 : i32 to index
      %get3A_419 = arith.constant 48 : index
      %get3A_420 = tpu.vector_load %arg5[%get3A_418, %get3A_419] {strides = array<i32>} : memref<128x64xf32, #tpu.memory_space<vmem>>, vector<16xf32>,
      %get3A_421 = arith.index_cast %add3A_394 : i32 to index
      %get3A_422 = arith.constant 48 : index
      %get3A_423 = tpu.vector_load %arg6[%get3A_421, %get3A_422] {strides = array<i32>} : memref<128x64xf32, #tpu.memory_space<vmem>>, vector<16xf32>,
      %mul3A_424 = arith.mulf %get3A_420, %get3A_423 : vector<16xf32>
      %add3A_425 = arith.addf %add3A_417, %mul3A_424 : vector<16xf32>
      %swap3A_426 = arith.index_cast %add3A_394 : i32 to index
      %swap3A_427 = arith.constant 0 : index
      %swap3A_428 = tpu.vector_load %arg9[%swap3A_426, %swap3A_427] {strides = array<i32>} : memref<128x17xf32, #tpu.memory_space<vmem>>, vector<16xf32>,
      tpu.vector_store %arg9[%swap3A_426, %swap3A_427], %add3A_425 {strides = array<i32>} : memref<128x17xf32, #tpu.memory_space<vmem>>, vector<16xf32>,
      %add3A_429 = arith.constant 9 : i32
      %add3A_430 = arith.addi %mul3A_106, %add3A_429 : i32
      %get3A_431 = arith.index_cast %add3A_430 : i32 to index
      %get3A_432 = arith.constant 0 : index
      %get3A_433 = tpu.vector_load %arg5[%get3A_431, %get3A_432] {strides = array<i32>} : memref<128x64xf32, #tpu.memory_space<vmem>>, vector<16xf32>,
      %get3A_434 = arith.index_cast %add3A_430 : i32 to index
      %get3A_435 = arith.constant 0 : index
      %get3A_436 = tpu.vector_load %arg6[%get3A_434, %get3A_435] {strides = array<i32>} : memref<128x64xf32, #tpu.memory_space<vmem>>, vector<16xf32>,
      %mul3A_437 = arith.mulf %get3A_433, %get3A_436 : vector<16xf32>
      %get3A_438 = arith.index_cast %add3A_430 : i32 to index
      %get3A_439 = arith.constant 16 : index
      %get3A_440 = tpu.vector_load %arg5[%get3A_438, %get3A_439] {strides = array<i32>} : memref<128x64xf32, #tpu.memory_space<vmem>>, vector<16xf32>,
      %get3A_441 = arith.index_cast %add3A_430 : i32 to index
      %get3A_442 = arith.constant 16 : index
      %get3A_443 = tpu.vector_load %arg6[%get3A_441, %get3A_442] {strides = array<i32>} : memref<128x64xf32, #tpu.memory_space<vmem>>, vector<16xf32>,
      %mul3A_444 = arith.mulf %get3A_440, %get3A_443 : vector<16xf32>
      %add3A_445 = arith.addf %mul3A_437, %mul3A_444 : vector<16xf32>
      %get3A_446 = arith.index_cast %add3A_430 : i32 to index
      %get3A_447 = arith.constant 32 : index
      %get3A_448 = tpu.vector_load %arg5[%get3A_446, %get3A_447] {strides = array<i32>} : memref<128x64xf32, #tpu.memory_space<vmem>>, vector<16xf32>,
      %get3A_449 = arith.index_cast %add3A_430 : i32 to index
      %get3A_450 = arith.constant 32 : index
      %get3A_451 = tpu.vector_load %arg6[%get3A_449, %get3A_450] {strides = array<i32>} : memref<128x64xf32, #tpu.memory_space<vmem>>, vector<16xf32>,
      %mul3A_452 = arith.mulf %get3A_448, %get3A_451 : vector<16xf32>
      %add3A_453 = arith.addf %add3A_445, %mul3A_452 : vector<16xf32>
      %get3A_454 = arith.index_cast %add3A_430 : i32 to index
      %get3A_455 = arith.constant 48 : index
      %get3A_456 = tpu.vector_load %arg5[%get3A_454, %get3A_455] {strides = array<i32>} : memref<128x64xf32, #tpu.memory_space<vmem>>, vector<16xf32>,
      %get3A_457 = arith.index_cast %add3A_430 : i32 to index
      %get3A_458 = arith.constant 48 : index
      %get3A_459 = tpu.vector_load %arg6[%get3A_457, %get3A_458] {strides = array<i32>} : memref<128x64xf32, #tpu.memory_space<vmem>>, vector<16xf32>,
      %mul3A_460 = arith.mulf %get3A_456, %get3A_459 : vector<16xf32>
      %add3A_461 = arith.addf %add3A_453, %mul3A_460 : vector<16xf32>
      %swap3A_462 = arith.index_cast %add3A_430 : i32 to index
      %swap3A_463 = arith.constant 0 : index
      %swap3A_464 = tpu.vector_load %arg9[%swap3A_462, %swap3A_463] {strides = array<i32>} : memref<128x17xf32, #tpu.memory_space<vmem>>, vector<16xf32>,
      tpu.vector_store %arg9[%swap3A_462, %swap3A_463], %add3A_461 {strides = array<i32>} : memref<128x17xf32, #tpu.memory_space<vmem>>, vector<16xf32>,
      %add3A_465 = arith.constant 10 : i32
      %add3A_466 = arith.addi %mul3A_106, %add3A_465 : i32
      %get3A_467 = arith.index_cast %add3A_466 : i32 to index
      %get3A_468 = arith.constant 0 : index
      %get3A_469 = tpu.vector_load %arg5[%get3A_467, %get3A_468] {strides = array<i32>} : memref<128x64xf32, #tpu.memory_space<vmem>>, vector<16xf32>,
      %get3A_470 = arith.index_cast %add3A_466 : i32 to index
      %get3A_471 = arith.constant 0 : index
      %get3A_472 = tpu.vector_load %arg6[%get3A_470, %get3A_471] {strides = array<i32>} : memref<128x64xf32, #tpu.memory_space<vmem>>, vector<16xf32>,
      %mul3A_473 = arith.mulf %get3A_469, %get3A_472 : vector<16xf32>
      %get3A_474 = arith.index_cast %add3A_466 : i32 to index
      %get3A_475 = arith.constant 16 : index
      %get3A_476 = tpu.vector_load %arg5[%get3A_474, %get3A_475] {strides = array<i32>} : memref<128x64xf32, #tpu.memory_space<vmem>>, vector<16xf32>,
      %get3A_477 = arith.index_cast %add3A_466 : i32 to index
      %get3A_478 = arith.constant 16 : index
      %get3A_479 = tpu.vector_load %arg6[%get3A_477, %get3A_478] {strides = array<i32>} : memref<128x64xf32, #tpu.memory_space<vmem>>, vector<16xf32>,
      %mul3A_480 = arith.mulf %get3A_476, %get3A_479 : vector<16xf32>
      %add3A_481 = arith.addf %mul3A_473, %mul3A_480 : vector<16xf32>
      %get3A_482 = arith.index_cast %add3A_466 : i32 to index
      %get3A_483 = arith.constant 32 : index
      %get3A_484 = tpu.vector_load %arg5[%get3A_482, %get3A_483] {strides = array<i32>} : memref<128x64xf32, #tpu.memory_space<vmem>>, vector<16xf32>,
      %get3A_485 = arith.index_cast %add3A_466 : i32 to index
      %get3A_486 = arith.constant 32 : index
      %get3A_487 = tpu.vector_load %arg6[%get3A_485, %get3A_486] {strides = array<i32>} : memref<128x64xf32, #tpu.memory_space<vmem>>, vector<16xf32>,
      %mul3A_488 = arith.mulf %get3A_484, %get3A_487 : vector<16xf32>
      %add3A_489 = arith.addf %add3A_481, %mul3A_488 : vector<16xf32>
      %get3A_490 = arith.index_cast %add3A_466 : i32 to index
      %get3A_491 = arith.constant 48 : index
      %get3A_492 = tpu.vector_load %arg5[%get3A_490, %get3A_491] {strides = array<i32>} : memref<128x64xf32, #tpu.memory_space<vmem>>, vector<16xf32>,
      %get3A_493 = arith.index_cast %add3A_466 : i32 to index
      %get3A_494 = arith.constant 48 : index
      %get3A_495 = tpu.vector_load %arg6[%get3A_493, %get3A_494] {strides = array<i32>} : memref<128x64xf32, #tpu.memory_space<vmem>>, vector<16xf32>,
      %mul3A_496 = arith.mulf %get3A_492, %get3A_495 : vector<16xf32>
      %add3A_497 = arith.addf %add3A_489, %mul3A_496 : vector<16xf32>
      %swap3A_498 = arith.index_cast %add3A_466 : i32 to index
      %swap3A_499 = arith.constant 0 : index
      %swap3A_500 = tpu.vector_load %arg9[%swap3A_498, %swap3A_499] {strides = array<i32>} : memref<128x17xf32, #tpu.memory_space<vmem>>, vector<16xf32>,
      tpu.vector_store %arg9[%swap3A_498, %swap3A_499], %add3A_497 {strides = array<i32>} : memref<128x17xf32, #tpu.memory_space<vmem>>, vector<16xf32>,
      %add3A_501 = arith.constant 11 : i32
      %add3A_502 = arith.addi %mul3A_106, %add3A_501 : i32
      %get3A_503 = arith.index_cast %add3A_502 : i32 to index
      %get3A_504 = arith.constant 0 : index
      %get3A_505 = tpu.vector_load %arg5[%get3A_503, %get3A_504] {strides = array<i32>} : memref<128x64xf32, #tpu.memory_space<vmem>>, vector<16xf32>,
      %get3A_506 = arith.index_cast %add3A_502 : i32 to index
      %get3A_507 = arith.constant 0 : index
      %get3A_508 = tpu.vector_load %arg6[%get3A_506, %get3A_507] {strides = array<i32>} : memref<128x64xf32, #tpu.memory_space<vmem>>, vector<16xf32>,
      %mul3A_509 = arith.mulf %get3A_505, %get3A_508 : vector<16xf32>
      %get3A_510 = arith.index_cast %add3A_502 : i32 to index
      %get3A_511 = arith.constant 16 : index
      %get3A_512 = tpu.vector_load %arg5[%get3A_510, %get3A_511] {strides = array<i32>} : memref<128x64xf32, #tpu.memory_space<vmem>>, vector<16xf32>,
      %get3A_513 = arith.index_cast %add3A_502 : i32 to index
      %get3A_514 = arith.constant 16 : index
      %get3A_515 = tpu.vector_load %arg6[%get3A_513, %get3A_514] {strides = array<i32>} : memref<128x64xf32, #tpu.memory_space<vmem>>, vector<16xf32>,
      %mul3A_516 = arith.mulf %get3A_512, %get3A_515 : vector<16xf32>
      %add3A_517 = arith.addf %mul3A_509, %mul3A_516 : vector<16xf32>
      %get3A_518 = arith.index_cast %add3A_502 : i32 to index
      %get3A_519 = arith.constant 32 : index
      %get3A_520 = tpu.vector_load %arg5[%get3A_518, %get3A_519] {strides = array<i32>} : memref<128x64xf32, #tpu.memory_space<vmem>>, vector<16xf32>,
      %get3A_521 = arith.index_cast %add3A_502 : i32 to index
      %get3A_522 = arith.constant 32 : index
      %get3A_523 = tpu.vector_load %arg6[%get3A_521, %get3A_522] {strides = array<i32>} : memref<128x64xf32, #tpu.memory_space<vmem>>, vector<16xf32>,
      %mul3A_524 = arith.mulf %get3A_520, %get3A_523 : vector<16xf32>
      %add3A_525 = arith.addf %add3A_517, %mul3A_524 : vector<16xf32>
      %get3A_526 = arith.index_cast %add3A_502 : i32 to index
      %get3A_527 = arith.constant 48 : index
      %get3A_528 = tpu.vector_load %arg5[%get3A_526, %get3A_527] {strides = array<i32>} : memref<128x64xf32, #tpu.memory_space<vmem>>, vector<16xf32>,
      %get3A_529 = arith.index_cast %add3A_502 : i32 to index
      %get3A_530 = arith.constant 48 : index
      %get3A_531 = tpu.vector_load %arg6[%get3A_529, %get3A_530] {strides = array<i32>} : memref<128x64xf32, #tpu.memory_space<vmem>>, vector<16xf32>,
      %mul3A_532 = arith.mulf %get3A_528, %get3A_531 : vector<16xf32>
      %add3A_533 = arith.addf %add3A_525, %mul3A_532 : vector<16xf32>
      %swap3A_534 = arith.index_cast %add3A_502 : i32 to index
      %swap3A_535 = arith.constant 0 : index
      %swap3A_536 = tpu.vector_load %arg9[%swap3A_534, %swap3A_535] {strides = array<i32>} : memref<128x17xf32, #tpu.memory_space<vmem>>, vector<16xf32>,
      tpu.vector_store %arg9[%swap3A_534, %swap3A_535], %add3A_533 {strides = array<i32>} : memref<128x17xf32, #tpu.memory_space<vmem>>, vector<16xf32>,
      %add3A_537 = arith.constant 12 : i32
      %add3A_538 = arith.addi %mul3A_106, %add3A_537 : i32
      %get3A_539 = arith.index_cast %add3A_538 : i32 to index
      %get3A_540 = arith.constant 0 : index
      %get3A_541 = tpu.vector_load %arg5[%get3A_539, %get3A_540] {strides = array<i32>} : memref<128x64xf32, #tpu.memory_space<vmem>>, vector<16xf32>,
      %get3A_542 = arith.index_cast %add3A_538 : i32 to index
      %get3A_543 = arith.constant 0 : index
      %get3A_544 = tpu.vector_load %arg6[%get3A_542, %get3A_543] {strides = array<i32>} : memref<128x64xf32, #tpu.memory_space<vmem>>, vector<16xf32>,
      %mul3A_545 = arith.mulf %get3A_541, %get3A_544 : vector<16xf32>
      %get3A_546 = arith.index_cast %add3A_538 : i32 to index
      %get3A_547 = arith.constant 16 : index
      %get3A_548 = tpu.vector_load %arg5[%get3A_546, %get3A_547] {strides = array<i32>} : memref<128x64xf32, #tpu.memory_space<vmem>>, vector<16xf32>,
      %get3A_549 = arith.index_cast %add3A_538 : i32 to index
      %get3A_550 = arith.constant 16 : index
      %get3A_551 = tpu.vector_load %arg6[%get3A_549, %get3A_550] {strides = array<i32>} : memref<128x64xf32, #tpu.memory_space<vmem>>, vector<16xf32>,
      %mul3A_552 = arith.mulf %get3A_548, %get3A_551 : vector<16xf32>
      %add3A_553 = arith.addf %mul3A_545, %mul3A_552 : vector<16xf32>
      %get3A_554 = arith.index_cast %add3A_538 : i32 to index
      %get3A_555 = arith.constant 32 : index
      %get3A_556 = tpu.vector_load %arg5[%get3A_554, %get3A_555] {strides = array<i32>} : memref<128x64xf32, #tpu.memory_space<vmem>>, vector<16xf32>,
      %get3A_557 = arith.index_cast %add3A_538 : i32 to index
      %get3A_558 = arith.constant 32 : index
      %get3A_559 = tpu.vector_load %arg6[%get3A_557, %get3A_558] {strides = array<i32>} : memref<128x64xf32, #tpu.memory_space<vmem>>, vector<16xf32>,
      %mul3A_560 = arith.mulf %get3A_556, %get3A_559 : vector<16xf32>
      %add3A_561 = arith.addf %add3A_553, %mul3A_560 : vector<16xf32>
      %get3A_562 = arith.index_cast %add3A_538 : i32 to index
      %get3A_563 = arith.constant 48 : index
      %get3A_564 = tpu.vector_load %arg5[%get3A_562, %get3A_563] {strides = array<i32>} : memref<128x64xf32, #tpu.memory_space<vmem>>, vector<16xf32>,
      %get3A_565 = arith.index_cast %add3A_538 : i32 to index
      %get3A_566 = arith.constant 48 : index
      %get3A_567 = tpu.vector_load %arg6[%get3A_565, %get3A_566] {strides = array<i32>} : memref<128x64xf32, #tpu.memory_space<vmem>>, vector<16xf32>,
      %mul3A_568 = arith.mulf %get3A_564, %get3A_567 : vector<16xf32>
      %add3A_569 = arith.addf %add3A_561, %mul3A_568 : vector<16xf32>
      %swap3A_570 = arith.index_cast %add3A_538 : i32 to index
      %swap3A_571 = arith.constant 0 : index
      %swap3A_572 = tpu.vector_load %arg9[%swap3A_570, %swap3A_571] {strides = array<i32>} : memref<128x17xf32, #tpu.memory_space<vmem>>, vector<16xf32>,
      tpu.vector_store %arg9[%swap3A_570, %swap3A_571], %add3A_569 {strides = array<i32>} : memref<128x17xf32, #tpu.memory_space<vmem>>, vector<16xf32>,
      %add3A_573 = arith.constant 13 : i32
      %add3A_574 = arith.addi %mul3A_106, %add3A_573 : i32
      %get3A_575 = arith.index_cast %add3A_574 : i32 to index
      %get3A_576 = arith.constant 0 : index
      %get3A_577 = tpu.vector_load %arg5[%get3A_575, %get3A_576] {strides = array<i32>} : memref<128x64xf32, #tpu.memory_space<vmem>>, vector<16xf32>,
      %get3A_578 = arith.index_cast %add3A_574 : i32 to index
      %get3A_579 = arith.constant 0 : index
      %get3A_580 = tpu.vector_load %arg6[%get3A_578, %get3A_579] {strides = array<i32>} : memref<128x64xf32, #tpu.memory_space<vmem>>, vector<16xf32>,
      %mul3A_581 = arith.mulf %get3A_577, %get3A_580 : vector<16xf32>
      %get3A_582 = arith.index_cast %add3A_574 : i32 to index
      %get3A_583 = arith.constant 16 : index
      %get3A_584 = tpu.vector_load %arg5[%get3A_582, %get3A_583] {strides = array<i32>} : memref<128x64xf32, #tpu.memory_space<vmem>>, vector<16xf32>,
      %get3A_585 = arith.index_cast %add3A_574 : i32 to index
      %get3A_586 = arith.constant 16 : index
      %get3A_587 = tpu.vector_load %arg6[%get3A_585, %get3A_586] {strides = array<i32>} : memref<128x64xf32, #tpu.memory_space<vmem>>, vector<16xf32>,
      %mul3A_588 = arith.mulf %get3A_584, %get3A_587 : vector<16xf32>
      %add3A_589 = arith.addf %mul3A_581, %mul3A_588 : vector<16xf32>
      %get3A_590 = arith.index_cast %add3A_574 : i32 to index
      %get3A_591 = arith.constant 32 : index
      %get3A_592 = tpu.vector_load %arg5[%get3A_590, %get3A_591] {strides = array<i32>} : memref<128x64xf32, #tpu.memory_space<vmem>>, vector<16xf32>,
      %get3A_593 = arith.index_cast %add3A_574 : i32 to index
      %get3A_594 = arith.constant 32 : index
      %get3A_595 = tpu.vector_load %arg6[%get3A_593, %get3A_594] {strides = array<i32>} : memref<128x64xf32, #tpu.memory_space<vmem>>, vector<16xf32>,
      %mul3A_596 = arith.mulf %get3A_592, %get3A_595 : vector<16xf32>
      %add3A_597 = arith.addf %add3A_589, %mul3A_596 : vector<16xf32>
      %get3A_598 = arith.index_cast %add3A_574 : i32 to index
      %get3A_599 = arith.constant 48 : index
      %get3A_600 = tpu.vector_load %arg5[%get3A_598, %get3A_599] {strides = array<i32>} : memref<128x64xf32, #tpu.memory_space<vmem>>, vector<16xf32>,
      %get3A_601 = arith.index_cast %add3A_574 : i32 to index
      %get3A_602 = arith.constant 48 : index
      %get3A_603 = tpu.vector_load %arg6[%get3A_601, %get3A_602] {strides = array<i32>} : memref<128x64xf32, #tpu.memory_space<vmem>>, vector<16xf32>,
      %mul3A_604 = arith.mulf %get3A_600, %get3A_603 : vector<16xf32>
      %add3A_605 = arith.addf %add3A_597, %mul3A_604 : vector<16xf32>
      %swap3A_606 = arith.index_cast %add3A_574 : i32 to index
      %swap3A_607 = arith.constant 0 : index
      %swap3A_608 = tpu.vector_load %arg9[%swap3A_606, %swap3A_607] {strides = array<i32>} : memref<128x17xf32, #tpu.memory_space<vmem>>, vector<16xf32>,
      tpu.vector_store %arg9[%swap3A_606, %swap3A_607], %add3A_605 {strides = array<i32>} : memref<128x17xf32, #tpu.memory_space<vmem>>, vector<16xf32>,
      %add3A_609 = arith.constant 14 : i32
      %add3A_610 = arith.addi %mul3A_106, %add3A_609 : i32
      %get3A_611 = arith.index_cast %add3A_610 : i32 to index
      %get3A_612 = arith.constant 0 : index
      %get3A_613 = tpu.vector_load %arg5[%get3A_611, %get3A_612] {strides = array<i32>} : memref<128x64xf32, #tpu.memory_space<vmem>>, vector<16xf32>,
      %get3A_614 = arith.index_cast %add3A_610 : i32 to index
      %get3A_615 = arith.constant 0 : index
      %get3A_616 = tpu.vector_load %arg6[%get3A_614, %get3A_615] {strides = array<i32>} : memref<128x64xf32, #tpu.memory_space<vmem>>, vector<16xf32>,
      %mul3A_617 = arith.mulf %get3A_613, %get3A_616 : vector<16xf32>
      %get3A_618 = arith.index_cast %add3A_610 : i32 to index
      %get3A_619 = arith.constant 16 : index
      %get3A_620 = tpu.vector_load %arg5[%get3A_618, %get3A_619] {strides = array<i32>} : memref<128x64xf32, #tpu.memory_space<vmem>>, vector<16xf32>,
      %get3A_621 = arith.index_cast %add3A_610 : i32 to index
      %get3A_622 = arith.constant 16 : index
      %get3A_623 = tpu.vector_load %arg6[%get3A_621, %get3A_622] {strides = array<i32>} : memref<128x64xf32, #tpu.memory_space<vmem>>, vector<16xf32>,
      %mul3A_624 = arith.mulf %get3A_620, %get3A_623 : vector<16xf32>
      %add3A_625 = arith.addf %mul3A_617, %mul3A_624 : vector<16xf32>
      %get3A_626 = arith.index_cast %add3A_610 : i32 to index
      %get3A_627 = arith.constant 32 : index
      %get3A_628 = tpu.vector_load %arg5[%get3A_626, %get3A_627] {strides = array<i32>} : memref<128x64xf32, #tpu.memory_space<vmem>>, vector<16xf32>,
      %get3A_629 = arith.index_cast %add3A_610 : i32 to index
      %get3A_630 = arith.constant 32 : index
      %get3A_631 = tpu.vector_load %arg6[%get3A_629, %get3A_630] {strides = array<i32>} : memref<128x64xf32, #tpu.memory_space<vmem>>, vector<16xf32>,
      %mul3A_632 = arith.mulf %get3A_628, %get3A_631 : vector<16xf32>
      %add3A_633 = arith.addf %add3A_625, %mul3A_632 : vector<16xf32>
      %get3A_634 = arith.index_cast %add3A_610 : i32 to index
      %get3A_635 = arith.constant 48 : index
      %get3A_636 = tpu.vector_load %arg5[%get3A_634, %get3A_635] {strides = array<i32>} : memref<128x64xf32, #tpu.memory_space<vmem>>, vector<16xf32>,
      %get3A_637 = arith.index_cast %add3A_610 : i32 to index
      %get3A_638 = arith.constant 48 : index
      %get3A_639 = tpu.vector_load %arg6[%get3A_637, %get3A_638] {strides = array<i32>} : memref<128x64xf32, #tpu.memory_space<vmem>>, vector<16xf32>,
      %mul3A_640 = arith.mulf %get3A_636, %get3A_639 : vector<16xf32>
      %add3A_641 = arith.addf %add3A_633, %mul3A_640 : vector<16xf32>
      %swap3A_642 = arith.index_cast %add3A_610 : i32 to index
      %swap3A_643 = arith.constant 0 : index
      %swap3A_644 = tpu.vector_load %arg9[%swap3A_642, %swap3A_643] {strides = array<i32>} : memref<128x17xf32, #tpu.memory_space<vmem>>, vector<16xf32>,
      tpu.vector_store %arg9[%swap3A_642, %swap3A_643], %add3A_641 {strides = array<i32>} : memref<128x17xf32, #tpu.memory_space<vmem>>, vector<16xf32>,
      %add3A_645 = arith.constant 15 : i32
      %add3A_646 = arith.addi %mul3A_106, %add3A_645 : i32
      %get3A_647 = arith.index_cast %add3A_646 : i32 to index
      %get3A_648 = arith.constant 0 : index
      %get3A_649 = tpu.vector_load %arg5[%get3A_647, %get3A_648] {strides = array<i32>} : memref<128x64xf32, #tpu.memory_space<vmem>>, vector<16xf32>,
      %get3A_650 = arith.index_cast %add3A_646 : i32 to index
      %get3A_651 = arith.constant 0 : index
      %get3A_652 = tpu.vector_load %arg6[%get3A_650, %get3A_651] {strides = array<i32>} : memref<128x64xf32, #tpu.memory_space<vmem>>, vector<16xf32>,
      %mul3A_653 = arith.mulf %get3A_649, %get3A_652 : vector<16xf32>
      %get3A_654 = arith.index_cast %add3A_646 : i32 to index
      %get3A_655 = arith.constant 16 : index
      %get3A_656 = tpu.vector_load %arg5[%get3A_654, %get3A_655] {strides = array<i32>} : memref<128x64xf32, #tpu.memory_space<vmem>>, vector<16xf32>,
      %get3A_657 = arith.index_cast %add3A_646 : i32 to index
      %get3A_658 = arith.constant 16 : index
      %get3A_659 = tpu.vector_load %arg6[%get3A_657, %get3A_658] {strides = array<i32>} : memref<128x64xf32, #tpu.memory_space<vmem>>, vector<16xf32>,
      %mul3A_660 = arith.mulf %get3A_656, %get3A_659 : vector<16xf32>
      %add3A_661 = arith.addf %mul3A_653, %mul3A_660 : vector<16xf32>
      %get3A_662 = arith.index_cast %add3A_646 : i32 to index
      %get3A_663 = arith.constant 32 : index
      %get3A_664 = tpu.vector_load %arg5[%get3A_662, %get3A_663] {strides = array<i32>} : memref<128x64xf32, #tpu.memory_space<vmem>>, vector<16xf32>,
      %get3A_665 = arith.index_cast %add3A_646 : i32 to index
      %get3A_666 = arith.constant 32 : index
      %get3A_667 = tpu.vector_load %arg6[%get3A_665, %get3A_666] {strides = array<i32>} : memref<128x64xf32, #tpu.memory_space<vmem>>, vector<16xf32>,
      %mul3A_668 = arith.mulf %get3A_664, %get3A_667 : vector<16xf32>
      %add3A_669 = arith.addf %add3A_661, %mul3A_668 : vector<16xf32>
      %get3A_670 = arith.index_cast %add3A_646 : i32 to index
      %get3A_671 = arith.constant 48 : index
      %get3A_672 = tpu.vector_load %arg5[%get3A_670, %get3A_671] {strides = array<i32>} : memref<128x64xf32, #tpu.memory_space<vmem>>, vector<16xf32>,
      %get3A_673 = arith.index_cast %add3A_646 : i32 to index
      %get3A_674 = arith.constant 48 : index
      %get3A_675 = tpu.vector_load %arg6[%get3A_673, %get3A_674] {strides = array<i32>} : memref<128x64xf32, #tpu.memory_space<vmem>>, vector<16xf32>,
      %mul3A_676 = arith.mulf %get3A_672, %get3A_675 : vector<16xf32>
      %add3A_677 = arith.addf %add3A_669, %mul3A_676 : vector<16xf32>
      %swap3A_678 = arith.index_cast %add3A_646 : i32 to index
      %swap3A_679 = arith.constant 0 : index
      %swap3A_680 = tpu.vector_load %arg9[%swap3A_678, %swap3A_679] {strides = array<i32>} : memref<128x17xf32, #tpu.memory_space<vmem>>, vector<16xf32>,
      tpu.vector_store %arg9[%swap3A_678, %swap3A_679], %add3A_677 {strides = array<i32>} : memref<128x17xf32, #tpu.memory_space<vmem>>, vector<16xf32>,
      %add3A_681 = vector.broadcast %mul3A_106 : i32 to vector<16xi32>
      %add3A_682 = arith.addi %add3A_681, %iota3A : vector<16xi32>
      %broadcast_in_dim3A = arith.constant 0 : i32
      %broadcast_in_dim3A_683 = vector.broadcast %broadcast_in_dim3A : i32 to vector<16xi32>
      %gather3A = tpu.vector_load_idx %arg9[%add3A_682, %broadcast_in_dim3A_683] : memref<128x17xf32, #tpu.memory_space<vmem>>[vector<16xi32>, vector<16xi32>], vector<16xf32>,
      %broadcast_in_dim3A_684 = arith.constant 1 : i32
      %broadcast_in_dim3A_685 = vector.broadcast %broadcast_in_dim3A_684 : i32 to vector<16xi32>
      %gather3A_686 = tpu.vector_load_idx %arg9[%add3A_682, %broadcast_in_dim3A_685] : memref<128x17xf32, #tpu.memory_space<vmem>>[vector<16xi32>, vector<16xi32>], vector<16xf32>,
      %broadcast_in_dim3A_687 = arith.constant 2 : i32
      %broadcast_in_dim3A_688 = vector.broadcast %broadcast_in_dim3A_687 : i32 to vector<16xi32>
      %gather3A_689 = tpu.vector_load_idx %arg9[%add3A_682, %broadcast_in_dim3A_688] : memref<128x17xf32, #tpu.memory_space<vmem>>[vector<16xi32>, vector<16xi32>], vector<16xf32>,
      %broadcast_in_dim3A_690 = arith.constant 3 : i32
      %broadcast_in_dim3A_691 = vector.broadcast %broadcast_in_dim3A_690 : i32 to vector<16xi32>
      %gather3A_692 = tpu.vector_load_idx %arg9[%add3A_682, %broadcast_in_dim3A_691] : memref<128x17xf32, #tpu.memory_space<vmem>>[vector<16xi32>, vector<16xi32>], vector<16xf32>,
      %broadcast_in_dim3A_693 = arith.constant 4 : i32
      %broadcast_in_dim3A_694 = vector.broadcast %broadcast_in_dim3A_693 : i32 to vector<16xi32>
      %gather3A_695 = tpu.vector_load_idx %arg9[%add3A_682, %broadcast_in_dim3A_694] : memref<128x17xf32, #tpu.memory_space<vmem>>[vector<16xi32>, vector<16xi32>], vector<16xf32>,
      %broadcast_in_dim3A_696 = arith.constant 5 : i32
      %broadcast_in_dim3A_697 = vector.broadcast %broadcast_in_dim3A_696 : i32 to vector<16xi32>
      %gather3A_698 = tpu.vector_load_idx %arg9[%add3A_682, %broadcast_in_dim3A_697] : memref<128x17xf32, #tpu.memory_space<vmem>>[vector<16xi32>, vector<16xi32>], vector<16xf32>,
      %broadcast_in_dim3A_699 = arith.constant 6 : i32
      %broadcast_in_dim3A_700 = vector.broadcast %broadcast_in_dim3A_699 : i32 to vector<16xi32>
      %gather3A_701 = tpu.vector_load_idx %arg9[%add3A_682, %broadcast_in_dim3A_700] : memref<128x17xf32, #tpu.memory_space<vmem>>[vector<16xi32>, vector<16xi32>], vector<16xf32>,
      %broadcast_in_dim3A_702 = arith.constant 7 : i32
      %broadcast_in_dim3A_703 = vector.broadcast %broadcast_in_dim3A_702 : i32 to vector<16xi32>
      %gather3A_704 = tpu.vector_load_idx %arg9[%add3A_682, %broadcast_in_dim3A_703] : memref<128x17xf32, #tpu.memory_space<vmem>>[vector<16xi32>, vector<16xi32>], vector<16xf32>,
      %broadcast_in_dim3A_705 = arith.constant 8 : i32
      %broadcast_in_dim3A_706 = vector.broadcast %broadcast_in_dim3A_705 : i32 to vector<16xi32>
      %gather3A_707 = tpu.vector_load_idx %arg9[%add3A_682, %broadcast_in_dim3A_706] : memref<128x17xf32, #tpu.memory_space<vmem>>[vector<16xi32>, vector<16xi32>], vector<16xf32>,
      %broadcast_in_dim3A_708 = arith.constant 9 : i32
      %broadcast_in_dim3A_709 = vector.broadcast %broadcast_in_dim3A_708 : i32 to vector<16xi32>
      %gather3A_710 = tpu.vector_load_idx %arg9[%add3A_682, %broadcast_in_dim3A_709] : memref<128x17xf32, #tpu.memory_space<vmem>>[vector<16xi32>, vector<16xi32>], vector<16xf32>,
      %broadcast_in_dim3A_711 = arith.constant 10 : i32
      %broadcast_in_dim3A_712 = vector.broadcast %broadcast_in_dim3A_711 : i32 to vector<16xi32>
      %gather3A_713 = tpu.vector_load_idx %arg9[%add3A_682, %broadcast_in_dim3A_712] : memref<128x17xf32, #tpu.memory_space<vmem>>[vector<16xi32>, vector<16xi32>], vector<16xf32>,
      %broadcast_in_dim3A_714 = arith.constant 11 : i32
      %broadcast_in_dim3A_715 = vector.broadcast %broadcast_in_dim3A_714 : i32 to vector<16xi32>
      %gather3A_716 = tpu.vector_load_idx %arg9[%add3A_682, %broadcast_in_dim3A_715] : memref<128x17xf32, #tpu.memory_space<vmem>>[vector<16xi32>, vector<16xi32>], vector<16xf32>,
      %broadcast_in_dim3A_717 = arith.constant 12 : i32
      %broadcast_in_dim3A_718 = vector.broadcast %broadcast_in_dim3A_717 : i32 to vector<16xi32>
      %gather3A_719 = tpu.vector_load_idx %arg9[%add3A_682, %broadcast_in_dim3A_718] : memref<128x17xf32, #tpu.memory_space<vmem>>[vector<16xi32>, vector<16xi32>], vector<16xf32>,
      %broadcast_in_dim3A_720 = arith.constant 13 : i32
      %broadcast_in_dim3A_721 = vector.broadcast %broadcast_in_dim3A_720 : i32 to vector<16xi32>
      %gather3A_722 = tpu.vector_load_idx %arg9[%add3A_682, %broadcast_in_dim3A_721] : memref<128x17xf32, #tpu.memory_space<vmem>>[vector<16xi32>, vector<16xi32>], vector<16xf32>,
      %broadcast_in_dim3A_723 = arith.constant 14 : i32
      %broadcast_in_dim3A_724 = vector.broadcast %broadcast_in_dim3A_723 : i32 to vector<16xi32>
      %gather3A_725 = tpu.vector_load_idx %arg9[%add3A_682, %broadcast_in_dim3A_724] : memref<128x17xf32, #tpu.memory_space<vmem>>[vector<16xi32>, vector<16xi32>], vector<16xf32>,
      %broadcast_in_dim3A_726 = arith.constant 15 : i32
      %broadcast_in_dim3A_727 = vector.broadcast %broadcast_in_dim3A_726 : i32 to vector<16xi32>
      %gather3A_728 = tpu.vector_load_idx %arg9[%add3A_682, %broadcast_in_dim3A_727] : memref<128x17xf32, #tpu.memory_space<vmem>>[vector<16xi32>, vector<16xi32>], vector<16xf32>,
      %add3A_729 = arith.addf %gather3A, %gather3A_686 : vector<16xf32>
      %add3A_730 = arith.addf %gather3A_689, %gather3A_692 : vector<16xf32>
      %add3A_731 = arith.addf %gather3A_695, %gather3A_698 : vector<16xf32>
      %add3A_732 = arith.addf %gather3A_701, %gather3A_704 : vector<16xf32>
      %add3A_733 = arith.addf %gather3A_707, %gather3A_710 : vector<16xf32>
      %add3A_734 = arith.addf %gather3A_713, %gather3A_716 : vector<16xf32>
      %add3A_735 = arith.addf %gather3A_719, %gather3A_722 : vector<16xf32>
      %add3A_736 = arith.addf %gather3A_725, %gather3A_728 : vector<16xf32>
      %add3A_737 = arith.addf %add3A_729, %add3A_730 : vector<16xf32>
      %add3A_738 = arith.addf %add3A_731, %add3A_732 : vector<16xf32>
      %add3A_739 = arith.addf %add3A_733, %add3A_734 : vector<16xf32>
      %add3A_740 = arith.addf %add3A_735, %add3A_736 : vector<16xf32>
      %add3A_741 = arith.addf %add3A_737, %add3A_738 : vector<16xf32>
      %add3A_742 = arith.addf %add3A_739, %add3A_740 : vector<16xf32>
      %add3A_743 = arith.addf %add3A_741, %add3A_742 : vector<16xf32>
      %mul3A_744 = arith.constant 16 : i32
      %mul3A_745 = arith.muli %scan3A_104, %mul3A_744 : i32
      %add3A_746 = arith.constant 0 : i32
      %add3A_747 = arith.addi %add3A_746, %mul3A_745 : i32
      %swap3A_748 = arith.index_cast %add3A_747 : i32 to index
      %swap3A_749 = tpu.vector_load %arg10[%swap3A_748] {strides = array<i32>} : memref<512xf32, #tpu.memory_space<vmem>>, vector<16xf32>,
      tpu.vector_store %arg10[%swap3A_748], %add3A_743 {strides = array<i32>} : memref<512xf32, #tpu.memory_space<vmem>>, vector<16xf32>,
    }
    %scan3A_37 = arith.constant 8 : i32
    %add3A_38 = arith.constant 256 : i32
    %add3A_39 = arith.addi %mul3A_2, %add3A_38 : i32
    %dma_start3A_40 = arith.constant 0 : i32
    %dma_start3A_41 = tpu.memref_slice %arg2[%add3A_39, %dma_start3A_40] : memref<16384x64xf32, #tpu.memory_space<hbm>> -> memref<128x64xf32, #tpu.memory_space<hbm>>
    %dma_start3A_42 = arith.constant 0 : i32
    %dma_start3A_43 = tpu.memref_slice %arg2[%add3A_39, %dma_start3A_42] : memref<16384x64xf32, #tpu.memory_space<hbm>> -> memref<128x64xf32, #tpu.memory_space<hbm>>
    tpu.enqueue_dma source(%dma_start3A_43 : memref<128x64xf32, #tpu.memory_space<hbm>>) target(%arg5 : memref<128x64xf32, #tpu.memory_space<vmem>>) target_semaphore(%arg11 : memref<!tpu.dma_semaphore, #tpu.memory_space<semaphore_mem>>)
    %add3A_44 = arith.constant 256 : i32
    %add3A_45 = arith.addi %mul3A_2, %add3A_44 : i32
    %dma_start3A_46 = arith.constant 0 : i32
    %dma_start3A_47 = tpu.memref_slice %arg3[%add3A_45, %dma_start3A_46] : memref<16384x64xf32, #tpu.memory_space<hbm>> -> memref<128x64xf32, #tpu.memory_space<hbm>>
    %dma_start3A_48 = arith.constant 0 : i32
    %dma_start3A_49 = tpu.memref_slice %arg3[%add3A_45, %dma_start3A_48] : memref<16384x64xf32, #tpu.memory_space<hbm>> -> memref<128x64xf32, #tpu.memory_space<hbm>>
    tpu.enqueue_dma source(%dma_start3A_49 : memref<128x64xf32, #tpu.memory_space<hbm>>) target(%arg6 : memref<128x64xf32, #tpu.memory_space<vmem>>) target_semaphore(%arg11 : memref<!tpu.dma_semaphore, #tpu.memory_space<semaphore_mem>>)
    %dma_wait3A_50 = arith.constant 0 : i32
    %dma_wait3A_51 = tpu.memref_slice %arg2[%add3A_15, %dma_wait3A_50] : memref<16384x64xf32, #tpu.memory_space<hbm>> -> memref<128x64xf32, #tpu.memory_space<hbm>>
    %dma_wait3A_52 = arith.constant 0 : i32
    %dma_wait3A_53 = tpu.memref_slice %arg2[%add3A_15, %dma_wait3A_52] : memref<16384x64xf32, #tpu.memory_space<hbm>> -> memref<128x64xf32, #tpu.memory_space<hbm>>
    tpu.wait_dma2 semaphore(%arg12 : memref<!tpu.dma_semaphore, #tpu.memory_space<semaphore_mem>>) src(%dma_wait3A_53 : memref<128x64xf32, #tpu.memory_space<hbm>>) dst(%arg7 : memref<128x64xf32, #tpu.memory_space<vmem>>)
    %dma_wait3A_54 = arith.constant 0 : i32
    %dma_wait3A_55 = tpu.memref_slice %arg3[%add3A_21, %dma_wait3A_54] : memref<16384x64xf32, #tpu.memory_space<hbm>> -> memref<128x64xf32, #tpu.memory_space<hbm>>
    %dma_wait3A_56 = arith.constant 0 : i32
    %dma_wait3A_57 = tpu.memref_slice %arg3[%add3A_21, %dma_wait3A_56] : memref<16384x64xf32, #tpu.memory_space<hbm>> -> memref<128x64xf32, #tpu.memory_space<hbm>>
    tpu.wait_dma2 semaphore(%arg12 : memref<!tpu.dma_semaphore, #tpu.memory_space<semaphore_mem>>) src(%dma_wait3A_57 : memref<128x64xf32, #tpu.memory_space<hbm>>) dst(%arg8 : memref<128x64xf32, #tpu.memory_space<vmem>>)
    %scan3A_58 = arith.constant 0 : i32
    %scan3A_59 = arith.constant 0 : i32
    %scan3A_60 = arith.constant 8 : i32
    %scan3A_61 = arith.addi %scan3A_59, %scan3A_60 : i32
    %scan3A_62 = arith.constant 1 : i32
    scf.for %scan3A_104 = %scan3A_59 to %scan3A_61 step %scan3A_62  : i32 {
      %mul3A_105 = arith.constant 16 : i32
      %mul3A_106 = arith.muli %scan3A_104, %mul3A_105 : i32
      %add3A_107 = arith.constant 0 : i32
      %add3A_108 = arith.addi %mul3A_106, %add3A_107 : i32
      %get3A = arith.index_cast %add3A_108 : i32 to index
      %get3A_109 = arith.constant 0 : index
      %get3A_110 = tpu.vector_load %arg7[%get3A, %get3A_109] {strides = array<i32>} : memref<128x64xf32, #tpu.memory_space<vmem>>, vector<16xf32>,
      %get3A_111 = arith.index_cast %add3A_108 : i32 to index
      %get3A_112 = arith.constant 0 : index
      %get3A_113 = tpu.vector_load %arg8[%get3A_111, %get3A_112] {strides = array<i32>} : memref<128x64xf32, #tpu.memory_space<vmem>>, vector<16xf32>,
      %mul3A_114 = arith.mulf %get3A_110, %get3A_113 : vector<16xf32>
      %get3A_115 = arith.index_cast %add3A_108 : i32 to index
      %get3A_116 = arith.constant 16 : index
      %get3A_117 = tpu.vector_load %arg7[%get3A_115, %get3A_116] {strides = array<i32>} : memref<128x64xf32, #tpu.memory_space<vmem>>, vector<16xf32>,
      %get3A_118 = arith.index_cast %add3A_108 : i32 to index
      %get3A_119 = arith.constant 16 : index
      %get3A_120 = tpu.vector_load %arg8[%get3A_118, %get3A_119] {strides = array<i32>} : memref<128x64xf32, #tpu.memory_space<vmem>>, vector<16xf32>,
      %mul3A_121 = arith.mulf %get3A_117, %get3A_120 : vector<16xf32>
      %add3A_122 = arith.addf %mul3A_114, %mul3A_121 : vector<16xf32>
      %get3A_123 = arith.index_cast %add3A_108 : i32 to index
      %get3A_124 = arith.constant 32 : index
      %get3A_125 = tpu.vector_load %arg7[%get3A_123, %get3A_124] {strides = array<i32>} : memref<128x64xf32, #tpu.memory_space<vmem>>, vector<16xf32>,
      %get3A_126 = arith.index_cast %add3A_108 : i32 to index
      %get3A_127 = arith.constant 32 : index
      %get3A_128 = tpu.vector_load %arg8[%get3A_126, %get3A_127] {strides = array<i32>} : memref<128x64xf32, #tpu.memory_space<vmem>>, vector<16xf32>,
      %mul3A_129 = arith.mulf %get3A_125, %get3A_128 : vector<16xf32>
      %add3A_130 = arith.addf %add3A_122, %mul3A_129 : vector<16xf32>
      %get3A_131 = arith.index_cast %add3A_108 : i32 to index
      %get3A_132 = arith.constant 48 : index
      %get3A_133 = tpu.vector_load %arg7[%get3A_131, %get3A_132] {strides = array<i32>} : memref<128x64xf32, #tpu.memory_space<vmem>>, vector<16xf32>,
      %get3A_134 = arith.index_cast %add3A_108 : i32 to index
      %get3A_135 = arith.constant 48 : index
      %get3A_136 = tpu.vector_load %arg8[%get3A_134, %get3A_135] {strides = array<i32>} : memref<128x64xf32, #tpu.memory_space<vmem>>, vector<16xf32>,
      %mul3A_137 = arith.mulf %get3A_133, %get3A_136 : vector<16xf32>
      %add3A_138 = arith.addf %add3A_130, %mul3A_137 : vector<16xf32>
      %swap3A = arith.index_cast %add3A_108 : i32 to index
      %swap3A_139 = arith.constant 0 : index
      %swap3A_140 = tpu.vector_load %arg9[%swap3A, %swap3A_139] {strides = array<i32>} : memref<128x17xf32, #tpu.memory_space<vmem>>, vector<16xf32>,
      tpu.vector_store %arg9[%swap3A, %swap3A_139], %add3A_138 {strides = array<i32>} : memref<128x17xf32, #tpu.memory_space<vmem>>, vector<16xf32>,
      %add3A_141 = arith.constant 1 : i32
      %add3A_142 = arith.addi %mul3A_106, %add3A_141 : i32
      %get3A_143 = arith.index_cast %add3A_142 : i32 to index
      %get3A_144 = arith.constant 0 : index
      %get3A_145 = tpu.vector_load %arg7[%get3A_143, %get3A_144] {strides = array<i32>} : memref<128x64xf32, #tpu.memory_space<vmem>>, vector<16xf32>,
      %get3A_146 = arith.index_cast %add3A_142 : i32 to index
      %get3A_147 = arith.constant 0 : index
      %get3A_148 = tpu.vector_load %arg8[%get3A_146, %get3A_147] {strides = array<i32>} : memref<128x64xf32, #tpu.memory_space<vmem>>, vector<16xf32>,
      %mul3A_149 = arith.mulf %get3A_145, %get3A_148 : vector<16xf32>
      %get3A_150 = arith.index_cast %add3A_142 : i32 to index
      %get3A_151 = arith.constant 16 : index
      %get3A_152 = tpu.vector_load %arg7[%get3A_150, %get3A_151] {strides = array<i32>} : memref<128x64xf32, #tpu.memory_space<vmem>>, vector<16xf32>,
      %get3A_153 = arith.index_cast %add3A_142 : i32 to index
      %get3A_154 = arith.constant 16 : index
      %get3A_155 = tpu.vector_load %arg8[%get3A_153, %get3A_154] {strides = array<i32>} : memref<128x64xf32, #tpu.memory_space<vmem>>, vector<16xf32>,
      %mul3A_156 = arith.mulf %get3A_152, %get3A_155 : vector<16xf32>
      %add3A_157 = arith.addf %mul3A_149, %mul3A_156 : vector<16xf32>
      %get3A_158 = arith.index_cast %add3A_142 : i32 to index
      %get3A_159 = arith.constant 32 : index
      %get3A_160 = tpu.vector_load %arg7[%get3A_158, %get3A_159] {strides = array<i32>} : memref<128x64xf32, #tpu.memory_space<vmem>>, vector<16xf32>,
      %get3A_161 = arith.index_cast %add3A_142 : i32 to index
      %get3A_162 = arith.constant 32 : index
      %get3A_163 = tpu.vector_load %arg8[%get3A_161, %get3A_162] {strides = array<i32>} : memref<128x64xf32, #tpu.memory_space<vmem>>, vector<16xf32>,
      %mul3A_164 = arith.mulf %get3A_160, %get3A_163 : vector<16xf32>
      %add3A_165 = arith.addf %add3A_157, %mul3A_164 : vector<16xf32>
      %get3A_166 = arith.index_cast %add3A_142 : i32 to index
      %get3A_167 = arith.constant 48 : index
      %get3A_168 = tpu.vector_load %arg7[%get3A_166, %get3A_167] {strides = array<i32>} : memref<128x64xf32, #tpu.memory_space<vmem>>, vector<16xf32>,
      %get3A_169 = arith.index_cast %add3A_142 : i32 to index
      %get3A_170 = arith.constant 48 : index
      %get3A_171 = tpu.vector_load %arg8[%get3A_169, %get3A_170] {strides = array<i32>} : memref<128x64xf32, #tpu.memory_space<vmem>>, vector<16xf32>,
      %mul3A_172 = arith.mulf %get3A_168, %get3A_171 : vector<16xf32>
      %add3A_173 = arith.addf %add3A_165, %mul3A_172 : vector<16xf32>
      %swap3A_174 = arith.index_cast %add3A_142 : i32 to index
      %swap3A_175 = arith.constant 0 : index
      %swap3A_176 = tpu.vector_load %arg9[%swap3A_174, %swap3A_175] {strides = array<i32>} : memref<128x17xf32, #tpu.memory_space<vmem>>, vector<16xf32>,
      tpu.vector_store %arg9[%swap3A_174, %swap3A_175], %add3A_173 {strides = array<i32>} : memref<128x17xf32, #tpu.memory_space<vmem>>, vector<16xf32>,
      %add3A_177 = arith.constant 2 : i32
      %add3A_178 = arith.addi %mul3A_106, %add3A_177 : i32
      %get3A_179 = arith.index_cast %add3A_178 : i32 to index
      %get3A_180 = arith.constant 0 : index
      %get3A_181 = tpu.vector_load %arg7[%get3A_179, %get3A_180] {strides = array<i32>} : memref<128x64xf32, #tpu.memory_space<vmem>>, vector<16xf32>,
      %get3A_182 = arith.index_cast %add3A_178 : i32 to index
      %get3A_183 = arith.constant 0 : index
      %get3A_184 = tpu.vector_load %arg8[%get3A_182, %get3A_183] {strides = array<i32>} : memref<128x64xf32, #tpu.memory_space<vmem>>, vector<16xf32>,
      %mul3A_185 = arith.mulf %get3A_181, %get3A_184 : vector<16xf32>
      %get3A_186 = arith.index_cast %add3A_178 : i32 to index
      %get3A_187 = arith.constant 16 : index
      %get3A_188 = tpu.vector_load %arg7[%get3A_186, %get3A_187] {strides = array<i32>} : memref<128x64xf32, #tpu.memory_space<vmem>>, vector<16xf32>,
      %get3A_189 = arith.index_cast %add3A_178 : i32 to index
      %get3A_190 = arith.constant 16 : index
      %get3A_191 = tpu.vector_load %arg8[%get3A_189, %get3A_190] {strides = array<i32>} : memref<128x64xf32, #tpu.memory_space<vmem>>, vector<16xf32>,
      %mul3A_192 = arith.mulf %get3A_188, %get3A_191 : vector<16xf32>
      %add3A_193 = arith.addf %mul3A_185, %mul3A_192 : vector<16xf32>
      %get3A_194 = arith.index_cast %add3A_178 : i32 to index
      %get3A_195 = arith.constant 32 : index
      %get3A_196 = tpu.vector_load %arg7[%get3A_194, %get3A_195] {strides = array<i32>} : memref<128x64xf32, #tpu.memory_space<vmem>>, vector<16xf32>,
      %get3A_197 = arith.index_cast %add3A_178 : i32 to index
      %get3A_198 = arith.constant 32 : index
      %get3A_199 = tpu.vector_load %arg8[%get3A_197, %get3A_198] {strides = array<i32>} : memref<128x64xf32, #tpu.memory_space<vmem>>, vector<16xf32>,
      %mul3A_200 = arith.mulf %get3A_196, %get3A_199 : vector<16xf32>
      %add3A_201 = arith.addf %add3A_193, %mul3A_200 : vector<16xf32>
      %get3A_202 = arith.index_cast %add3A_178 : i32 to index
      %get3A_203 = arith.constant 48 : index
      %get3A_204 = tpu.vector_load %arg7[%get3A_202, %get3A_203] {strides = array<i32>} : memref<128x64xf32, #tpu.memory_space<vmem>>, vector<16xf32>,
      %get3A_205 = arith.index_cast %add3A_178 : i32 to index
      %get3A_206 = arith.constant 48 : index
      %get3A_207 = tpu.vector_load %arg8[%get3A_205, %get3A_206] {strides = array<i32>} : memref<128x64xf32, #tpu.memory_space<vmem>>, vector<16xf32>,
      %mul3A_208 = arith.mulf %get3A_204, %get3A_207 : vector<16xf32>
      %add3A_209 = arith.addf %add3A_201, %mul3A_208 : vector<16xf32>
      %swap3A_210 = arith.index_cast %add3A_178 : i32 to index
      %swap3A_211 = arith.constant 0 : index
      %swap3A_212 = tpu.vector_load %arg9[%swap3A_210, %swap3A_211] {strides = array<i32>} : memref<128x17xf32, #tpu.memory_space<vmem>>, vector<16xf32>,
      tpu.vector_store %arg9[%swap3A_210, %swap3A_211], %add3A_209 {strides = array<i32>} : memref<128x17xf32, #tpu.memory_space<vmem>>, vector<16xf32>,
      %add3A_213 = arith.constant 3 : i32
      %add3A_214 = arith.addi %mul3A_106, %add3A_213 : i32
      %get3A_215 = arith.index_cast %add3A_214 : i32 to index
      %get3A_216 = arith.constant 0 : index
      %get3A_217 = tpu.vector_load %arg7[%get3A_215, %get3A_216] {strides = array<i32>} : memref<128x64xf32, #tpu.memory_space<vmem>>, vector<16xf32>,
      %get3A_218 = arith.index_cast %add3A_214 : i32 to index
      %get3A_219 = arith.constant 0 : index
      %get3A_220 = tpu.vector_load %arg8[%get3A_218, %get3A_219] {strides = array<i32>} : memref<128x64xf32, #tpu.memory_space<vmem>>, vector<16xf32>,
      %mul3A_221 = arith.mulf %get3A_217, %get3A_220 : vector<16xf32>
      %get3A_222 = arith.index_cast %add3A_214 : i32 to index
      %get3A_223 = arith.constant 16 : index
      %get3A_224 = tpu.vector_load %arg7[%get3A_222, %get3A_223] {strides = array<i32>} : memref<128x64xf32, #tpu.memory_space<vmem>>, vector<16xf32>,
      %get3A_225 = arith.index_cast %add3A_214 : i32 to index
      %get3A_226 = arith.constant 16 : index
      %get3A_227 = tpu.vector_load %arg8[%get3A_225, %get3A_226] {strides = array<i32>} : memref<128x64xf32, #tpu.memory_space<vmem>>, vector<16xf32>,
      %mul3A_228 = arith.mulf %get3A_224, %get3A_227 : vector<16xf32>
      %add3A_229 = arith.addf %mul3A_221, %mul3A_228 : vector<16xf32>
      %get3A_230 = arith.index_cast %add3A_214 : i32 to index
      %get3A_231 = arith.constant 32 : index
      %get3A_232 = tpu.vector_load %arg7[%get3A_230, %get3A_231] {strides = array<i32>} : memref<128x64xf32, #tpu.memory_space<vmem>>, vector<16xf32>,
      %get3A_233 = arith.index_cast %add3A_214 : i32 to index
      %get3A_234 = arith.constant 32 : index
      %get3A_235 = tpu.vector_load %arg8[%get3A_233, %get3A_234] {strides = array<i32>} : memref<128x64xf32, #tpu.memory_space<vmem>>, vector<16xf32>,
      %mul3A_236 = arith.mulf %get3A_232, %get3A_235 : vector<16xf32>
      %add3A_237 = arith.addf %add3A_229, %mul3A_236 : vector<16xf32>
      %get3A_238 = arith.index_cast %add3A_214 : i32 to index
      %get3A_239 = arith.constant 48 : index
      %get3A_240 = tpu.vector_load %arg7[%get3A_238, %get3A_239] {strides = array<i32>} : memref<128x64xf32, #tpu.memory_space<vmem>>, vector<16xf32>,
      %get3A_241 = arith.index_cast %add3A_214 : i32 to index
      %get3A_242 = arith.constant 48 : index
      %get3A_243 = tpu.vector_load %arg8[%get3A_241, %get3A_242] {strides = array<i32>} : memref<128x64xf32, #tpu.memory_space<vmem>>, vector<16xf32>,
      %mul3A_244 = arith.mulf %get3A_240, %get3A_243 : vector<16xf32>
      %add3A_245 = arith.addf %add3A_237, %mul3A_244 : vector<16xf32>
      %swap3A_246 = arith.index_cast %add3A_214 : i32 to index
      %swap3A_247 = arith.constant 0 : index
      %swap3A_248 = tpu.vector_load %arg9[%swap3A_246, %swap3A_247] {strides = array<i32>} : memref<128x17xf32, #tpu.memory_space<vmem>>, vector<16xf32>,
      tpu.vector_store %arg9[%swap3A_246, %swap3A_247], %add3A_245 {strides = array<i32>} : memref<128x17xf32, #tpu.memory_space<vmem>>, vector<16xf32>,
      %add3A_249 = arith.constant 4 : i32
      %add3A_250 = arith.addi %mul3A_106, %add3A_249 : i32
      %get3A_251 = arith.index_cast %add3A_250 : i32 to index
      %get3A_252 = arith.constant 0 : index
      %get3A_253 = tpu.vector_load %arg7[%get3A_251, %get3A_252] {strides = array<i32>} : memref<128x64xf32, #tpu.memory_space<vmem>>, vector<16xf32>,
      %get3A_254 = arith.index_cast %add3A_250 : i32 to index
      %get3A_255 = arith.constant 0 : index
      %get3A_256 = tpu.vector_load %arg8[%get3A_254, %get3A_255] {strides = array<i32>} : memref<128x64xf32, #tpu.memory_space<vmem>>, vector<16xf32>,
      %mul3A_257 = arith.mulf %get3A_253, %get3A_256 : vector<16xf32>
      %get3A_258 = arith.index_cast %add3A_250 : i32 to index
      %get3A_259 = arith.constant 16 : index
      %get3A_260 = tpu.vector_load %arg7[%get3A_258, %get3A_259] {strides = array<i32>} : memref<128x64xf32, #tpu.memory_space<vmem>>, vector<16xf32>,
      %get3A_261 = arith.index_cast %add3A_250 : i32 to index
      %get3A_262 = arith.constant 16 : index
      %get3A_263 = tpu.vector_load %arg8[%get3A_261, %get3A_262] {strides = array<i32>} : memref<128x64xf32, #tpu.memory_space<vmem>>, vector<16xf32>,
      %mul3A_264 = arith.mulf %get3A_260, %get3A_263 : vector<16xf32>
      %add3A_265 = arith.addf %mul3A_257, %mul3A_264 : vector<16xf32>
      %get3A_266 = arith.index_cast %add3A_250 : i32 to index
      %get3A_267 = arith.constant 32 : index
      %get3A_268 = tpu.vector_load %arg7[%get3A_266, %get3A_267] {strides = array<i32>} : memref<128x64xf32, #tpu.memory_space<vmem>>, vector<16xf32>,
      %get3A_269 = arith.index_cast %add3A_250 : i32 to index
      %get3A_270 = arith.constant 32 : index
      %get3A_271 = tpu.vector_load %arg8[%get3A_269, %get3A_270] {strides = array<i32>} : memref<128x64xf32, #tpu.memory_space<vmem>>, vector<16xf32>,
      %mul3A_272 = arith.mulf %get3A_268, %get3A_271 : vector<16xf32>
      %add3A_273 = arith.addf %add3A_265, %mul3A_272 : vector<16xf32>
      %get3A_274 = arith.index_cast %add3A_250 : i32 to index
      %get3A_275 = arith.constant 48 : index
      %get3A_276 = tpu.vector_load %arg7[%get3A_274, %get3A_275] {strides = array<i32>} : memref<128x64xf32, #tpu.memory_space<vmem>>, vector<16xf32>,
      %get3A_277 = arith.index_cast %add3A_250 : i32 to index
      %get3A_278 = arith.constant 48 : index
      %get3A_279 = tpu.vector_load %arg8[%get3A_277, %get3A_278] {strides = array<i32>} : memref<128x64xf32, #tpu.memory_space<vmem>>, vector<16xf32>,
      %mul3A_280 = arith.mulf %get3A_276, %get3A_279 : vector<16xf32>
      %add3A_281 = arith.addf %add3A_273, %mul3A_280 : vector<16xf32>
      %swap3A_282 = arith.index_cast %add3A_250 : i32 to index
      %swap3A_283 = arith.constant 0 : index
      %swap3A_284 = tpu.vector_load %arg9[%swap3A_282, %swap3A_283] {strides = array<i32>} : memref<128x17xf32, #tpu.memory_space<vmem>>, vector<16xf32>,
      tpu.vector_store %arg9[%swap3A_282, %swap3A_283], %add3A_281 {strides = array<i32>} : memref<128x17xf32, #tpu.memory_space<vmem>>, vector<16xf32>,
      %add3A_285 = arith.constant 5 : i32
      %add3A_286 = arith.addi %mul3A_106, %add3A_285 : i32
      %get3A_287 = arith.index_cast %add3A_286 : i32 to index
      %get3A_288 = arith.constant 0 : index
      %get3A_289 = tpu.vector_load %arg7[%get3A_287, %get3A_288] {strides = array<i32>} : memref<128x64xf32, #tpu.memory_space<vmem>>, vector<16xf32>,
      %get3A_290 = arith.index_cast %add3A_286 : i32 to index
      %get3A_291 = arith.constant 0 : index
      %get3A_292 = tpu.vector_load %arg8[%get3A_290, %get3A_291] {strides = array<i32>} : memref<128x64xf32, #tpu.memory_space<vmem>>, vector<16xf32>,
      %mul3A_293 = arith.mulf %get3A_289, %get3A_292 : vector<16xf32>
      %get3A_294 = arith.index_cast %add3A_286 : i32 to index
      %get3A_295 = arith.constant 16 : index
      %get3A_296 = tpu.vector_load %arg7[%get3A_294, %get3A_295] {strides = array<i32>} : memref<128x64xf32, #tpu.memory_space<vmem>>, vector<16xf32>,
      %get3A_297 = arith.index_cast %add3A_286 : i32 to index
      %get3A_298 = arith.constant 16 : index
      %get3A_299 = tpu.vector_load %arg8[%get3A_297, %get3A_298] {strides = array<i32>} : memref<128x64xf32, #tpu.memory_space<vmem>>, vector<16xf32>,
      %mul3A_300 = arith.mulf %get3A_296, %get3A_299 : vector<16xf32>
      %add3A_301 = arith.addf %mul3A_293, %mul3A_300 : vector<16xf32>
      %get3A_302 = arith.index_cast %add3A_286 : i32 to index
      %get3A_303 = arith.constant 32 : index
      %get3A_304 = tpu.vector_load %arg7[%get3A_302, %get3A_303] {strides = array<i32>} : memref<128x64xf32, #tpu.memory_space<vmem>>, vector<16xf32>,
      %get3A_305 = arith.index_cast %add3A_286 : i32 to index
      %get3A_306 = arith.constant 32 : index
      %get3A_307 = tpu.vector_load %arg8[%get3A_305, %get3A_306] {strides = array<i32>} : memref<128x64xf32, #tpu.memory_space<vmem>>, vector<16xf32>,
      %mul3A_308 = arith.mulf %get3A_304, %get3A_307 : vector<16xf32>
      %add3A_309 = arith.addf %add3A_301, %mul3A_308 : vector<16xf32>
      %get3A_310 = arith.index_cast %add3A_286 : i32 to index
      %get3A_311 = arith.constant 48 : index
      %get3A_312 = tpu.vector_load %arg7[%get3A_310, %get3A_311] {strides = array<i32>} : memref<128x64xf32, #tpu.memory_space<vmem>>, vector<16xf32>,
      %get3A_313 = arith.index_cast %add3A_286 : i32 to index
      %get3A_314 = arith.constant 48 : index
      %get3A_315 = tpu.vector_load %arg8[%get3A_313, %get3A_314] {strides = array<i32>} : memref<128x64xf32, #tpu.memory_space<vmem>>, vector<16xf32>,
      %mul3A_316 = arith.mulf %get3A_312, %get3A_315 : vector<16xf32>
      %add3A_317 = arith.addf %add3A_309, %mul3A_316 : vector<16xf32>
      %swap3A_318 = arith.index_cast %add3A_286 : i32 to index
      %swap3A_319 = arith.constant 0 : index
      %swap3A_320 = tpu.vector_load %arg9[%swap3A_318, %swap3A_319] {strides = array<i32>} : memref<128x17xf32, #tpu.memory_space<vmem>>, vector<16xf32>,
      tpu.vector_store %arg9[%swap3A_318, %swap3A_319], %add3A_317 {strides = array<i32>} : memref<128x17xf32, #tpu.memory_space<vmem>>, vector<16xf32>,
      %add3A_321 = arith.constant 6 : i32
      %add3A_322 = arith.addi %mul3A_106, %add3A_321 : i32
      %get3A_323 = arith.index_cast %add3A_322 : i32 to index
      %get3A_324 = arith.constant 0 : index
      %get3A_325 = tpu.vector_load %arg7[%get3A_323, %get3A_324] {strides = array<i32>} : memref<128x64xf32, #tpu.memory_space<vmem>>, vector<16xf32>,
      %get3A_326 = arith.index_cast %add3A_322 : i32 to index
      %get3A_327 = arith.constant 0 : index
      %get3A_328 = tpu.vector_load %arg8[%get3A_326, %get3A_327] {strides = array<i32>} : memref<128x64xf32, #tpu.memory_space<vmem>>, vector<16xf32>,
      %mul3A_329 = arith.mulf %get3A_325, %get3A_328 : vector<16xf32>
      %get3A_330 = arith.index_cast %add3A_322 : i32 to index
      %get3A_331 = arith.constant 16 : index
      %get3A_332 = tpu.vector_load %arg7[%get3A_330, %get3A_331] {strides = array<i32>} : memref<128x64xf32, #tpu.memory_space<vmem>>, vector<16xf32>,
      %get3A_333 = arith.index_cast %add3A_322 : i32 to index
      %get3A_334 = arith.constant 16 : index
      %get3A_335 = tpu.vector_load %arg8[%get3A_333, %get3A_334] {strides = array<i32>} : memref<128x64xf32, #tpu.memory_space<vmem>>, vector<16xf32>,
      %mul3A_336 = arith.mulf %get3A_332, %get3A_335 : vector<16xf32>
      %add3A_337 = arith.addf %mul3A_329, %mul3A_336 : vector<16xf32>
      %get3A_338 = arith.index_cast %add3A_322 : i32 to index
      %get3A_339 = arith.constant 32 : index
      %get3A_340 = tpu.vector_load %arg7[%get3A_338, %get3A_339] {strides = array<i32>} : memref<128x64xf32, #tpu.memory_space<vmem>>, vector<16xf32>,
      %get3A_341 = arith.index_cast %add3A_322 : i32 to index
      %get3A_342 = arith.constant 32 : index
      %get3A_343 = tpu.vector_load %arg8[%get3A_341, %get3A_342] {strides = array<i32>} : memref<128x64xf32, #tpu.memory_space<vmem>>, vector<16xf32>,
      %mul3A_344 = arith.mulf %get3A_340, %get3A_343 : vector<16xf32>
      %add3A_345 = arith.addf %add3A_337, %mul3A_344 : vector<16xf32>
      %get3A_346 = arith.index_cast %add3A_322 : i32 to index
      %get3A_347 = arith.constant 48 : index
      %get3A_348 = tpu.vector_load %arg7[%get3A_346, %get3A_347] {strides = array<i32>} : memref<128x64xf32, #tpu.memory_space<vmem>>, vector<16xf32>,
      %get3A_349 = arith.index_cast %add3A_322 : i32 to index
      %get3A_350 = arith.constant 48 : index
      %get3A_351 = tpu.vector_load %arg8[%get3A_349, %get3A_350] {strides = array<i32>} : memref<128x64xf32, #tpu.memory_space<vmem>>, vector<16xf32>,
      %mul3A_352 = arith.mulf %get3A_348, %get3A_351 : vector<16xf32>
      %add3A_353 = arith.addf %add3A_345, %mul3A_352 : vector<16xf32>
      %swap3A_354 = arith.index_cast %add3A_322 : i32 to index
      %swap3A_355 = arith.constant 0 : index
      %swap3A_356 = tpu.vector_load %arg9[%swap3A_354, %swap3A_355] {strides = array<i32>} : memref<128x17xf32, #tpu.memory_space<vmem>>, vector<16xf32>,
      tpu.vector_store %arg9[%swap3A_354, %swap3A_355], %add3A_353 {strides = array<i32>} : memref<128x17xf32, #tpu.memory_space<vmem>>, vector<16xf32>,
      %add3A_357 = arith.constant 7 : i32
      %add3A_358 = arith.addi %mul3A_106, %add3A_357 : i32
      %get3A_359 = arith.index_cast %add3A_358 : i32 to index
      %get3A_360 = arith.constant 0 : index
      %get3A_361 = tpu.vector_load %arg7[%get3A_359, %get3A_360] {strides = array<i32>} : memref<128x64xf32, #tpu.memory_space<vmem>>, vector<16xf32>,
      %get3A_362 = arith.index_cast %add3A_358 : i32 to index
      %get3A_363 = arith.constant 0 : index
      %get3A_364 = tpu.vector_load %arg8[%get3A_362, %get3A_363] {strides = array<i32>} : memref<128x64xf32, #tpu.memory_space<vmem>>, vector<16xf32>,
      %mul3A_365 = arith.mulf %get3A_361, %get3A_364 : vector<16xf32>
      %get3A_366 = arith.index_cast %add3A_358 : i32 to index
      %get3A_367 = arith.constant 16 : index
      %get3A_368 = tpu.vector_load %arg7[%get3A_366, %get3A_367] {strides = array<i32>} : memref<128x64xf32, #tpu.memory_space<vmem>>, vector<16xf32>,
      %get3A_369 = arith.index_cast %add3A_358 : i32 to index
      %get3A_370 = arith.constant 16 : index
      %get3A_371 = tpu.vector_load %arg8[%get3A_369, %get3A_370] {strides = array<i32>} : memref<128x64xf32, #tpu.memory_space<vmem>>, vector<16xf32>,
      %mul3A_372 = arith.mulf %get3A_368, %get3A_371 : vector<16xf32>
      %add3A_373 = arith.addf %mul3A_365, %mul3A_372 : vector<16xf32>
      %get3A_374 = arith.index_cast %add3A_358 : i32 to index
      %get3A_375 = arith.constant 32 : index
      %get3A_376 = tpu.vector_load %arg7[%get3A_374, %get3A_375] {strides = array<i32>} : memref<128x64xf32, #tpu.memory_space<vmem>>, vector<16xf32>,
      %get3A_377 = arith.index_cast %add3A_358 : i32 to index
      %get3A_378 = arith.constant 32 : index
      %get3A_379 = tpu.vector_load %arg8[%get3A_377, %get3A_378] {strides = array<i32>} : memref<128x64xf32, #tpu.memory_space<vmem>>, vector<16xf32>,
      %mul3A_380 = arith.mulf %get3A_376, %get3A_379 : vector<16xf32>
      %add3A_381 = arith.addf %add3A_373, %mul3A_380 : vector<16xf32>
      %get3A_382 = arith.index_cast %add3A_358 : i32 to index
      %get3A_383 = arith.constant 48 : index
      %get3A_384 = tpu.vector_load %arg7[%get3A_382, %get3A_383] {strides = array<i32>} : memref<128x64xf32, #tpu.memory_space<vmem>>, vector<16xf32>,
      %get3A_385 = arith.index_cast %add3A_358 : i32 to index
      %get3A_386 = arith.constant 48 : index
      %get3A_387 = tpu.vector_load %arg8[%get3A_385, %get3A_386] {strides = array<i32>} : memref<128x64xf32, #tpu.memory_space<vmem>>, vector<16xf32>,
      %mul3A_388 = arith.mulf %get3A_384, %get3A_387 : vector<16xf32>
      %add3A_389 = arith.addf %add3A_381, %mul3A_388 : vector<16xf32>
      %swap3A_390 = arith.index_cast %add3A_358 : i32 to index
      %swap3A_391 = arith.constant 0 : index
      %swap3A_392 = tpu.vector_load %arg9[%swap3A_390, %swap3A_391] {strides = array<i32>} : memref<128x17xf32, #tpu.memory_space<vmem>>, vector<16xf32>,
      tpu.vector_store %arg9[%swap3A_390, %swap3A_391], %add3A_389 {strides = array<i32>} : memref<128x17xf32, #tpu.memory_space<vmem>>, vector<16xf32>,
      %add3A_393 = arith.constant 8 : i32
      %add3A_394 = arith.addi %mul3A_106, %add3A_393 : i32
      %get3A_395 = arith.index_cast %add3A_394 : i32 to index
      %get3A_396 = arith.constant 0 : index
      %get3A_397 = tpu.vector_load %arg7[%get3A_395, %get3A_396] {strides = array<i32>} : memref<128x64xf32, #tpu.memory_space<vmem>>, vector<16xf32>,
      %get3A_398 = arith.index_cast %add3A_394 : i32 to index
      %get3A_399 = arith.constant 0 : index
      %get3A_400 = tpu.vector_load %arg8[%get3A_398, %get3A_399] {strides = array<i32>} : memref<128x64xf32, #tpu.memory_space<vmem>>, vector<16xf32>,
      %mul3A_401 = arith.mulf %get3A_397, %get3A_400 : vector<16xf32>
      %get3A_402 = arith.index_cast %add3A_394 : i32 to index
      %get3A_403 = arith.constant 16 : index
      %get3A_404 = tpu.vector_load %arg7[%get3A_402, %get3A_403] {strides = array<i32>} : memref<128x64xf32, #tpu.memory_space<vmem>>, vector<16xf32>,
      %get3A_405 = arith.index_cast %add3A_394 : i32 to index
      %get3A_406 = arith.constant 16 : index
      %get3A_407 = tpu.vector_load %arg8[%get3A_405, %get3A_406] {strides = array<i32>} : memref<128x64xf32, #tpu.memory_space<vmem>>, vector<16xf32>,
      %mul3A_408 = arith.mulf %get3A_404, %get3A_407 : vector<16xf32>
      %add3A_409 = arith.addf %mul3A_401, %mul3A_408 : vector<16xf32>
      %get3A_410 = arith.index_cast %add3A_394 : i32 to index
      %get3A_411 = arith.constant 32 : index
      %get3A_412 = tpu.vector_load %arg7[%get3A_410, %get3A_411] {strides = array<i32>} : memref<128x64xf32, #tpu.memory_space<vmem>>, vector<16xf32>,
      %get3A_413 = arith.index_cast %add3A_394 : i32 to index
      %get3A_414 = arith.constant 32 : index
      %get3A_415 = tpu.vector_load %arg8[%get3A_413, %get3A_414] {strides = array<i32>} : memref<128x64xf32, #tpu.memory_space<vmem>>, vector<16xf32>,
      %mul3A_416 = arith.mulf %get3A_412, %get3A_415 : vector<16xf32>
      %add3A_417 = arith.addf %add3A_409, %mul3A_416 : vector<16xf32>
      %get3A_418 = arith.index_cast %add3A_394 : i32 to index
      %get3A_419 = arith.constant 48 : index
      %get3A_420 = tpu.vector_load %arg7[%get3A_418, %get3A_419] {strides = array<i32>} : memref<128x64xf32, #tpu.memory_space<vmem>>, vector<16xf32>,
      %get3A_421 = arith.index_cast %add3A_394 : i32 to index
      %get3A_422 = arith.constant 48 : index
      %get3A_423 = tpu.vector_load %arg8[%get3A_421, %get3A_422] {strides = array<i32>} : memref<128x64xf32, #tpu.memory_space<vmem>>, vector<16xf32>,
      %mul3A_424 = arith.mulf %get3A_420, %get3A_423 : vector<16xf32>
      %add3A_425 = arith.addf %add3A_417, %mul3A_424 : vector<16xf32>
      %swap3A_426 = arith.index_cast %add3A_394 : i32 to index
      %swap3A_427 = arith.constant 0 : index
      %swap3A_428 = tpu.vector_load %arg9[%swap3A_426, %swap3A_427] {strides = array<i32>} : memref<128x17xf32, #tpu.memory_space<vmem>>, vector<16xf32>,
      tpu.vector_store %arg9[%swap3A_426, %swap3A_427], %add3A_425 {strides = array<i32>} : memref<128x17xf32, #tpu.memory_space<vmem>>, vector<16xf32>,
      %add3A_429 = arith.constant 9 : i32
      %add3A_430 = arith.addi %mul3A_106, %add3A_429 : i32
      %get3A_431 = arith.index_cast %add3A_430 : i32 to index
      %get3A_432 = arith.constant 0 : index
      %get3A_433 = tpu.vector_load %arg7[%get3A_431, %get3A_432] {strides = array<i32>} : memref<128x64xf32, #tpu.memory_space<vmem>>, vector<16xf32>,
      %get3A_434 = arith.index_cast %add3A_430 : i32 to index
      %get3A_435 = arith.constant 0 : index
      %get3A_436 = tpu.vector_load %arg8[%get3A_434, %get3A_435] {strides = array<i32>} : memref<128x64xf32, #tpu.memory_space<vmem>>, vector<16xf32>,
      %mul3A_437 = arith.mulf %get3A_433, %get3A_436 : vector<16xf32>
      %get3A_438 = arith.index_cast %add3A_430 : i32 to index
      %get3A_439 = arith.constant 16 : index
      %get3A_440 = tpu.vector_load %arg7[%get3A_438, %get3A_439] {strides = array<i32>} : memref<128x64xf32, #tpu.memory_space<vmem>>, vector<16xf32>,
      %get3A_441 = arith.index_cast %add3A_430 : i32 to index
      %get3A_442 = arith.constant 16 : index
      %get3A_443 = tpu.vector_load %arg8[%get3A_441, %get3A_442] {strides = array<i32>} : memref<128x64xf32, #tpu.memory_space<vmem>>, vector<16xf32>,
      %mul3A_444 = arith.mulf %get3A_440, %get3A_443 : vector<16xf32>
      %add3A_445 = arith.addf %mul3A_437, %mul3A_444 : vector<16xf32>
      %get3A_446 = arith.index_cast %add3A_430 : i32 to index
      %get3A_447 = arith.constant 32 : index
      %get3A_448 = tpu.vector_load %arg7[%get3A_446, %get3A_447] {strides = array<i32>} : memref<128x64xf32, #tpu.memory_space<vmem>>, vector<16xf32>,
      %get3A_449 = arith.index_cast %add3A_430 : i32 to index
      %get3A_450 = arith.constant 32 : index
      %get3A_451 = tpu.vector_load %arg8[%get3A_449, %get3A_450] {strides = array<i32>} : memref<128x64xf32, #tpu.memory_space<vmem>>, vector<16xf32>,
      %mul3A_452 = arith.mulf %get3A_448, %get3A_451 : vector<16xf32>
      %add3A_453 = arith.addf %add3A_445, %mul3A_452 : vector<16xf32>
      %get3A_454 = arith.index_cast %add3A_430 : i32 to index
      %get3A_455 = arith.constant 48 : index
      %get3A_456 = tpu.vector_load %arg7[%get3A_454, %get3A_455] {strides = array<i32>} : memref<128x64xf32, #tpu.memory_space<vmem>>, vector<16xf32>,
      %get3A_457 = arith.index_cast %add3A_430 : i32 to index
      %get3A_458 = arith.constant 48 : index
      %get3A_459 = tpu.vector_load %arg8[%get3A_457, %get3A_458] {strides = array<i32>} : memref<128x64xf32, #tpu.memory_space<vmem>>, vector<16xf32>,
      %mul3A_460 = arith.mulf %get3A_456, %get3A_459 : vector<16xf32>
      %add3A_461 = arith.addf %add3A_453, %mul3A_460 : vector<16xf32>
      %swap3A_462 = arith.index_cast %add3A_430 : i32 to index
      %swap3A_463 = arith.constant 0 : index
      %swap3A_464 = tpu.vector_load %arg9[%swap3A_462, %swap3A_463] {strides = array<i32>} : memref<128x17xf32, #tpu.memory_space<vmem>>, vector<16xf32>,
      tpu.vector_store %arg9[%swap3A_462, %swap3A_463], %add3A_461 {strides = array<i32>} : memref<128x17xf32, #tpu.memory_space<vmem>>, vector<16xf32>,
      %add3A_465 = arith.constant 10 : i32
      %add3A_466 = arith.addi %mul3A_106, %add3A_465 : i32
      %get3A_467 = arith.index_cast %add3A_466 : i32 to index
      %get3A_468 = arith.constant 0 : index
      %get3A_469 = tpu.vector_load %arg7[%get3A_467, %get3A_468] {strides = array<i32>} : memref<128x64xf32, #tpu.memory_space<vmem>>, vector<16xf32>,
      %get3A_470 = arith.index_cast %add3A_466 : i32 to index
      %get3A_471 = arith.constant 0 : index
      %get3A_472 = tpu.vector_load %arg8[%get3A_470, %get3A_471] {strides = array<i32>} : memref<128x64xf32, #tpu.memory_space<vmem>>, vector<16xf32>,
      %mul3A_473 = arith.mulf %get3A_469, %get3A_472 : vector<16xf32>
      %get3A_474 = arith.index_cast %add3A_466 : i32 to index
      %get3A_475 = arith.constant 16 : index
      %get3A_476 = tpu.vector_load %arg7[%get3A_474, %get3A_475] {strides = array<i32>} : memref<128x64xf32, #tpu.memory_space<vmem>>, vector<16xf32>,
      %get3A_477 = arith.index_cast %add3A_466 : i32 to index
      %get3A_478 = arith.constant 16 : index
      %get3A_479 = tpu.vector_load %arg8[%get3A_477, %get3A_478] {strides = array<i32>} : memref<128x64xf32, #tpu.memory_space<vmem>>, vector<16xf32>,
      %mul3A_480 = arith.mulf %get3A_476, %get3A_479 : vector<16xf32>
      %add3A_481 = arith.addf %mul3A_473, %mul3A_480 : vector<16xf32>
      %get3A_482 = arith.index_cast %add3A_466 : i32 to index
      %get3A_483 = arith.constant 32 : index
      %get3A_484 = tpu.vector_load %arg7[%get3A_482, %get3A_483] {strides = array<i32>} : memref<128x64xf32, #tpu.memory_space<vmem>>, vector<16xf32>,
      %get3A_485 = arith.index_cast %add3A_466 : i32 to index
      %get3A_486 = arith.constant 32 : index
      %get3A_487 = tpu.vector_load %arg8[%get3A_485, %get3A_486] {strides = array<i32>} : memref<128x64xf32, #tpu.memory_space<vmem>>, vector<16xf32>,
      %mul3A_488 = arith.mulf %get3A_484, %get3A_487 : vector<16xf32>
      %add3A_489 = arith.addf %add3A_481, %mul3A_488 : vector<16xf32>
      %get3A_490 = arith.index_cast %add3A_466 : i32 to index
      %get3A_491 = arith.constant 48 : index
      %get3A_492 = tpu.vector_load %arg7[%get3A_490, %get3A_491] {strides = array<i32>} : memref<128x64xf32, #tpu.memory_space<vmem>>, vector<16xf32>,
      %get3A_493 = arith.index_cast %add3A_466 : i32 to index
      %get3A_494 = arith.constant 48 : index
      %get3A_495 = tpu.vector_load %arg8[%get3A_493, %get3A_494] {strides = array<i32>} : memref<128x64xf32, #tpu.memory_space<vmem>>, vector<16xf32>,
      %mul3A_496 = arith.mulf %get3A_492, %get3A_495 : vector<16xf32>
      %add3A_497 = arith.addf %add3A_489, %mul3A_496 : vector<16xf32>
      %swap3A_498 = arith.index_cast %add3A_466 : i32 to index
      %swap3A_499 = arith.constant 0 : index
      %swap3A_500 = tpu.vector_load %arg9[%swap3A_498, %swap3A_499] {strides = array<i32>} : memref<128x17xf32, #tpu.memory_space<vmem>>, vector<16xf32>,
      tpu.vector_store %arg9[%swap3A_498, %swap3A_499], %add3A_497 {strides = array<i32>} : memref<128x17xf32, #tpu.memory_space<vmem>>, vector<16xf32>,
      %add3A_501 = arith.constant 11 : i32
      %add3A_502 = arith.addi %mul3A_106, %add3A_501 : i32
      %get3A_503 = arith.index_cast %add3A_502 : i32 to index
      %get3A_504 = arith.constant 0 : index
      %get3A_505 = tpu.vector_load %arg7[%get3A_503, %get3A_504] {strides = array<i32>} : memref<128x64xf32, #tpu.memory_space<vmem>>, vector<16xf32>,
      %get3A_506 = arith.index_cast %add3A_502 : i32 to index
      %get3A_507 = arith.constant 0 : index
      %get3A_508 = tpu.vector_load %arg8[%get3A_506, %get3A_507] {strides = array<i32>} : memref<128x64xf32, #tpu.memory_space<vmem>>, vector<16xf32>,
      %mul3A_509 = arith.mulf %get3A_505, %get3A_508 : vector<16xf32>
      %get3A_510 = arith.index_cast %add3A_502 : i32 to index
      %get3A_511 = arith.constant 16 : index
      %get3A_512 = tpu.vector_load %arg7[%get3A_510, %get3A_511] {strides = array<i32>} : memref<128x64xf32, #tpu.memory_space<vmem>>, vector<16xf32>,
      %get3A_513 = arith.index_cast %add3A_502 : i32 to index
      %get3A_514 = arith.constant 16 : index
      %get3A_515 = tpu.vector_load %arg8[%get3A_513, %get3A_514] {strides = array<i32>} : memref<128x64xf32, #tpu.memory_space<vmem>>, vector<16xf32>,
      %mul3A_516 = arith.mulf %get3A_512, %get3A_515 : vector<16xf32>
      %add3A_517 = arith.addf %mul3A_509, %mul3A_516 : vector<16xf32>
      %get3A_518 = arith.index_cast %add3A_502 : i32 to index
      %get3A_519 = arith.constant 32 : index
      %get3A_520 = tpu.vector_load %arg7[%get3A_518, %get3A_519] {strides = array<i32>} : memref<128x64xf32, #tpu.memory_space<vmem>>, vector<16xf32>,
      %get3A_521 = arith.index_cast %add3A_502 : i32 to index
      %get3A_522 = arith.constant 32 : index
      %get3A_523 = tpu.vector_load %arg8[%get3A_521, %get3A_522] {strides = array<i32>} : memref<128x64xf32, #tpu.memory_space<vmem>>, vector<16xf32>,
      %mul3A_524 = arith.mulf %get3A_520, %get3A_523 : vector<16xf32>
      %add3A_525 = arith.addf %add3A_517, %mul3A_524 : vector<16xf32>
      %get3A_526 = arith.index_cast %add3A_502 : i32 to index
      %get3A_527 = arith.constant 48 : index
      %get3A_528 = tpu.vector_load %arg7[%get3A_526, %get3A_527] {strides = array<i32>} : memref<128x64xf32, #tpu.memory_space<vmem>>, vector<16xf32>,
      %get3A_529 = arith.index_cast %add3A_502 : i32 to index
      %get3A_530 = arith.constant 48 : index
      %get3A_531 = tpu.vector_load %arg8[%get3A_529, %get3A_530] {strides = array<i32>} : memref<128x64xf32, #tpu.memory_space<vmem>>, vector<16xf32>,
      %mul3A_532 = arith.mulf %get3A_528, %get3A_531 : vector<16xf32>
      %add3A_533 = arith.addf %add3A_525, %mul3A_532 : vector<16xf32>
      %swap3A_534 = arith.index_cast %add3A_502 : i32 to index
      %swap3A_535 = arith.constant 0 : index
      %swap3A_536 = tpu.vector_load %arg9[%swap3A_534, %swap3A_535] {strides = array<i32>} : memref<128x17xf32, #tpu.memory_space<vmem>>, vector<16xf32>,
      tpu.vector_store %arg9[%swap3A_534, %swap3A_535], %add3A_533 {strides = array<i32>} : memref<128x17xf32, #tpu.memory_space<vmem>>, vector<16xf32>,
      %add3A_537 = arith.constant 12 : i32
      %add3A_538 = arith.addi %mul3A_106, %add3A_537 : i32
      %get3A_539 = arith.index_cast %add3A_538 : i32 to index
      %get3A_540 = arith.constant 0 : index
      %get3A_541 = tpu.vector_load %arg7[%get3A_539, %get3A_540] {strides = array<i32>} : memref<128x64xf32, #tpu.memory_space<vmem>>, vector<16xf32>,
      %get3A_542 = arith.index_cast %add3A_538 : i32 to index
      %get3A_543 = arith.constant 0 : index
      %get3A_544 = tpu.vector_load %arg8[%get3A_542, %get3A_543] {strides = array<i32>} : memref<128x64xf32, #tpu.memory_space<vmem>>, vector<16xf32>,
      %mul3A_545 = arith.mulf %get3A_541, %get3A_544 : vector<16xf32>
      %get3A_546 = arith.index_cast %add3A_538 : i32 to index
      %get3A_547 = arith.constant 16 : index
      %get3A_548 = tpu.vector_load %arg7[%get3A_546, %get3A_547] {strides = array<i32>} : memref<128x64xf32, #tpu.memory_space<vmem>>, vector<16xf32>,
      %get3A_549 = arith.index_cast %add3A_538 : i32 to index
      %get3A_550 = arith.constant 16 : index
      %get3A_551 = tpu.vector_load %arg8[%get3A_549, %get3A_550] {strides = array<i32>} : memref<128x64xf32, #tpu.memory_space<vmem>>, vector<16xf32>,
      %mul3A_552 = arith.mulf %get3A_548, %get3A_551 : vector<16xf32>
      %add3A_553 = arith.addf %mul3A_545, %mul3A_552 : vector<16xf32>
      %get3A_554 = arith.index_cast %add3A_538 : i32 to index
      %get3A_555 = arith.constant 32 : index
      %get3A_556 = tpu.vector_load %arg7[%get3A_554, %get3A_555] {strides = array<i32>} : memref<128x64xf32, #tpu.memory_space<vmem>>, vector<16xf32>,
      %get3A_557 = arith.index_cast %add3A_538 : i32 to index
      %get3A_558 = arith.constant 32 : index
      %get3A_559 = tpu.vector_load %arg8[%get3A_557, %get3A_558] {strides = array<i32>} : memref<128x64xf32, #tpu.memory_space<vmem>>, vector<16xf32>,
      %mul3A_560 = arith.mulf %get3A_556, %get3A_559 : vector<16xf32>
      %add3A_561 = arith.addf %add3A_553, %mul3A_560 : vector<16xf32>
      %get3A_562 = arith.index_cast %add3A_538 : i32 to index
      %get3A_563 = arith.constant 48 : index
      %get3A_564 = tpu.vector_load %arg7[%get3A_562, %get3A_563] {strides = array<i32>} : memref<128x64xf32, #tpu.memory_space<vmem>>, vector<16xf32>,
      %get3A_565 = arith.index_cast %add3A_538 : i32 to index
      %get3A_566 = arith.constant 48 : index
      %get3A_567 = tpu.vector_load %arg8[%get3A_565, %get3A_566] {strides = array<i32>} : memref<128x64xf32, #tpu.memory_space<vmem>>, vector<16xf32>,
      %mul3A_568 = arith.mulf %get3A_564, %get3A_567 : vector<16xf32>
      %add3A_569 = arith.addf %add3A_561, %mul3A_568 : vector<16xf32>
      %swap3A_570 = arith.index_cast %add3A_538 : i32 to index
      %swap3A_571 = arith.constant 0 : index
      %swap3A_572 = tpu.vector_load %arg9[%swap3A_570, %swap3A_571] {strides = array<i32>} : memref<128x17xf32, #tpu.memory_space<vmem>>, vector<16xf32>,
      tpu.vector_store %arg9[%swap3A_570, %swap3A_571], %add3A_569 {strides = array<i32>} : memref<128x17xf32, #tpu.memory_space<vmem>>, vector<16xf32>,
      %add3A_573 = arith.constant 13 : i32
      %add3A_574 = arith.addi %mul3A_106, %add3A_573 : i32
      %get3A_575 = arith.index_cast %add3A_574 : i32 to index
      %get3A_576 = arith.constant 0 : index
      %get3A_577 = tpu.vector_load %arg7[%get3A_575, %get3A_576] {strides = array<i32>} : memref<128x64xf32, #tpu.memory_space<vmem>>, vector<16xf32>,
      %get3A_578 = arith.index_cast %add3A_574 : i32 to index
      %get3A_579 = arith.constant 0 : index
      %get3A_580 = tpu.vector_load %arg8[%get3A_578, %get3A_579] {strides = array<i32>} : memref<128x64xf32, #tpu.memory_space<vmem>>, vector<16xf32>,
      %mul3A_581 = arith.mulf %get3A_577, %get3A_580 : vector<16xf32>
      %get3A_582 = arith.index_cast %add3A_574 : i32 to index
      %get3A_583 = arith.constant 16 : index
      %get3A_584 = tpu.vector_load %arg7[%get3A_582, %get3A_583] {strides = array<i32>} : memref<128x64xf32, #tpu.memory_space<vmem>>, vector<16xf32>,
      %get3A_585 = arith.index_cast %add3A_574 : i32 to index
      %get3A_586 = arith.constant 16 : index
      %get3A_587 = tpu.vector_load %arg8[%get3A_585, %get3A_586] {strides = array<i32>} : memref<128x64xf32, #tpu.memory_space<vmem>>, vector<16xf32>,
      %mul3A_588 = arith.mulf %get3A_584, %get3A_587 : vector<16xf32>
      %add3A_589 = arith.addf %mul3A_581, %mul3A_588 : vector<16xf32>
      %get3A_590 = arith.index_cast %add3A_574 : i32 to index
      %get3A_591 = arith.constant 32 : index
      %get3A_592 = tpu.vector_load %arg7[%get3A_590, %get3A_591] {strides = array<i32>} : memref<128x64xf32, #tpu.memory_space<vmem>>, vector<16xf32>,
      %get3A_593 = arith.index_cast %add3A_574 : i32 to index
      %get3A_594 = arith.constant 32 : index
      %get3A_595 = tpu.vector_load %arg8[%get3A_593, %get3A_594] {strides = array<i32>} : memref<128x64xf32, #tpu.memory_space<vmem>>, vector<16xf32>,
      %mul3A_596 = arith.mulf %get3A_592, %get3A_595 : vector<16xf32>
      %add3A_597 = arith.addf %add3A_589, %mul3A_596 : vector<16xf32>
      %get3A_598 = arith.index_cast %add3A_574 : i32 to index
      %get3A_599 = arith.constant 48 : index
      %get3A_600 = tpu.vector_load %arg7[%get3A_598, %get3A_599] {strides = array<i32>} : memref<128x64xf32, #tpu.memory_space<vmem>>, vector<16xf32>,
      %get3A_601 = arith.index_cast %add3A_574 : i32 to index
      %get3A_602 = arith.constant 48 : index
      %get3A_603 = tpu.vector_load %arg8[%get3A_601, %get3A_602] {strides = array<i32>} : memref<128x64xf32, #tpu.memory_space<vmem>>, vector<16xf32>,
      %mul3A_604 = arith.mulf %get3A_600, %get3A_603 : vector<16xf32>
      %add3A_605 = arith.addf %add3A_597, %mul3A_604 : vector<16xf32>
      %swap3A_606 = arith.index_cast %add3A_574 : i32 to index
      %swap3A_607 = arith.constant 0 : index
      %swap3A_608 = tpu.vector_load %arg9[%swap3A_606, %swap3A_607] {strides = array<i32>} : memref<128x17xf32, #tpu.memory_space<vmem>>, vector<16xf32>,
      tpu.vector_store %arg9[%swap3A_606, %swap3A_607], %add3A_605 {strides = array<i32>} : memref<128x17xf32, #tpu.memory_space<vmem>>, vector<16xf32>,
      %add3A_609 = arith.constant 14 : i32
      %add3A_610 = arith.addi %mul3A_106, %add3A_609 : i32
      %get3A_611 = arith.index_cast %add3A_610 : i32 to index
      %get3A_612 = arith.constant 0 : index
      %get3A_613 = tpu.vector_load %arg7[%get3A_611, %get3A_612] {strides = array<i32>} : memref<128x64xf32, #tpu.memory_space<vmem>>, vector<16xf32>,
      %get3A_614 = arith.index_cast %add3A_610 : i32 to index
      %get3A_615 = arith.constant 0 : index
      %get3A_616 = tpu.vector_load %arg8[%get3A_614, %get3A_615] {strides = array<i32>} : memref<128x64xf32, #tpu.memory_space<vmem>>, vector<16xf32>,
      %mul3A_617 = arith.mulf %get3A_613, %get3A_616 : vector<16xf32>
      %get3A_618 = arith.index_cast %add3A_610 : i32 to index
      %get3A_619 = arith.constant 16 : index
      %get3A_620 = tpu.vector_load %arg7[%get3A_618, %get3A_619] {strides = array<i32>} : memref<128x64xf32, #tpu.memory_space<vmem>>, vector<16xf32>,
      %get3A_621 = arith.index_cast %add3A_610 : i32 to index
      %get3A_622 = arith.constant 16 : index
      %get3A_623 = tpu.vector_load %arg8[%get3A_621, %get3A_622] {strides = array<i32>} : memref<128x64xf32, #tpu.memory_space<vmem>>, vector<16xf32>,
      %mul3A_624 = arith.mulf %get3A_620, %get3A_623 : vector<16xf32>
      %add3A_625 = arith.addf %mul3A_617, %mul3A_624 : vector<16xf32>
      %get3A_626 = arith.index_cast %add3A_610 : i32 to index
      %get3A_627 = arith.constant 32 : index
      %get3A_628 = tpu.vector_load %arg7[%get3A_626, %get3A_627] {strides = array<i32>} : memref<128x64xf32, #tpu.memory_space<vmem>>, vector<16xf32>,
      %get3A_629 = arith.index_cast %add3A_610 : i32 to index
      %get3A_630 = arith.constant 32 : index
      %get3A_631 = tpu.vector_load %arg8[%get3A_629, %get3A_630] {strides = array<i32>} : memref<128x64xf32, #tpu.memory_space<vmem>>, vector<16xf32>,
      %mul3A_632 = arith.mulf %get3A_628, %get3A_631 : vector<16xf32>
      %add3A_633 = arith.addf %add3A_625, %mul3A_632 : vector<16xf32>
      %get3A_634 = arith.index_cast %add3A_610 : i32 to index
      %get3A_635 = arith.constant 48 : index
      %get3A_636 = tpu.vector_load %arg7[%get3A_634, %get3A_635] {strides = array<i32>} : memref<128x64xf32, #tpu.memory_space<vmem>>, vector<16xf32>,
      %get3A_637 = arith.index_cast %add3A_610 : i32 to index
      %get3A_638 = arith.constant 48 : index
      %get3A_639 = tpu.vector_load %arg8[%get3A_637, %get3A_638] {strides = array<i32>} : memref<128x64xf32, #tpu.memory_space<vmem>>, vector<16xf32>,
      %mul3A_640 = arith.mulf %get3A_636, %get3A_639 : vector<16xf32>
      %add3A_641 = arith.addf %add3A_633, %mul3A_640 : vector<16xf32>
      %swap3A_642 = arith.index_cast %add3A_610 : i32 to index
      %swap3A_643 = arith.constant 0 : index
      %swap3A_644 = tpu.vector_load %arg9[%swap3A_642, %swap3A_643] {strides = array<i32>} : memref<128x17xf32, #tpu.memory_space<vmem>>, vector<16xf32>,
      tpu.vector_store %arg9[%swap3A_642, %swap3A_643], %add3A_641 {strides = array<i32>} : memref<128x17xf32, #tpu.memory_space<vmem>>, vector<16xf32>,
      %add3A_645 = arith.constant 15 : i32
      %add3A_646 = arith.addi %mul3A_106, %add3A_645 : i32
      %get3A_647 = arith.index_cast %add3A_646 : i32 to index
      %get3A_648 = arith.constant 0 : index
      %get3A_649 = tpu.vector_load %arg7[%get3A_647, %get3A_648] {strides = array<i32>} : memref<128x64xf32, #tpu.memory_space<vmem>>, vector<16xf32>,
      %get3A_650 = arith.index_cast %add3A_646 : i32 to index
      %get3A_651 = arith.constant 0 : index
      %get3A_652 = tpu.vector_load %arg8[%get3A_650, %get3A_651] {strides = array<i32>} : memref<128x64xf32, #tpu.memory_space<vmem>>, vector<16xf32>,
      %mul3A_653 = arith.mulf %get3A_649, %get3A_652 : vector<16xf32>
      %get3A_654 = arith.index_cast %add3A_646 : i32 to index
      %get3A_655 = arith.constant 16 : index
      %get3A_656 = tpu.vector_load %arg7[%get3A_654, %get3A_655] {strides = array<i32>} : memref<128x64xf32, #tpu.memory_space<vmem>>, vector<16xf32>,
      %get3A_657 = arith.index_cast %add3A_646 : i32 to index
      %get3A_658 = arith.constant 16 : index
      %get3A_659 = tpu.vector_load %arg8[%get3A_657, %get3A_658] {strides = array<i32>} : memref<128x64xf32, #tpu.memory_space<vmem>>, vector<16xf32>,
      %mul3A_660 = arith.mulf %get3A_656, %get3A_659 : vector<16xf32>
      %add3A_661 = arith.addf %mul3A_653, %mul3A_660 : vector<16xf32>
      %get3A_662 = arith.index_cast %add3A_646 : i32 to index
      %get3A_663 = arith.constant 32 : index
      %get3A_664 = tpu.vector_load %arg7[%get3A_662, %get3A_663] {strides = array<i32>} : memref<128x64xf32, #tpu.memory_space<vmem>>, vector<16xf32>,
      %get3A_665 = arith.index_cast %add3A_646 : i32 to index
      %get3A_666 = arith.constant 32 : index
      %get3A_667 = tpu.vector_load %arg8[%get3A_665, %get3A_666] {strides = array<i32>} : memref<128x64xf32, #tpu.memory_space<vmem>>, vector<16xf32>,
      %mul3A_668 = arith.mulf %get3A_664, %get3A_667 : vector<16xf32>
      %add3A_669 = arith.addf %add3A_661, %mul3A_668 : vector<16xf32>
      %get3A_670 = arith.index_cast %add3A_646 : i32 to index
      %get3A_671 = arith.constant 48 : index
      %get3A_672 = tpu.vector_load %arg7[%get3A_670, %get3A_671] {strides = array<i32>} : memref<128x64xf32, #tpu.memory_space<vmem>>, vector<16xf32>,
      %get3A_673 = arith.index_cast %add3A_646 : i32 to index
      %get3A_674 = arith.constant 48 : index
      %get3A_675 = tpu.vector_load %arg8[%get3A_673, %get3A_674] {strides = array<i32>} : memref<128x64xf32, #tpu.memory_space<vmem>>, vector<16xf32>,
      %mul3A_676 = arith.mulf %get3A_672, %get3A_675 : vector<16xf32>
      %add3A_677 = arith.addf %add3A_669, %mul3A_676 : vector<16xf32>
      %swap3A_678 = arith.index_cast %add3A_646 : i32 to index
      %swap3A_679 = arith.constant 0 : index
      %swap3A_680 = tpu.vector_load %arg9[%swap3A_678, %swap3A_679] {strides = array<i32>} : memref<128x17xf32, #tpu.memory_space<vmem>>, vector<16xf32>,
      tpu.vector_store %arg9[%swap3A_678, %swap3A_679], %add3A_677 {strides = array<i32>} : memref<128x17xf32, #tpu.memory_space<vmem>>, vector<16xf32>,
      %add3A_681 = vector.broadcast %mul3A_106 : i32 to vector<16xi32>
      %add3A_682 = arith.addi %add3A_681, %iota3A : vector<16xi32>
      %broadcast_in_dim3A = arith.constant 0 : i32
      %broadcast_in_dim3A_683 = vector.broadcast %broadcast_in_dim3A : i32 to vector<16xi32>
      %gather3A = tpu.vector_load_idx %arg9[%add3A_682, %broadcast_in_dim3A_683] : memref<128x17xf32, #tpu.memory_space<vmem>>[vector<16xi32>, vector<16xi32>], vector<16xf32>,
      %broadcast_in_dim3A_684 = arith.constant 1 : i32
      %broadcast_in_dim3A_685 = vector.broadcast %broadcast_in_dim3A_684 : i32 to vector<16xi32>
      %gather3A_686 = tpu.vector_load_idx %arg9[%add3A_682, %broadcast_in_dim3A_685] : memref<128x17xf32, #tpu.memory_space<vmem>>[vector<16xi32>, vector<16xi32>], vector<16xf32>,
      %broadcast_in_dim3A_687 = arith.constant 2 : i32
      %broadcast_in_dim3A_688 = vector.broadcast %broadcast_in_dim3A_687 : i32 to vector<16xi32>
      %gather3A_689 = tpu.vector_load_idx %arg9[%add3A_682, %broadcast_in_dim3A_688] : memref<128x17xf32, #tpu.memory_space<vmem>>[vector<16xi32>, vector<16xi32>], vector<16xf32>,
      %broadcast_in_dim3A_690 = arith.constant 3 : i32
      %broadcast_in_dim3A_691 = vector.broadcast %broadcast_in_dim3A_690 : i32 to vector<16xi32>
      %gather3A_692 = tpu.vector_load_idx %arg9[%add3A_682, %broadcast_in_dim3A_691] : memref<128x17xf32, #tpu.memory_space<vmem>>[vector<16xi32>, vector<16xi32>], vector<16xf32>,
      %broadcast_in_dim3A_693 = arith.constant 4 : i32
      %broadcast_in_dim3A_694 = vector.broadcast %broadcast_in_dim3A_693 : i32 to vector<16xi32>
      %gather3A_695 = tpu.vector_load_idx %arg9[%add3A_682, %broadcast_in_dim3A_694] : memref<128x17xf32, #tpu.memory_space<vmem>>[vector<16xi32>, vector<16xi32>], vector<16xf32>,
      %broadcast_in_dim3A_696 = arith.constant 5 : i32
      %broadcast_in_dim3A_697 = vector.broadcast %broadcast_in_dim3A_696 : i32 to vector<16xi32>
      %gather3A_698 = tpu.vector_load_idx %arg9[%add3A_682, %broadcast_in_dim3A_697] : memref<128x17xf32, #tpu.memory_space<vmem>>[vector<16xi32>, vector<16xi32>], vector<16xf32>,
      %broadcast_in_dim3A_699 = arith.constant 6 : i32
      %broadcast_in_dim3A_700 = vector.broadcast %broadcast_in_dim3A_699 : i32 to vector<16xi32>
      %gather3A_701 = tpu.vector_load_idx %arg9[%add3A_682, %broadcast_in_dim3A_700] : memref<128x17xf32, #tpu.memory_space<vmem>>[vector<16xi32>, vector<16xi32>], vector<16xf32>,
      %broadcast_in_dim3A_702 = arith.constant 7 : i32
      %broadcast_in_dim3A_703 = vector.broadcast %broadcast_in_dim3A_702 : i32 to vector<16xi32>
      %gather3A_704 = tpu.vector_load_idx %arg9[%add3A_682, %broadcast_in_dim3A_703] : memref<128x17xf32, #tpu.memory_space<vmem>>[vector<16xi32>, vector<16xi32>], vector<16xf32>,
      %broadcast_in_dim3A_705 = arith.constant 8 : i32
      %broadcast_in_dim3A_706 = vector.broadcast %broadcast_in_dim3A_705 : i32 to vector<16xi32>
      %gather3A_707 = tpu.vector_load_idx %arg9[%add3A_682, %broadcast_in_dim3A_706] : memref<128x17xf32, #tpu.memory_space<vmem>>[vector<16xi32>, vector<16xi32>], vector<16xf32>,
      %broadcast_in_dim3A_708 = arith.constant 9 : i32
      %broadcast_in_dim3A_709 = vector.broadcast %broadcast_in_dim3A_708 : i32 to vector<16xi32>
      %gather3A_710 = tpu.vector_load_idx %arg9[%add3A_682, %broadcast_in_dim3A_709] : memref<128x17xf32, #tpu.memory_space<vmem>>[vector<16xi32>, vector<16xi32>], vector<16xf32>,
      %broadcast_in_dim3A_711 = arith.constant 10 : i32
      %broadcast_in_dim3A_712 = vector.broadcast %broadcast_in_dim3A_711 : i32 to vector<16xi32>
      %gather3A_713 = tpu.vector_load_idx %arg9[%add3A_682, %broadcast_in_dim3A_712] : memref<128x17xf32, #tpu.memory_space<vmem>>[vector<16xi32>, vector<16xi32>], vector<16xf32>,
      %broadcast_in_dim3A_714 = arith.constant 11 : i32
      %broadcast_in_dim3A_715 = vector.broadcast %broadcast_in_dim3A_714 : i32 to vector<16xi32>
      %gather3A_716 = tpu.vector_load_idx %arg9[%add3A_682, %broadcast_in_dim3A_715] : memref<128x17xf32, #tpu.memory_space<vmem>>[vector<16xi32>, vector<16xi32>], vector<16xf32>,
      %broadcast_in_dim3A_717 = arith.constant 12 : i32
      %broadcast_in_dim3A_718 = vector.broadcast %broadcast_in_dim3A_717 : i32 to vector<16xi32>
      %gather3A_719 = tpu.vector_load_idx %arg9[%add3A_682, %broadcast_in_dim3A_718] : memref<128x17xf32, #tpu.memory_space<vmem>>[vector<16xi32>, vector<16xi32>], vector<16xf32>,
      %broadcast_in_dim3A_720 = arith.constant 13 : i32
      %broadcast_in_dim3A_721 = vector.broadcast %broadcast_in_dim3A_720 : i32 to vector<16xi32>
      %gather3A_722 = tpu.vector_load_idx %arg9[%add3A_682, %broadcast_in_dim3A_721] : memref<128x17xf32, #tpu.memory_space<vmem>>[vector<16xi32>, vector<16xi32>], vector<16xf32>,
      %broadcast_in_dim3A_723 = arith.constant 14 : i32
      %broadcast_in_dim3A_724 = vector.broadcast %broadcast_in_dim3A_723 : i32 to vector<16xi32>
      %gather3A_725 = tpu.vector_load_idx %arg9[%add3A_682, %broadcast_in_dim3A_724] : memref<128x17xf32, #tpu.memory_space<vmem>>[vector<16xi32>, vector<16xi32>], vector<16xf32>,
      %broadcast_in_dim3A_726 = arith.constant 15 : i32
      %broadcast_in_dim3A_727 = vector.broadcast %broadcast_in_dim3A_726 : i32 to vector<16xi32>
      %gather3A_728 = tpu.vector_load_idx %arg9[%add3A_682, %broadcast_in_dim3A_727] : memref<128x17xf32, #tpu.memory_space<vmem>>[vector<16xi32>, vector<16xi32>], vector<16xf32>,
      %add3A_729 = arith.addf %gather3A, %gather3A_686 : vector<16xf32>
      %add3A_730 = arith.addf %gather3A_689, %gather3A_692 : vector<16xf32>
      %add3A_731 = arith.addf %gather3A_695, %gather3A_698 : vector<16xf32>
      %add3A_732 = arith.addf %gather3A_701, %gather3A_704 : vector<16xf32>
      %add3A_733 = arith.addf %gather3A_707, %gather3A_710 : vector<16xf32>
      %add3A_734 = arith.addf %gather3A_713, %gather3A_716 : vector<16xf32>
      %add3A_735 = arith.addf %gather3A_719, %gather3A_722 : vector<16xf32>
      %add3A_736 = arith.addf %gather3A_725, %gather3A_728 : vector<16xf32>
      %add3A_737 = arith.addf %add3A_729, %add3A_730 : vector<16xf32>
      %add3A_738 = arith.addf %add3A_731, %add3A_732 : vector<16xf32>
      %add3A_739 = arith.addf %add3A_733, %add3A_734 : vector<16xf32>
      %add3A_740 = arith.addf %add3A_735, %add3A_736 : vector<16xf32>
      %add3A_741 = arith.addf %add3A_737, %add3A_738 : vector<16xf32>
      %add3A_742 = arith.addf %add3A_739, %add3A_740 : vector<16xf32>
      %add3A_743 = arith.addf %add3A_741, %add3A_742 : vector<16xf32>
      %mul3A_744 = arith.constant 16 : i32
      %mul3A_745 = arith.muli %scan3A_104, %mul3A_744 : i32
      %add3A_746 = arith.constant 128 : i32
      %add3A_747 = arith.addi %add3A_746, %mul3A_745 : i32
      %swap3A_748 = arith.index_cast %add3A_747 : i32 to index
      %swap3A_749 = tpu.vector_load %arg10[%swap3A_748] {strides = array<i32>} : memref<512xf32, #tpu.memory_space<vmem>>, vector<16xf32>,
      tpu.vector_store %arg10[%swap3A_748], %add3A_743 {strides = array<i32>} : memref<512xf32, #tpu.memory_space<vmem>>, vector<16xf32>,
    }
    %scan3A_63 = arith.constant 8 : i32
    %add3A_64 = arith.constant 384 : i32
    %add3A_65 = arith.addi %mul3A_2, %add3A_64 : i32
    %dma_start3A_66 = arith.constant 0 : i32
    %dma_start3A_67 = tpu.memref_slice %arg2[%add3A_65, %dma_start3A_66] : memref<16384x64xf32, #tpu.memory_space<hbm>> -> memref<128x64xf32, #tpu.memory_space<hbm>>
    %dma_start3A_68 = arith.constant 0 : i32
    %dma_start3A_69 = tpu.memref_slice %arg2[%add3A_65, %dma_start3A_68] : memref<16384x64xf32, #tpu.memory_space<hbm>> -> memref<128x64xf32, #tpu.memory_space<hbm>>
    tpu.enqueue_dma source(%dma_start3A_69 : memref<128x64xf32, #tpu.memory_space<hbm>>) target(%arg7 : memref<128x64xf32, #tpu.memory_space<vmem>>) target_semaphore(%arg12 : memref<!tpu.dma_semaphore, #tpu.memory_space<semaphore_mem>>)
    %add3A_70 = arith.constant 384 : i32
    %add3A_71 = arith.addi %mul3A_2, %add3A_70 : i32
    %dma_start3A_72 = arith.constant 0 : i32
    %dma_start3A_73 = tpu.memref_slice %arg3[%add3A_71, %dma_start3A_72] : memref<16384x64xf32, #tpu.memory_space<hbm>> -> memref<128x64xf32, #tpu.memory_space<hbm>>
    %dma_start3A_74 = arith.constant 0 : i32
    %dma_start3A_75 = tpu.memref_slice %arg3[%add3A_71, %dma_start3A_74] : memref<16384x64xf32, #tpu.memory_space<hbm>> -> memref<128x64xf32, #tpu.memory_space<hbm>>
    tpu.enqueue_dma source(%dma_start3A_75 : memref<128x64xf32, #tpu.memory_space<hbm>>) target(%arg8 : memref<128x64xf32, #tpu.memory_space<vmem>>) target_semaphore(%arg12 : memref<!tpu.dma_semaphore, #tpu.memory_space<semaphore_mem>>)
    %dma_wait3A_76 = arith.constant 0 : i32
    %dma_wait3A_77 = tpu.memref_slice %arg2[%add3A_39, %dma_wait3A_76] : memref<16384x64xf32, #tpu.memory_space<hbm>> -> memref<128x64xf32, #tpu.memory_space<hbm>>
    %dma_wait3A_78 = arith.constant 0 : i32
    %dma_wait3A_79 = tpu.memref_slice %arg2[%add3A_39, %dma_wait3A_78] : memref<16384x64xf32, #tpu.memory_space<hbm>> -> memref<128x64xf32, #tpu.memory_space<hbm>>
    tpu.wait_dma2 semaphore(%arg11 : memref<!tpu.dma_semaphore, #tpu.memory_space<semaphore_mem>>) src(%dma_wait3A_79 : memref<128x64xf32, #tpu.memory_space<hbm>>) dst(%arg5 : memref<128x64xf32, #tpu.memory_space<vmem>>)
    %dma_wait3A_80 = arith.constant 0 : i32
    %dma_wait3A_81 = tpu.memref_slice %arg3[%add3A_45, %dma_wait3A_80] : memref<16384x64xf32, #tpu.memory_space<hbm>> -> memref<128x64xf32, #tpu.memory_space<hbm>>
    %dma_wait3A_82 = arith.constant 0 : i32
    %dma_wait3A_83 = tpu.memref_slice %arg3[%add3A_45, %dma_wait3A_82] : memref<16384x64xf32, #tpu.memory_space<hbm>> -> memref<128x64xf32, #tpu.memory_space<hbm>>
    tpu.wait_dma2 semaphore(%arg11 : memref<!tpu.dma_semaphore, #tpu.memory_space<semaphore_mem>>) src(%dma_wait3A_83 : memref<128x64xf32, #tpu.memory_space<hbm>>) dst(%arg6 : memref<128x64xf32, #tpu.memory_space<vmem>>)
    %scan3A_84 = arith.constant 0 : i32
    %scan3A_85 = arith.constant 0 : i32
    %scan3A_86 = arith.constant 8 : i32
    %scan3A_87 = arith.addi %scan3A_85, %scan3A_86 : i32
    %scan3A_88 = arith.constant 1 : i32
    scf.for %scan3A_104 = %scan3A_85 to %scan3A_87 step %scan3A_88  : i32 {
      %mul3A_105 = arith.constant 16 : i32
      %mul3A_106 = arith.muli %scan3A_104, %mul3A_105 : i32
      %add3A_107 = arith.constant 0 : i32
      %add3A_108 = arith.addi %mul3A_106, %add3A_107 : i32
      %get3A = arith.index_cast %add3A_108 : i32 to index
      %get3A_109 = arith.constant 0 : index
      %get3A_110 = tpu.vector_load %arg5[%get3A, %get3A_109] {strides = array<i32>} : memref<128x64xf32, #tpu.memory_space<vmem>>, vector<16xf32>,
      %get3A_111 = arith.index_cast %add3A_108 : i32 to index
      %get3A_112 = arith.constant 0 : index
      %get3A_113 = tpu.vector_load %arg6[%get3A_111, %get3A_112] {strides = array<i32>} : memref<128x64xf32, #tpu.memory_space<vmem>>, vector<16xf32>,
      %mul3A_114 = arith.mulf %get3A_110, %get3A_113 : vector<16xf32>
      %get3A_115 = arith.index_cast %add3A_108 : i32 to index
      %get3A_116 = arith.constant 16 : index
      %get3A_117 = tpu.vector_load %arg5[%get3A_115, %get3A_116] {strides = array<i32>} : memref<128x64xf32, #tpu.memory_space<vmem>>, vector<16xf32>,
      %get3A_118 = arith.index_cast %add3A_108 : i32 to index
      %get3A_119 = arith.constant 16 : index
      %get3A_120 = tpu.vector_load %arg6[%get3A_118, %get3A_119] {strides = array<i32>} : memref<128x64xf32, #tpu.memory_space<vmem>>, vector<16xf32>,
      %mul3A_121 = arith.mulf %get3A_117, %get3A_120 : vector<16xf32>
      %add3A_122 = arith.addf %mul3A_114, %mul3A_121 : vector<16xf32>
      %get3A_123 = arith.index_cast %add3A_108 : i32 to index
      %get3A_124 = arith.constant 32 : index
      %get3A_125 = tpu.vector_load %arg5[%get3A_123, %get3A_124] {strides = array<i32>} : memref<128x64xf32, #tpu.memory_space<vmem>>, vector<16xf32>,
      %get3A_126 = arith.index_cast %add3A_108 : i32 to index
      %get3A_127 = arith.constant 32 : index
      %get3A_128 = tpu.vector_load %arg6[%get3A_126, %get3A_127] {strides = array<i32>} : memref<128x64xf32, #tpu.memory_space<vmem>>, vector<16xf32>,
      %mul3A_129 = arith.mulf %get3A_125, %get3A_128 : vector<16xf32>
      %add3A_130 = arith.addf %add3A_122, %mul3A_129 : vector<16xf32>
      %get3A_131 = arith.index_cast %add3A_108 : i32 to index
      %get3A_132 = arith.constant 48 : index
      %get3A_133 = tpu.vector_load %arg5[%get3A_131, %get3A_132] {strides = array<i32>} : memref<128x64xf32, #tpu.memory_space<vmem>>, vector<16xf32>,
      %get3A_134 = arith.index_cast %add3A_108 : i32 to index
      %get3A_135 = arith.constant 48 : index
      %get3A_136 = tpu.vector_load %arg6[%get3A_134, %get3A_135] {strides = array<i32>} : memref<128x64xf32, #tpu.memory_space<vmem>>, vector<16xf32>,
      %mul3A_137 = arith.mulf %get3A_133, %get3A_136 : vector<16xf32>
      %add3A_138 = arith.addf %add3A_130, %mul3A_137 : vector<16xf32>
      %swap3A = arith.index_cast %add3A_108 : i32 to index
      %swap3A_139 = arith.constant 0 : index
      %swap3A_140 = tpu.vector_load %arg9[%swap3A, %swap3A_139] {strides = array<i32>} : memref<128x17xf32, #tpu.memory_space<vmem>>, vector<16xf32>,
      tpu.vector_store %arg9[%swap3A, %swap3A_139], %add3A_138 {strides = array<i32>} : memref<128x17xf32, #tpu.memory_space<vmem>>, vector<16xf32>,
      %add3A_141 = arith.constant 1 : i32
      %add3A_142 = arith.addi %mul3A_106, %add3A_141 : i32
      %get3A_143 = arith.index_cast %add3A_142 : i32 to index
      %get3A_144 = arith.constant 0 : index
      %get3A_145 = tpu.vector_load %arg5[%get3A_143, %get3A_144] {strides = array<i32>} : memref<128x64xf32, #tpu.memory_space<vmem>>, vector<16xf32>,
      %get3A_146 = arith.index_cast %add3A_142 : i32 to index
      %get3A_147 = arith.constant 0 : index
      %get3A_148 = tpu.vector_load %arg6[%get3A_146, %get3A_147] {strides = array<i32>} : memref<128x64xf32, #tpu.memory_space<vmem>>, vector<16xf32>,
      %mul3A_149 = arith.mulf %get3A_145, %get3A_148 : vector<16xf32>
      %get3A_150 = arith.index_cast %add3A_142 : i32 to index
      %get3A_151 = arith.constant 16 : index
      %get3A_152 = tpu.vector_load %arg5[%get3A_150, %get3A_151] {strides = array<i32>} : memref<128x64xf32, #tpu.memory_space<vmem>>, vector<16xf32>,
      %get3A_153 = arith.index_cast %add3A_142 : i32 to index
      %get3A_154 = arith.constant 16 : index
      %get3A_155 = tpu.vector_load %arg6[%get3A_153, %get3A_154] {strides = array<i32>} : memref<128x64xf32, #tpu.memory_space<vmem>>, vector<16xf32>,
      %mul3A_156 = arith.mulf %get3A_152, %get3A_155 : vector<16xf32>
      %add3A_157 = arith.addf %mul3A_149, %mul3A_156 : vector<16xf32>
      %get3A_158 = arith.index_cast %add3A_142 : i32 to index
      %get3A_159 = arith.constant 32 : index
      %get3A_160 = tpu.vector_load %arg5[%get3A_158, %get3A_159] {strides = array<i32>} : memref<128x64xf32, #tpu.memory_space<vmem>>, vector<16xf32>,
      %get3A_161 = arith.index_cast %add3A_142 : i32 to index
      %get3A_162 = arith.constant 32 : index
      %get3A_163 = tpu.vector_load %arg6[%get3A_161, %get3A_162] {strides = array<i32>} : memref<128x64xf32, #tpu.memory_space<vmem>>, vector<16xf32>,
      %mul3A_164 = arith.mulf %get3A_160, %get3A_163 : vector<16xf32>
      %add3A_165 = arith.addf %add3A_157, %mul3A_164 : vector<16xf32>
      %get3A_166 = arith.index_cast %add3A_142 : i32 to index
      %get3A_167 = arith.constant 48 : index
      %get3A_168 = tpu.vector_load %arg5[%get3A_166, %get3A_167] {strides = array<i32>} : memref<128x64xf32, #tpu.memory_space<vmem>>, vector<16xf32>,
      %get3A_169 = arith.index_cast %add3A_142 : i32 to index
      %get3A_170 = arith.constant 48 : index
      %get3A_171 = tpu.vector_load %arg6[%get3A_169, %get3A_170] {strides = array<i32>} : memref<128x64xf32, #tpu.memory_space<vmem>>, vector<16xf32>,
      %mul3A_172 = arith.mulf %get3A_168, %get3A_171 : vector<16xf32>
      %add3A_173 = arith.addf %add3A_165, %mul3A_172 : vector<16xf32>
      %swap3A_174 = arith.index_cast %add3A_142 : i32 to index
      %swap3A_175 = arith.constant 0 : index
      %swap3A_176 = tpu.vector_load %arg9[%swap3A_174, %swap3A_175] {strides = array<i32>} : memref<128x17xf32, #tpu.memory_space<vmem>>, vector<16xf32>,
      tpu.vector_store %arg9[%swap3A_174, %swap3A_175], %add3A_173 {strides = array<i32>} : memref<128x17xf32, #tpu.memory_space<vmem>>, vector<16xf32>,
      %add3A_177 = arith.constant 2 : i32
      %add3A_178 = arith.addi %mul3A_106, %add3A_177 : i32
      %get3A_179 = arith.index_cast %add3A_178 : i32 to index
      %get3A_180 = arith.constant 0 : index
      %get3A_181 = tpu.vector_load %arg5[%get3A_179, %get3A_180] {strides = array<i32>} : memref<128x64xf32, #tpu.memory_space<vmem>>, vector<16xf32>,
      %get3A_182 = arith.index_cast %add3A_178 : i32 to index
      %get3A_183 = arith.constant 0 : index
      %get3A_184 = tpu.vector_load %arg6[%get3A_182, %get3A_183] {strides = array<i32>} : memref<128x64xf32, #tpu.memory_space<vmem>>, vector<16xf32>,
      %mul3A_185 = arith.mulf %get3A_181, %get3A_184 : vector<16xf32>
      %get3A_186 = arith.index_cast %add3A_178 : i32 to index
      %get3A_187 = arith.constant 16 : index
      %get3A_188 = tpu.vector_load %arg5[%get3A_186, %get3A_187] {strides = array<i32>} : memref<128x64xf32, #tpu.memory_space<vmem>>, vector<16xf32>,
      %get3A_189 = arith.index_cast %add3A_178 : i32 to index
      %get3A_190 = arith.constant 16 : index
      %get3A_191 = tpu.vector_load %arg6[%get3A_189, %get3A_190] {strides = array<i32>} : memref<128x64xf32, #tpu.memory_space<vmem>>, vector<16xf32>,
      %mul3A_192 = arith.mulf %get3A_188, %get3A_191 : vector<16xf32>
      %add3A_193 = arith.addf %mul3A_185, %mul3A_192 : vector<16xf32>
      %get3A_194 = arith.index_cast %add3A_178 : i32 to index
      %get3A_195 = arith.constant 32 : index
      %get3A_196 = tpu.vector_load %arg5[%get3A_194, %get3A_195] {strides = array<i32>} : memref<128x64xf32, #tpu.memory_space<vmem>>, vector<16xf32>,
      %get3A_197 = arith.index_cast %add3A_178 : i32 to index
      %get3A_198 = arith.constant 32 : index
      %get3A_199 = tpu.vector_load %arg6[%get3A_197, %get3A_198] {strides = array<i32>} : memref<128x64xf32, #tpu.memory_space<vmem>>, vector<16xf32>,
      %mul3A_200 = arith.mulf %get3A_196, %get3A_199 : vector<16xf32>
      %add3A_201 = arith.addf %add3A_193, %mul3A_200 : vector<16xf32>
      %get3A_202 = arith.index_cast %add3A_178 : i32 to index
      %get3A_203 = arith.constant 48 : index
      %get3A_204 = tpu.vector_load %arg5[%get3A_202, %get3A_203] {strides = array<i32>} : memref<128x64xf32, #tpu.memory_space<vmem>>, vector<16xf32>,
      %get3A_205 = arith.index_cast %add3A_178 : i32 to index
      %get3A_206 = arith.constant 48 : index
      %get3A_207 = tpu.vector_load %arg6[%get3A_205, %get3A_206] {strides = array<i32>} : memref<128x64xf32, #tpu.memory_space<vmem>>, vector<16xf32>,
      %mul3A_208 = arith.mulf %get3A_204, %get3A_207 : vector<16xf32>
      %add3A_209 = arith.addf %add3A_201, %mul3A_208 : vector<16xf32>
      %swap3A_210 = arith.index_cast %add3A_178 : i32 to index
      %swap3A_211 = arith.constant 0 : index
      %swap3A_212 = tpu.vector_load %arg9[%swap3A_210, %swap3A_211] {strides = array<i32>} : memref<128x17xf32, #tpu.memory_space<vmem>>, vector<16xf32>,
      tpu.vector_store %arg9[%swap3A_210, %swap3A_211], %add3A_209 {strides = array<i32>} : memref<128x17xf32, #tpu.memory_space<vmem>>, vector<16xf32>,
      %add3A_213 = arith.constant 3 : i32
      %add3A_214 = arith.addi %mul3A_106, %add3A_213 : i32
      %get3A_215 = arith.index_cast %add3A_214 : i32 to index
      %get3A_216 = arith.constant 0 : index
      %get3A_217 = tpu.vector_load %arg5[%get3A_215, %get3A_216] {strides = array<i32>} : memref<128x64xf32, #tpu.memory_space<vmem>>, vector<16xf32>,
      %get3A_218 = arith.index_cast %add3A_214 : i32 to index
      %get3A_219 = arith.constant 0 : index
      %get3A_220 = tpu.vector_load %arg6[%get3A_218, %get3A_219] {strides = array<i32>} : memref<128x64xf32, #tpu.memory_space<vmem>>, vector<16xf32>,
      %mul3A_221 = arith.mulf %get3A_217, %get3A_220 : vector<16xf32>
      %get3A_222 = arith.index_cast %add3A_214 : i32 to index
      %get3A_223 = arith.constant 16 : index
      %get3A_224 = tpu.vector_load %arg5[%get3A_222, %get3A_223] {strides = array<i32>} : memref<128x64xf32, #tpu.memory_space<vmem>>, vector<16xf32>,
      %get3A_225 = arith.index_cast %add3A_214 : i32 to index
      %get3A_226 = arith.constant 16 : index
      %get3A_227 = tpu.vector_load %arg6[%get3A_225, %get3A_226] {strides = array<i32>} : memref<128x64xf32, #tpu.memory_space<vmem>>, vector<16xf32>,
      %mul3A_228 = arith.mulf %get3A_224, %get3A_227 : vector<16xf32>
      %add3A_229 = arith.addf %mul3A_221, %mul3A_228 : vector<16xf32>
      %get3A_230 = arith.index_cast %add3A_214 : i32 to index
      %get3A_231 = arith.constant 32 : index
      %get3A_232 = tpu.vector_load %arg5[%get3A_230, %get3A_231] {strides = array<i32>} : memref<128x64xf32, #tpu.memory_space<vmem>>, vector<16xf32>,
      %get3A_233 = arith.index_cast %add3A_214 : i32 to index
      %get3A_234 = arith.constant 32 : index
      %get3A_235 = tpu.vector_load %arg6[%get3A_233, %get3A_234] {strides = array<i32>} : memref<128x64xf32, #tpu.memory_space<vmem>>, vector<16xf32>,
      %mul3A_236 = arith.mulf %get3A_232, %get3A_235 : vector<16xf32>
      %add3A_237 = arith.addf %add3A_229, %mul3A_236 : vector<16xf32>
      %get3A_238 = arith.index_cast %add3A_214 : i32 to index
      %get3A_239 = arith.constant 48 : index
      %get3A_240 = tpu.vector_load %arg5[%get3A_238, %get3A_239] {strides = array<i32>} : memref<128x64xf32, #tpu.memory_space<vmem>>, vector<16xf32>,
      %get3A_241 = arith.index_cast %add3A_214 : i32 to index
      %get3A_242 = arith.constant 48 : index
      %get3A_243 = tpu.vector_load %arg6[%get3A_241, %get3A_242] {strides = array<i32>} : memref<128x64xf32, #tpu.memory_space<vmem>>, vector<16xf32>,
      %mul3A_244 = arith.mulf %get3A_240, %get3A_243 : vector<16xf32>
      %add3A_245 = arith.addf %add3A_237, %mul3A_244 : vector<16xf32>
      %swap3A_246 = arith.index_cast %add3A_214 : i32 to index
      %swap3A_247 = arith.constant 0 : index
      %swap3A_248 = tpu.vector_load %arg9[%swap3A_246, %swap3A_247] {strides = array<i32>} : memref<128x17xf32, #tpu.memory_space<vmem>>, vector<16xf32>,
      tpu.vector_store %arg9[%swap3A_246, %swap3A_247], %add3A_245 {strides = array<i32>} : memref<128x17xf32, #tpu.memory_space<vmem>>, vector<16xf32>,
      %add3A_249 = arith.constant 4 : i32
      %add3A_250 = arith.addi %mul3A_106, %add3A_249 : i32
      %get3A_251 = arith.index_cast %add3A_250 : i32 to index
      %get3A_252 = arith.constant 0 : index
      %get3A_253 = tpu.vector_load %arg5[%get3A_251, %get3A_252] {strides = array<i32>} : memref<128x64xf32, #tpu.memory_space<vmem>>, vector<16xf32>,
      %get3A_254 = arith.index_cast %add3A_250 : i32 to index
      %get3A_255 = arith.constant 0 : index
      %get3A_256 = tpu.vector_load %arg6[%get3A_254, %get3A_255] {strides = array<i32>} : memref<128x64xf32, #tpu.memory_space<vmem>>, vector<16xf32>,
      %mul3A_257 = arith.mulf %get3A_253, %get3A_256 : vector<16xf32>
      %get3A_258 = arith.index_cast %add3A_250 : i32 to index
      %get3A_259 = arith.constant 16 : index
      %get3A_260 = tpu.vector_load %arg5[%get3A_258, %get3A_259] {strides = array<i32>} : memref<128x64xf32, #tpu.memory_space<vmem>>, vector<16xf32>,
      %get3A_261 = arith.index_cast %add3A_250 : i32 to index
      %get3A_262 = arith.constant 16 : index
      %get3A_263 = tpu.vector_load %arg6[%get3A_261, %get3A_262] {strides = array<i32>} : memref<128x64xf32, #tpu.memory_space<vmem>>, vector<16xf32>,
      %mul3A_264 = arith.mulf %get3A_260, %get3A_263 : vector<16xf32>
      %add3A_265 = arith.addf %mul3A_257, %mul3A_264 : vector<16xf32>
      %get3A_266 = arith.index_cast %add3A_250 : i32 to index
      %get3A_267 = arith.constant 32 : index
      %get3A_268 = tpu.vector_load %arg5[%get3A_266, %get3A_267] {strides = array<i32>} : memref<128x64xf32, #tpu.memory_space<vmem>>, vector<16xf32>,
      %get3A_269 = arith.index_cast %add3A_250 : i32 to index
      %get3A_270 = arith.constant 32 : index
      %get3A_271 = tpu.vector_load %arg6[%get3A_269, %get3A_270] {strides = array<i32>} : memref<128x64xf32, #tpu.memory_space<vmem>>, vector<16xf32>,
      %mul3A_272 = arith.mulf %get3A_268, %get3A_271 : vector<16xf32>
      %add3A_273 = arith.addf %add3A_265, %mul3A_272 : vector<16xf32>
      %get3A_274 = arith.index_cast %add3A_250 : i32 to index
      %get3A_275 = arith.constant 48 : index
      %get3A_276 = tpu.vector_load %arg5[%get3A_274, %get3A_275] {strides = array<i32>} : memref<128x64xf32, #tpu.memory_space<vmem>>, vector<16xf32>,
      %get3A_277 = arith.index_cast %add3A_250 : i32 to index
      %get3A_278 = arith.constant 48 : index
      %get3A_279 = tpu.vector_load %arg6[%get3A_277, %get3A_278] {strides = array<i32>} : memref<128x64xf32, #tpu.memory_space<vmem>>, vector<16xf32>,
      %mul3A_280 = arith.mulf %get3A_276, %get3A_279 : vector<16xf32>
      %add3A_281 = arith.addf %add3A_273, %mul3A_280 : vector<16xf32>
      %swap3A_282 = arith.index_cast %add3A_250 : i32 to index
      %swap3A_283 = arith.constant 0 : index
      %swap3A_284 = tpu.vector_load %arg9[%swap3A_282, %swap3A_283] {strides = array<i32>} : memref<128x17xf32, #tpu.memory_space<vmem>>, vector<16xf32>,
      tpu.vector_store %arg9[%swap3A_282, %swap3A_283], %add3A_281 {strides = array<i32>} : memref<128x17xf32, #tpu.memory_space<vmem>>, vector<16xf32>,
      %add3A_285 = arith.constant 5 : i32
      %add3A_286 = arith.addi %mul3A_106, %add3A_285 : i32
      %get3A_287 = arith.index_cast %add3A_286 : i32 to index
      %get3A_288 = arith.constant 0 : index
      %get3A_289 = tpu.vector_load %arg5[%get3A_287, %get3A_288] {strides = array<i32>} : memref<128x64xf32, #tpu.memory_space<vmem>>, vector<16xf32>,
      %get3A_290 = arith.index_cast %add3A_286 : i32 to index
      %get3A_291 = arith.constant 0 : index
      %get3A_292 = tpu.vector_load %arg6[%get3A_290, %get3A_291] {strides = array<i32>} : memref<128x64xf32, #tpu.memory_space<vmem>>, vector<16xf32>,
      %mul3A_293 = arith.mulf %get3A_289, %get3A_292 : vector<16xf32>
      %get3A_294 = arith.index_cast %add3A_286 : i32 to index
      %get3A_295 = arith.constant 16 : index
      %get3A_296 = tpu.vector_load %arg5[%get3A_294, %get3A_295] {strides = array<i32>} : memref<128x64xf32, #tpu.memory_space<vmem>>, vector<16xf32>,
      %get3A_297 = arith.index_cast %add3A_286 : i32 to index
      %get3A_298 = arith.constant 16 : index
      %get3A_299 = tpu.vector_load %arg6[%get3A_297, %get3A_298] {strides = array<i32>} : memref<128x64xf32, #tpu.memory_space<vmem>>, vector<16xf32>,
      %mul3A_300 = arith.mulf %get3A_296, %get3A_299 : vector<16xf32>
      %add3A_301 = arith.addf %mul3A_293, %mul3A_300 : vector<16xf32>
      %get3A_302 = arith.index_cast %add3A_286 : i32 to index
      %get3A_303 = arith.constant 32 : index
      %get3A_304 = tpu.vector_load %arg5[%get3A_302, %get3A_303] {strides = array<i32>} : memref<128x64xf32, #tpu.memory_space<vmem>>, vector<16xf32>,
      %get3A_305 = arith.index_cast %add3A_286 : i32 to index
      %get3A_306 = arith.constant 32 : index
      %get3A_307 = tpu.vector_load %arg6[%get3A_305, %get3A_306] {strides = array<i32>} : memref<128x64xf32, #tpu.memory_space<vmem>>, vector<16xf32>,
      %mul3A_308 = arith.mulf %get3A_304, %get3A_307 : vector<16xf32>
      %add3A_309 = arith.addf %add3A_301, %mul3A_308 : vector<16xf32>
      %get3A_310 = arith.index_cast %add3A_286 : i32 to index
      %get3A_311 = arith.constant 48 : index
      %get3A_312 = tpu.vector_load %arg5[%get3A_310, %get3A_311] {strides = array<i32>} : memref<128x64xf32, #tpu.memory_space<vmem>>, vector<16xf32>,
      %get3A_313 = arith.index_cast %add3A_286 : i32 to index
      %get3A_314 = arith.constant 48 : index
      %get3A_315 = tpu.vector_load %arg6[%get3A_313, %get3A_314] {strides = array<i32>} : memref<128x64xf32, #tpu.memory_space<vmem>>, vector<16xf32>,
      %mul3A_316 = arith.mulf %get3A_312, %get3A_315 : vector<16xf32>
      %add3A_317 = arith.addf %add3A_309, %mul3A_316 : vector<16xf32>
      %swap3A_318 = arith.index_cast %add3A_286 : i32 to index
      %swap3A_319 = arith.constant 0 : index
      %swap3A_320 = tpu.vector_load %arg9[%swap3A_318, %swap3A_319] {strides = array<i32>} : memref<128x17xf32, #tpu.memory_space<vmem>>, vector<16xf32>,
      tpu.vector_store %arg9[%swap3A_318, %swap3A_319], %add3A_317 {strides = array<i32>} : memref<128x17xf32, #tpu.memory_space<vmem>>, vector<16xf32>,
      %add3A_321 = arith.constant 6 : i32
      %add3A_322 = arith.addi %mul3A_106, %add3A_321 : i32
      %get3A_323 = arith.index_cast %add3A_322 : i32 to index
      %get3A_324 = arith.constant 0 : index
      %get3A_325 = tpu.vector_load %arg5[%get3A_323, %get3A_324] {strides = array<i32>} : memref<128x64xf32, #tpu.memory_space<vmem>>, vector<16xf32>,
      %get3A_326 = arith.index_cast %add3A_322 : i32 to index
      %get3A_327 = arith.constant 0 : index
      %get3A_328 = tpu.vector_load %arg6[%get3A_326, %get3A_327] {strides = array<i32>} : memref<128x64xf32, #tpu.memory_space<vmem>>, vector<16xf32>,
      %mul3A_329 = arith.mulf %get3A_325, %get3A_328 : vector<16xf32>
      %get3A_330 = arith.index_cast %add3A_322 : i32 to index
      %get3A_331 = arith.constant 16 : index
      %get3A_332 = tpu.vector_load %arg5[%get3A_330, %get3A_331] {strides = array<i32>} : memref<128x64xf32, #tpu.memory_space<vmem>>, vector<16xf32>,
      %get3A_333 = arith.index_cast %add3A_322 : i32 to index
      %get3A_334 = arith.constant 16 : index
      %get3A_335 = tpu.vector_load %arg6[%get3A_333, %get3A_334] {strides = array<i32>} : memref<128x64xf32, #tpu.memory_space<vmem>>, vector<16xf32>,
      %mul3A_336 = arith.mulf %get3A_332, %get3A_335 : vector<16xf32>
      %add3A_337 = arith.addf %mul3A_329, %mul3A_336 : vector<16xf32>
      %get3A_338 = arith.index_cast %add3A_322 : i32 to index
      %get3A_339 = arith.constant 32 : index
      %get3A_340 = tpu.vector_load %arg5[%get3A_338, %get3A_339] {strides = array<i32>} : memref<128x64xf32, #tpu.memory_space<vmem>>, vector<16xf32>,
      %get3A_341 = arith.index_cast %add3A_322 : i32 to index
      %get3A_342 = arith.constant 32 : index
      %get3A_343 = tpu.vector_load %arg6[%get3A_341, %get3A_342] {strides = array<i32>} : memref<128x64xf32, #tpu.memory_space<vmem>>, vector<16xf32>,
      %mul3A_344 = arith.mulf %get3A_340, %get3A_343 : vector<16xf32>
      %add3A_345 = arith.addf %add3A_337, %mul3A_344 : vector<16xf32>
      %get3A_346 = arith.index_cast %add3A_322 : i32 to index
      %get3A_347 = arith.constant 48 : index
      %get3A_348 = tpu.vector_load %arg5[%get3A_346, %get3A_347] {strides = array<i32>} : memref<128x64xf32, #tpu.memory_space<vmem>>, vector<16xf32>,
      %get3A_349 = arith.index_cast %add3A_322 : i32 to index
      %get3A_350 = arith.constant 48 : index
      %get3A_351 = tpu.vector_load %arg6[%get3A_349, %get3A_350] {strides = array<i32>} : memref<128x64xf32, #tpu.memory_space<vmem>>, vector<16xf32>,
      %mul3A_352 = arith.mulf %get3A_348, %get3A_351 : vector<16xf32>
      %add3A_353 = arith.addf %add3A_345, %mul3A_352 : vector<16xf32>
      %swap3A_354 = arith.index_cast %add3A_322 : i32 to index
      %swap3A_355 = arith.constant 0 : index
      %swap3A_356 = tpu.vector_load %arg9[%swap3A_354, %swap3A_355] {strides = array<i32>} : memref<128x17xf32, #tpu.memory_space<vmem>>, vector<16xf32>,
      tpu.vector_store %arg9[%swap3A_354, %swap3A_355], %add3A_353 {strides = array<i32>} : memref<128x17xf32, #tpu.memory_space<vmem>>, vector<16xf32>,
      %add3A_357 = arith.constant 7 : i32
      %add3A_358 = arith.addi %mul3A_106, %add3A_357 : i32
      %get3A_359 = arith.index_cast %add3A_358 : i32 to index
      %get3A_360 = arith.constant 0 : index
      %get3A_361 = tpu.vector_load %arg5[%get3A_359, %get3A_360] {strides = array<i32>} : memref<128x64xf32, #tpu.memory_space<vmem>>, vector<16xf32>,
      %get3A_362 = arith.index_cast %add3A_358 : i32 to index
      %get3A_363 = arith.constant 0 : index
      %get3A_364 = tpu.vector_load %arg6[%get3A_362, %get3A_363] {strides = array<i32>} : memref<128x64xf32, #tpu.memory_space<vmem>>, vector<16xf32>,
      %mul3A_365 = arith.mulf %get3A_361, %get3A_364 : vector<16xf32>
      %get3A_366 = arith.index_cast %add3A_358 : i32 to index
      %get3A_367 = arith.constant 16 : index
      %get3A_368 = tpu.vector_load %arg5[%get3A_366, %get3A_367] {strides = array<i32>} : memref<128x64xf32, #tpu.memory_space<vmem>>, vector<16xf32>,
      %get3A_369 = arith.index_cast %add3A_358 : i32 to index
      %get3A_370 = arith.constant 16 : index
      %get3A_371 = tpu.vector_load %arg6[%get3A_369, %get3A_370] {strides = array<i32>} : memref<128x64xf32, #tpu.memory_space<vmem>>, vector<16xf32>,
      %mul3A_372 = arith.mulf %get3A_368, %get3A_371 : vector<16xf32>
      %add3A_373 = arith.addf %mul3A_365, %mul3A_372 : vector<16xf32>
      %get3A_374 = arith.index_cast %add3A_358 : i32 to index
      %get3A_375 = arith.constant 32 : index
      %get3A_376 = tpu.vector_load %arg5[%get3A_374, %get3A_375] {strides = array<i32>} : memref<128x64xf32, #tpu.memory_space<vmem>>, vector<16xf32>,
      %get3A_377 = arith.index_cast %add3A_358 : i32 to index
      %get3A_378 = arith.constant 32 : index
      %get3A_379 = tpu.vector_load %arg6[%get3A_377, %get3A_378] {strides = array<i32>} : memref<128x64xf32, #tpu.memory_space<vmem>>, vector<16xf32>,
      %mul3A_380 = arith.mulf %get3A_376, %get3A_379 : vector<16xf32>
      %add3A_381 = arith.addf %add3A_373, %mul3A_380 : vector<16xf32>
      %get3A_382 = arith.index_cast %add3A_358 : i32 to index
      %get3A_383 = arith.constant 48 : index
      %get3A_384 = tpu.vector_load %arg5[%get3A_382, %get3A_383] {strides = array<i32>} : memref<128x64xf32, #tpu.memory_space<vmem>>, vector<16xf32>,
      %get3A_385 = arith.index_cast %add3A_358 : i32 to index
      %get3A_386 = arith.constant 48 : index
      %get3A_387 = tpu.vector_load %arg6[%get3A_385, %get3A_386] {strides = array<i32>} : memref<128x64xf32, #tpu.memory_space<vmem>>, vector<16xf32>,
      %mul3A_388 = arith.mulf %get3A_384, %get3A_387 : vector<16xf32>
      %add3A_389 = arith.addf %add3A_381, %mul3A_388 : vector<16xf32>
      %swap3A_390 = arith.index_cast %add3A_358 : i32 to index
      %swap3A_391 = arith.constant 0 : index
      %swap3A_392 = tpu.vector_load %arg9[%swap3A_390, %swap3A_391] {strides = array<i32>} : memref<128x17xf32, #tpu.memory_space<vmem>>, vector<16xf32>,
      tpu.vector_store %arg9[%swap3A_390, %swap3A_391], %add3A_389 {strides = array<i32>} : memref<128x17xf32, #tpu.memory_space<vmem>>, vector<16xf32>,
      %add3A_393 = arith.constant 8 : i32
      %add3A_394 = arith.addi %mul3A_106, %add3A_393 : i32
      %get3A_395 = arith.index_cast %add3A_394 : i32 to index
      %get3A_396 = arith.constant 0 : index
      %get3A_397 = tpu.vector_load %arg5[%get3A_395, %get3A_396] {strides = array<i32>} : memref<128x64xf32, #tpu.memory_space<vmem>>, vector<16xf32>,
      %get3A_398 = arith.index_cast %add3A_394 : i32 to index
      %get3A_399 = arith.constant 0 : index
      %get3A_400 = tpu.vector_load %arg6[%get3A_398, %get3A_399] {strides = array<i32>} : memref<128x64xf32, #tpu.memory_space<vmem>>, vector<16xf32>,
      %mul3A_401 = arith.mulf %get3A_397, %get3A_400 : vector<16xf32>
      %get3A_402 = arith.index_cast %add3A_394 : i32 to index
      %get3A_403 = arith.constant 16 : index
      %get3A_404 = tpu.vector_load %arg5[%get3A_402, %get3A_403] {strides = array<i32>} : memref<128x64xf32, #tpu.memory_space<vmem>>, vector<16xf32>,
      %get3A_405 = arith.index_cast %add3A_394 : i32 to index
      %get3A_406 = arith.constant 16 : index
      %get3A_407 = tpu.vector_load %arg6[%get3A_405, %get3A_406] {strides = array<i32>} : memref<128x64xf32, #tpu.memory_space<vmem>>, vector<16xf32>,
      %mul3A_408 = arith.mulf %get3A_404, %get3A_407 : vector<16xf32>
      %add3A_409 = arith.addf %mul3A_401, %mul3A_408 : vector<16xf32>
      %get3A_410 = arith.index_cast %add3A_394 : i32 to index
      %get3A_411 = arith.constant 32 : index
      %get3A_412 = tpu.vector_load %arg5[%get3A_410, %get3A_411] {strides = array<i32>} : memref<128x64xf32, #tpu.memory_space<vmem>>, vector<16xf32>,
      %get3A_413 = arith.index_cast %add3A_394 : i32 to index
      %get3A_414 = arith.constant 32 : index
      %get3A_415 = tpu.vector_load %arg6[%get3A_413, %get3A_414] {strides = array<i32>} : memref<128x64xf32, #tpu.memory_space<vmem>>, vector<16xf32>,
      %mul3A_416 = arith.mulf %get3A_412, %get3A_415 : vector<16xf32>
      %add3A_417 = arith.addf %add3A_409, %mul3A_416 : vector<16xf32>
      %get3A_418 = arith.index_cast %add3A_394 : i32 to index
      %get3A_419 = arith.constant 48 : index
      %get3A_420 = tpu.vector_load %arg5[%get3A_418, %get3A_419] {strides = array<i32>} : memref<128x64xf32, #tpu.memory_space<vmem>>, vector<16xf32>,
      %get3A_421 = arith.index_cast %add3A_394 : i32 to index
      %get3A_422 = arith.constant 48 : index
      %get3A_423 = tpu.vector_load %arg6[%get3A_421, %get3A_422] {strides = array<i32>} : memref<128x64xf32, #tpu.memory_space<vmem>>, vector<16xf32>,
      %mul3A_424 = arith.mulf %get3A_420, %get3A_423 : vector<16xf32>
      %add3A_425 = arith.addf %add3A_417, %mul3A_424 : vector<16xf32>
      %swap3A_426 = arith.index_cast %add3A_394 : i32 to index
      %swap3A_427 = arith.constant 0 : index
      %swap3A_428 = tpu.vector_load %arg9[%swap3A_426, %swap3A_427] {strides = array<i32>} : memref<128x17xf32, #tpu.memory_space<vmem>>, vector<16xf32>,
      tpu.vector_store %arg9[%swap3A_426, %swap3A_427], %add3A_425 {strides = array<i32>} : memref<128x17xf32, #tpu.memory_space<vmem>>, vector<16xf32>,
      %add3A_429 = arith.constant 9 : i32
      %add3A_430 = arith.addi %mul3A_106, %add3A_429 : i32
      %get3A_431 = arith.index_cast %add3A_430 : i32 to index
      %get3A_432 = arith.constant 0 : index
      %get3A_433 = tpu.vector_load %arg5[%get3A_431, %get3A_432] {strides = array<i32>} : memref<128x64xf32, #tpu.memory_space<vmem>>, vector<16xf32>,
      %get3A_434 = arith.index_cast %add3A_430 : i32 to index
      %get3A_435 = arith.constant 0 : index
      %get3A_436 = tpu.vector_load %arg6[%get3A_434, %get3A_435] {strides = array<i32>} : memref<128x64xf32, #tpu.memory_space<vmem>>, vector<16xf32>,
      %mul3A_437 = arith.mulf %get3A_433, %get3A_436 : vector<16xf32>
      %get3A_438 = arith.index_cast %add3A_430 : i32 to index
      %get3A_439 = arith.constant 16 : index
      %get3A_440 = tpu.vector_load %arg5[%get3A_438, %get3A_439] {strides = array<i32>} : memref<128x64xf32, #tpu.memory_space<vmem>>, vector<16xf32>,
      %get3A_441 = arith.index_cast %add3A_430 : i32 to index
      %get3A_442 = arith.constant 16 : index
      %get3A_443 = tpu.vector_load %arg6[%get3A_441, %get3A_442] {strides = array<i32>} : memref<128x64xf32, #tpu.memory_space<vmem>>, vector<16xf32>,
      %mul3A_444 = arith.mulf %get3A_440, %get3A_443 : vector<16xf32>
      %add3A_445 = arith.addf %mul3A_437, %mul3A_444 : vector<16xf32>
      %get3A_446 = arith.index_cast %add3A_430 : i32 to index
      %get3A_447 = arith.constant 32 : index
      %get3A_448 = tpu.vector_load %arg5[%get3A_446, %get3A_447] {strides = array<i32>} : memref<128x64xf32, #tpu.memory_space<vmem>>, vector<16xf32>,
      %get3A_449 = arith.index_cast %add3A_430 : i32 to index
      %get3A_450 = arith.constant 32 : index
      %get3A_451 = tpu.vector_load %arg6[%get3A_449, %get3A_450] {strides = array<i32>} : memref<128x64xf32, #tpu.memory_space<vmem>>, vector<16xf32>,
      %mul3A_452 = arith.mulf %get3A_448, %get3A_451 : vector<16xf32>
      %add3A_453 = arith.addf %add3A_445, %mul3A_452 : vector<16xf32>
      %get3A_454 = arith.index_cast %add3A_430 : i32 to index
      %get3A_455 = arith.constant 48 : index
      %get3A_456 = tpu.vector_load %arg5[%get3A_454, %get3A_455] {strides = array<i32>} : memref<128x64xf32, #tpu.memory_space<vmem>>, vector<16xf32>,
      %get3A_457 = arith.index_cast %add3A_430 : i32 to index
      %get3A_458 = arith.constant 48 : index
      %get3A_459 = tpu.vector_load %arg6[%get3A_457, %get3A_458] {strides = array<i32>} : memref<128x64xf32, #tpu.memory_space<vmem>>, vector<16xf32>,
      %mul3A_460 = arith.mulf %get3A_456, %get3A_459 : vector<16xf32>
      %add3A_461 = arith.addf %add3A_453, %mul3A_460 : vector<16xf32>
      %swap3A_462 = arith.index_cast %add3A_430 : i32 to index
      %swap3A_463 = arith.constant 0 : index
      %swap3A_464 = tpu.vector_load %arg9[%swap3A_462, %swap3A_463] {strides = array<i32>} : memref<128x17xf32, #tpu.memory_space<vmem>>, vector<16xf32>,
      tpu.vector_store %arg9[%swap3A_462, %swap3A_463], %add3A_461 {strides = array<i32>} : memref<128x17xf32, #tpu.memory_space<vmem>>, vector<16xf32>,
      %add3A_465 = arith.constant 10 : i32
      %add3A_466 = arith.addi %mul3A_106, %add3A_465 : i32
      %get3A_467 = arith.index_cast %add3A_466 : i32 to index
      %get3A_468 = arith.constant 0 : index
      %get3A_469 = tpu.vector_load %arg5[%get3A_467, %get3A_468] {strides = array<i32>} : memref<128x64xf32, #tpu.memory_space<vmem>>, vector<16xf32>,
      %get3A_470 = arith.index_cast %add3A_466 : i32 to index
      %get3A_471 = arith.constant 0 : index
      %get3A_472 = tpu.vector_load %arg6[%get3A_470, %get3A_471] {strides = array<i32>} : memref<128x64xf32, #tpu.memory_space<vmem>>, vector<16xf32>,
      %mul3A_473 = arith.mulf %get3A_469, %get3A_472 : vector<16xf32>
      %get3A_474 = arith.index_cast %add3A_466 : i32 to index
      %get3A_475 = arith.constant 16 : index
      %get3A_476 = tpu.vector_load %arg5[%get3A_474, %get3A_475] {strides = array<i32>} : memref<128x64xf32, #tpu.memory_space<vmem>>, vector<16xf32>,
      %get3A_477 = arith.index_cast %add3A_466 : i32 to index
      %get3A_478 = arith.constant 16 : index
      %get3A_479 = tpu.vector_load %arg6[%get3A_477, %get3A_478] {strides = array<i32>} : memref<128x64xf32, #tpu.memory_space<vmem>>, vector<16xf32>,
      %mul3A_480 = arith.mulf %get3A_476, %get3A_479 : vector<16xf32>
      %add3A_481 = arith.addf %mul3A_473, %mul3A_480 : vector<16xf32>
      %get3A_482 = arith.index_cast %add3A_466 : i32 to index
      %get3A_483 = arith.constant 32 : index
      %get3A_484 = tpu.vector_load %arg5[%get3A_482, %get3A_483] {strides = array<i32>} : memref<128x64xf32, #tpu.memory_space<vmem>>, vector<16xf32>,
      %get3A_485 = arith.index_cast %add3A_466 : i32 to index
      %get3A_486 = arith.constant 32 : index
      %get3A_487 = tpu.vector_load %arg6[%get3A_485, %get3A_486] {strides = array<i32>} : memref<128x64xf32, #tpu.memory_space<vmem>>, vector<16xf32>,
      %mul3A_488 = arith.mulf %get3A_484, %get3A_487 : vector<16xf32>
      %add3A_489 = arith.addf %add3A_481, %mul3A_488 : vector<16xf32>
      %get3A_490 = arith.index_cast %add3A_466 : i32 to index
      %get3A_491 = arith.constant 48 : index
      %get3A_492 = tpu.vector_load %arg5[%get3A_490, %get3A_491] {strides = array<i32>} : memref<128x64xf32, #tpu.memory_space<vmem>>, vector<16xf32>,
      %get3A_493 = arith.index_cast %add3A_466 : i32 to index
      %get3A_494 = arith.constant 48 : index
      %get3A_495 = tpu.vector_load %arg6[%get3A_493, %get3A_494] {strides = array<i32>} : memref<128x64xf32, #tpu.memory_space<vmem>>, vector<16xf32>,
      %mul3A_496 = arith.mulf %get3A_492, %get3A_495 : vector<16xf32>
      %add3A_497 = arith.addf %add3A_489, %mul3A_496 : vector<16xf32>
      %swap3A_498 = arith.index_cast %add3A_466 : i32 to index
      %swap3A_499 = arith.constant 0 : index
      %swap3A_500 = tpu.vector_load %arg9[%swap3A_498, %swap3A_499] {strides = array<i32>} : memref<128x17xf32, #tpu.memory_space<vmem>>, vector<16xf32>,
      tpu.vector_store %arg9[%swap3A_498, %swap3A_499], %add3A_497 {strides = array<i32>} : memref<128x17xf32, #tpu.memory_space<vmem>>, vector<16xf32>,
      %add3A_501 = arith.constant 11 : i32
      %add3A_502 = arith.addi %mul3A_106, %add3A_501 : i32
      %get3A_503 = arith.index_cast %add3A_502 : i32 to index
      %get3A_504 = arith.constant 0 : index
      %get3A_505 = tpu.vector_load %arg5[%get3A_503, %get3A_504] {strides = array<i32>} : memref<128x64xf32, #tpu.memory_space<vmem>>, vector<16xf32>,
      %get3A_506 = arith.index_cast %add3A_502 : i32 to index
      %get3A_507 = arith.constant 0 : index
      %get3A_508 = tpu.vector_load %arg6[%get3A_506, %get3A_507] {strides = array<i32>} : memref<128x64xf32, #tpu.memory_space<vmem>>, vector<16xf32>,
      %mul3A_509 = arith.mulf %get3A_505, %get3A_508 : vector<16xf32>
      %get3A_510 = arith.index_cast %add3A_502 : i32 to index
      %get3A_511 = arith.constant 16 : index
      %get3A_512 = tpu.vector_load %arg5[%get3A_510, %get3A_511] {strides = array<i32>} : memref<128x64xf32, #tpu.memory_space<vmem>>, vector<16xf32>,
      %get3A_513 = arith.index_cast %add3A_502 : i32 to index
      %get3A_514 = arith.constant 16 : index
      %get3A_515 = tpu.vector_load %arg6[%get3A_513, %get3A_514] {strides = array<i32>} : memref<128x64xf32, #tpu.memory_space<vmem>>, vector<16xf32>,
      %mul3A_516 = arith.mulf %get3A_512, %get3A_515 : vector<16xf32>
      %add3A_517 = arith.addf %mul3A_509, %mul3A_516 : vector<16xf32>
      %get3A_518 = arith.index_cast %add3A_502 : i32 to index
      %get3A_519 = arith.constant 32 : index
      %get3A_520 = tpu.vector_load %arg5[%get3A_518, %get3A_519] {strides = array<i32>} : memref<128x64xf32, #tpu.memory_space<vmem>>, vector<16xf32>,
      %get3A_521 = arith.index_cast %add3A_502 : i32 to index
      %get3A_522 = arith.constant 32 : index
      %get3A_523 = tpu.vector_load %arg6[%get3A_521, %get3A_522] {strides = array<i32>} : memref<128x64xf32, #tpu.memory_space<vmem>>, vector<16xf32>,
      %mul3A_524 = arith.mulf %get3A_520, %get3A_523 : vector<16xf32>
      %add3A_525 = arith.addf %add3A_517, %mul3A_524 : vector<16xf32>
      %get3A_526 = arith.index_cast %add3A_502 : i32 to index
      %get3A_527 = arith.constant 48 : index
      %get3A_528 = tpu.vector_load %arg5[%get3A_526, %get3A_527] {strides = array<i32>} : memref<128x64xf32, #tpu.memory_space<vmem>>, vector<16xf32>,
      %get3A_529 = arith.index_cast %add3A_502 : i32 to index
      %get3A_530 = arith.constant 48 : index
      %get3A_531 = tpu.vector_load %arg6[%get3A_529, %get3A_530] {strides = array<i32>} : memref<128x64xf32, #tpu.memory_space<vmem>>, vector<16xf32>,
      %mul3A_532 = arith.mulf %get3A_528, %get3A_531 : vector<16xf32>
      %add3A_533 = arith.addf %add3A_525, %mul3A_532 : vector<16xf32>
      %swap3A_534 = arith.index_cast %add3A_502 : i32 to index
      %swap3A_535 = arith.constant 0 : index
      %swap3A_536 = tpu.vector_load %arg9[%swap3A_534, %swap3A_535] {strides = array<i32>} : memref<128x17xf32, #tpu.memory_space<vmem>>, vector<16xf32>,
      tpu.vector_store %arg9[%swap3A_534, %swap3A_535], %add3A_533 {strides = array<i32>} : memref<128x17xf32, #tpu.memory_space<vmem>>, vector<16xf32>,
      %add3A_537 = arith.constant 12 : i32
      %add3A_538 = arith.addi %mul3A_106, %add3A_537 : i32
      %get3A_539 = arith.index_cast %add3A_538 : i32 to index
      %get3A_540 = arith.constant 0 : index
      %get3A_541 = tpu.vector_load %arg5[%get3A_539, %get3A_540] {strides = array<i32>} : memref<128x64xf32, #tpu.memory_space<vmem>>, vector<16xf32>,
      %get3A_542 = arith.index_cast %add3A_538 : i32 to index
      %get3A_543 = arith.constant 0 : index
      %get3A_544 = tpu.vector_load %arg6[%get3A_542, %get3A_543] {strides = array<i32>} : memref<128x64xf32, #tpu.memory_space<vmem>>, vector<16xf32>,
      %mul3A_545 = arith.mulf %get3A_541, %get3A_544 : vector<16xf32>
      %get3A_546 = arith.index_cast %add3A_538 : i32 to index
      %get3A_547 = arith.constant 16 : index
      %get3A_548 = tpu.vector_load %arg5[%get3A_546, %get3A_547] {strides = array<i32>} : memref<128x64xf32, #tpu.memory_space<vmem>>, vector<16xf32>,
      %get3A_549 = arith.index_cast %add3A_538 : i32 to index
      %get3A_550 = arith.constant 16 : index
      %get3A_551 = tpu.vector_load %arg6[%get3A_549, %get3A_550] {strides = array<i32>} : memref<128x64xf32, #tpu.memory_space<vmem>>, vector<16xf32>,
      %mul3A_552 = arith.mulf %get3A_548, %get3A_551 : vector<16xf32>
      %add3A_553 = arith.addf %mul3A_545, %mul3A_552 : vector<16xf32>
      %get3A_554 = arith.index_cast %add3A_538 : i32 to index
      %get3A_555 = arith.constant 32 : index
      %get3A_556 = tpu.vector_load %arg5[%get3A_554, %get3A_555] {strides = array<i32>} : memref<128x64xf32, #tpu.memory_space<vmem>>, vector<16xf32>,
      %get3A_557 = arith.index_cast %add3A_538 : i32 to index
      %get3A_558 = arith.constant 32 : index
      %get3A_559 = tpu.vector_load %arg6[%get3A_557, %get3A_558] {strides = array<i32>} : memref<128x64xf32, #tpu.memory_space<vmem>>, vector<16xf32>,
      %mul3A_560 = arith.mulf %get3A_556, %get3A_559 : vector<16xf32>
      %add3A_561 = arith.addf %add3A_553, %mul3A_560 : vector<16xf32>
      %get3A_562 = arith.index_cast %add3A_538 : i32 to index
      %get3A_563 = arith.constant 48 : index
      %get3A_564 = tpu.vector_load %arg5[%get3A_562, %get3A_563] {strides = array<i32>} : memref<128x64xf32, #tpu.memory_space<vmem>>, vector<16xf32>,
      %get3A_565 = arith.index_cast %add3A_538 : i32 to index
      %get3A_566 = arith.constant 48 : index
      %get3A_567 = tpu.vector_load %arg6[%get3A_565, %get3A_566] {strides = array<i32>} : memref<128x64xf32, #tpu.memory_space<vmem>>, vector<16xf32>,
      %mul3A_568 = arith.mulf %get3A_564, %get3A_567 : vector<16xf32>
      %add3A_569 = arith.addf %add3A_561, %mul3A_568 : vector<16xf32>
      %swap3A_570 = arith.index_cast %add3A_538 : i32 to index
      %swap3A_571 = arith.constant 0 : index
      %swap3A_572 = tpu.vector_load %arg9[%swap3A_570, %swap3A_571] {strides = array<i32>} : memref<128x17xf32, #tpu.memory_space<vmem>>, vector<16xf32>,
      tpu.vector_store %arg9[%swap3A_570, %swap3A_571], %add3A_569 {strides = array<i32>} : memref<128x17xf32, #tpu.memory_space<vmem>>, vector<16xf32>,
      %add3A_573 = arith.constant 13 : i32
      %add3A_574 = arith.addi %mul3A_106, %add3A_573 : i32
      %get3A_575 = arith.index_cast %add3A_574 : i32 to index
      %get3A_576 = arith.constant 0 : index
      %get3A_577 = tpu.vector_load %arg5[%get3A_575, %get3A_576] {strides = array<i32>} : memref<128x64xf32, #tpu.memory_space<vmem>>, vector<16xf32>,
      %get3A_578 = arith.index_cast %add3A_574 : i32 to index
      %get3A_579 = arith.constant 0 : index
      %get3A_580 = tpu.vector_load %arg6[%get3A_578, %get3A_579] {strides = array<i32>} : memref<128x64xf32, #tpu.memory_space<vmem>>, vector<16xf32>,
      %mul3A_581 = arith.mulf %get3A_577, %get3A_580 : vector<16xf32>
      %get3A_582 = arith.index_cast %add3A_574 : i32 to index
      %get3A_583 = arith.constant 16 : index
      %get3A_584 = tpu.vector_load %arg5[%get3A_582, %get3A_583] {strides = array<i32>} : memref<128x64xf32, #tpu.memory_space<vmem>>, vector<16xf32>,
      %get3A_585 = arith.index_cast %add3A_574 : i32 to index
      %get3A_586 = arith.constant 16 : index
      %get3A_587 = tpu.vector_load %arg6[%get3A_585, %get3A_586] {strides = array<i32>} : memref<128x64xf32, #tpu.memory_space<vmem>>, vector<16xf32>,
      %mul3A_588 = arith.mulf %get3A_584, %get3A_587 : vector<16xf32>
      %add3A_589 = arith.addf %mul3A_581, %mul3A_588 : vector<16xf32>
      %get3A_590 = arith.index_cast %add3A_574 : i32 to index
      %get3A_591 = arith.constant 32 : index
      %get3A_592 = tpu.vector_load %arg5[%get3A_590, %get3A_591] {strides = array<i32>} : memref<128x64xf32, #tpu.memory_space<vmem>>, vector<16xf32>,
      %get3A_593 = arith.index_cast %add3A_574 : i32 to index
      %get3A_594 = arith.constant 32 : index
      %get3A_595 = tpu.vector_load %arg6[%get3A_593, %get3A_594] {strides = array<i32>} : memref<128x64xf32, #tpu.memory_space<vmem>>, vector<16xf32>,
      %mul3A_596 = arith.mulf %get3A_592, %get3A_595 : vector<16xf32>
      %add3A_597 = arith.addf %add3A_589, %mul3A_596 : vector<16xf32>
      %get3A_598 = arith.index_cast %add3A_574 : i32 to index
      %get3A_599 = arith.constant 48 : index
      %get3A_600 = tpu.vector_load %arg5[%get3A_598, %get3A_599] {strides = array<i32>} : memref<128x64xf32, #tpu.memory_space<vmem>>, vector<16xf32>,
      %get3A_601 = arith.index_cast %add3A_574 : i32 to index
      %get3A_602 = arith.constant 48 : index
      %get3A_603 = tpu.vector_load %arg6[%get3A_601, %get3A_602] {strides = array<i32>} : memref<128x64xf32, #tpu.memory_space<vmem>>, vector<16xf32>,
      %mul3A_604 = arith.mulf %get3A_600, %get3A_603 : vector<16xf32>
      %add3A_605 = arith.addf %add3A_597, %mul3A_604 : vector<16xf32>
      %swap3A_606 = arith.index_cast %add3A_574 : i32 to index
      %swap3A_607 = arith.constant 0 : index
      %swap3A_608 = tpu.vector_load %arg9[%swap3A_606, %swap3A_607] {strides = array<i32>} : memref<128x17xf32, #tpu.memory_space<vmem>>, vector<16xf32>,
      tpu.vector_store %arg9[%swap3A_606, %swap3A_607], %add3A_605 {strides = array<i32>} : memref<128x17xf32, #tpu.memory_space<vmem>>, vector<16xf32>,
      %add3A_609 = arith.constant 14 : i32
      %add3A_610 = arith.addi %mul3A_106, %add3A_609 : i32
      %get3A_611 = arith.index_cast %add3A_610 : i32 to index
      %get3A_612 = arith.constant 0 : index
      %get3A_613 = tpu.vector_load %arg5[%get3A_611, %get3A_612] {strides = array<i32>} : memref<128x64xf32, #tpu.memory_space<vmem>>, vector<16xf32>,
      %get3A_614 = arith.index_cast %add3A_610 : i32 to index
      %get3A_615 = arith.constant 0 : index
      %get3A_616 = tpu.vector_load %arg6[%get3A_614, %get3A_615] {strides = array<i32>} : memref<128x64xf32, #tpu.memory_space<vmem>>, vector<16xf32>,
      %mul3A_617 = arith.mulf %get3A_613, %get3A_616 : vector<16xf32>
      %get3A_618 = arith.index_cast %add3A_610 : i32 to index
      %get3A_619 = arith.constant 16 : index
      %get3A_620 = tpu.vector_load %arg5[%get3A_618, %get3A_619] {strides = array<i32>} : memref<128x64xf32, #tpu.memory_space<vmem>>, vector<16xf32>,
      %get3A_621 = arith.index_cast %add3A_610 : i32 to index
      %get3A_622 = arith.constant 16 : index
      %get3A_623 = tpu.vector_load %arg6[%get3A_621, %get3A_622] {strides = array<i32>} : memref<128x64xf32, #tpu.memory_space<vmem>>, vector<16xf32>,
      %mul3A_624 = arith.mulf %get3A_620, %get3A_623 : vector<16xf32>
      %add3A_625 = arith.addf %mul3A_617, %mul3A_624 : vector<16xf32>
      %get3A_626 = arith.index_cast %add3A_610 : i32 to index
      %get3A_627 = arith.constant 32 : index
      %get3A_628 = tpu.vector_load %arg5[%get3A_626, %get3A_627] {strides = array<i32>} : memref<128x64xf32, #tpu.memory_space<vmem>>, vector<16xf32>,
      %get3A_629 = arith.index_cast %add3A_610 : i32 to index
      %get3A_630 = arith.constant 32 : index
      %get3A_631 = tpu.vector_load %arg6[%get3A_629, %get3A_630] {strides = array<i32>} : memref<128x64xf32, #tpu.memory_space<vmem>>, vector<16xf32>,
      %mul3A_632 = arith.mulf %get3A_628, %get3A_631 : vector<16xf32>
      %add3A_633 = arith.addf %add3A_625, %mul3A_632 : vector<16xf32>
      %get3A_634 = arith.index_cast %add3A_610 : i32 to index
      %get3A_635 = arith.constant 48 : index
      %get3A_636 = tpu.vector_load %arg5[%get3A_634, %get3A_635] {strides = array<i32>} : memref<128x64xf32, #tpu.memory_space<vmem>>, vector<16xf32>,
      %get3A_637 = arith.index_cast %add3A_610 : i32 to index
      %get3A_638 = arith.constant 48 : index
      %get3A_639 = tpu.vector_load %arg6[%get3A_637, %get3A_638] {strides = array<i32>} : memref<128x64xf32, #tpu.memory_space<vmem>>, vector<16xf32>,
      %mul3A_640 = arith.mulf %get3A_636, %get3A_639 : vector<16xf32>
      %add3A_641 = arith.addf %add3A_633, %mul3A_640 : vector<16xf32>
      %swap3A_642 = arith.index_cast %add3A_610 : i32 to index
      %swap3A_643 = arith.constant 0 : index
      %swap3A_644 = tpu.vector_load %arg9[%swap3A_642, %swap3A_643] {strides = array<i32>} : memref<128x17xf32, #tpu.memory_space<vmem>>, vector<16xf32>,
      tpu.vector_store %arg9[%swap3A_642, %swap3A_643], %add3A_641 {strides = array<i32>} : memref<128x17xf32, #tpu.memory_space<vmem>>, vector<16xf32>,
      %add3A_645 = arith.constant 15 : i32
      %add3A_646 = arith.addi %mul3A_106, %add3A_645 : i32
      %get3A_647 = arith.index_cast %add3A_646 : i32 to index
      %get3A_648 = arith.constant 0 : index
      %get3A_649 = tpu.vector_load %arg5[%get3A_647, %get3A_648] {strides = array<i32>} : memref<128x64xf32, #tpu.memory_space<vmem>>, vector<16xf32>,
      %get3A_650 = arith.index_cast %add3A_646 : i32 to index
      %get3A_651 = arith.constant 0 : index
      %get3A_652 = tpu.vector_load %arg6[%get3A_650, %get3A_651] {strides = array<i32>} : memref<128x64xf32, #tpu.memory_space<vmem>>, vector<16xf32>,
      %mul3A_653 = arith.mulf %get3A_649, %get3A_652 : vector<16xf32>
      %get3A_654 = arith.index_cast %add3A_646 : i32 to index
      %get3A_655 = arith.constant 16 : index
      %get3A_656 = tpu.vector_load %arg5[%get3A_654, %get3A_655] {strides = array<i32>} : memref<128x64xf32, #tpu.memory_space<vmem>>, vector<16xf32>,
      %get3A_657 = arith.index_cast %add3A_646 : i32 to index
      %get3A_658 = arith.constant 16 : index
      %get3A_659 = tpu.vector_load %arg6[%get3A_657, %get3A_658] {strides = array<i32>} : memref<128x64xf32, #tpu.memory_space<vmem>>, vector<16xf32>,
      %mul3A_660 = arith.mulf %get3A_656, %get3A_659 : vector<16xf32>
      %add3A_661 = arith.addf %mul3A_653, %mul3A_660 : vector<16xf32>
      %get3A_662 = arith.index_cast %add3A_646 : i32 to index
      %get3A_663 = arith.constant 32 : index
      %get3A_664 = tpu.vector_load %arg5[%get3A_662, %get3A_663] {strides = array<i32>} : memref<128x64xf32, #tpu.memory_space<vmem>>, vector<16xf32>,
      %get3A_665 = arith.index_cast %add3A_646 : i32 to index
      %get3A_666 = arith.constant 32 : index
      %get3A_667 = tpu.vector_load %arg6[%get3A_665, %get3A_666] {strides = array<i32>} : memref<128x64xf32, #tpu.memory_space<vmem>>, vector<16xf32>,
      %mul3A_668 = arith.mulf %get3A_664, %get3A_667 : vector<16xf32>
      %add3A_669 = arith.addf %add3A_661, %mul3A_668 : vector<16xf32>
      %get3A_670 = arith.index_cast %add3A_646 : i32 to index
      %get3A_671 = arith.constant 48 : index
      %get3A_672 = tpu.vector_load %arg5[%get3A_670, %get3A_671] {strides = array<i32>} : memref<128x64xf32, #tpu.memory_space<vmem>>, vector<16xf32>,
      %get3A_673 = arith.index_cast %add3A_646 : i32 to index
      %get3A_674 = arith.constant 48 : index
      %get3A_675 = tpu.vector_load %arg6[%get3A_673, %get3A_674] {strides = array<i32>} : memref<128x64xf32, #tpu.memory_space<vmem>>, vector<16xf32>,
      %mul3A_676 = arith.mulf %get3A_672, %get3A_675 : vector<16xf32>
      %add3A_677 = arith.addf %add3A_669, %mul3A_676 : vector<16xf32>
      %swap3A_678 = arith.index_cast %add3A_646 : i32 to index
      %swap3A_679 = arith.constant 0 : index
      %swap3A_680 = tpu.vector_load %arg9[%swap3A_678, %swap3A_679] {strides = array<i32>} : memref<128x17xf32, #tpu.memory_space<vmem>>, vector<16xf32>,
      tpu.vector_store %arg9[%swap3A_678, %swap3A_679], %add3A_677 {strides = array<i32>} : memref<128x17xf32, #tpu.memory_space<vmem>>, vector<16xf32>,
      %add3A_681 = vector.broadcast %mul3A_106 : i32 to vector<16xi32>
      %add3A_682 = arith.addi %add3A_681, %iota3A : vector<16xi32>
      %broadcast_in_dim3A = arith.constant 0 : i32
      %broadcast_in_dim3A_683 = vector.broadcast %broadcast_in_dim3A : i32 to vector<16xi32>
      %gather3A = tpu.vector_load_idx %arg9[%add3A_682, %broadcast_in_dim3A_683] : memref<128x17xf32, #tpu.memory_space<vmem>>[vector<16xi32>, vector<16xi32>], vector<16xf32>,
      %broadcast_in_dim3A_684 = arith.constant 1 : i32
      %broadcast_in_dim3A_685 = vector.broadcast %broadcast_in_dim3A_684 : i32 to vector<16xi32>
      %gather3A_686 = tpu.vector_load_idx %arg9[%add3A_682, %broadcast_in_dim3A_685] : memref<128x17xf32, #tpu.memory_space<vmem>>[vector<16xi32>, vector<16xi32>], vector<16xf32>,
      %broadcast_in_dim3A_687 = arith.constant 2 : i32
      %broadcast_in_dim3A_688 = vector.broadcast %broadcast_in_dim3A_687 : i32 to vector<16xi32>
      %gather3A_689 = tpu.vector_load_idx %arg9[%add3A_682, %broadcast_in_dim3A_688] : memref<128x17xf32, #tpu.memory_space<vmem>>[vector<16xi32>, vector<16xi32>], vector<16xf32>,
      %broadcast_in_dim3A_690 = arith.constant 3 : i32
      %broadcast_in_dim3A_691 = vector.broadcast %broadcast_in_dim3A_690 : i32 to vector<16xi32>
      %gather3A_692 = tpu.vector_load_idx %arg9[%add3A_682, %broadcast_in_dim3A_691] : memref<128x17xf32, #tpu.memory_space<vmem>>[vector<16xi32>, vector<16xi32>], vector<16xf32>,
      %broadcast_in_dim3A_693 = arith.constant 4 : i32
      %broadcast_in_dim3A_694 = vector.broadcast %broadcast_in_dim3A_693 : i32 to vector<16xi32>
      %gather3A_695 = tpu.vector_load_idx %arg9[%add3A_682, %broadcast_in_dim3A_694] : memref<128x17xf32, #tpu.memory_space<vmem>>[vector<16xi32>, vector<16xi32>], vector<16xf32>,
      %broadcast_in_dim3A_696 = arith.constant 5 : i32
      %broadcast_in_dim3A_697 = vector.broadcast %broadcast_in_dim3A_696 : i32 to vector<16xi32>
      %gather3A_698 = tpu.vector_load_idx %arg9[%add3A_682, %broadcast_in_dim3A_697] : memref<128x17xf32, #tpu.memory_space<vmem>>[vector<16xi32>, vector<16xi32>], vector<16xf32>,
      %broadcast_in_dim3A_699 = arith.constant 6 : i32
      %broadcast_in_dim3A_700 = vector.broadcast %broadcast_in_dim3A_699 : i32 to vector<16xi32>
      %gather3A_701 = tpu.vector_load_idx %arg9[%add3A_682, %broadcast_in_dim3A_700] : memref<128x17xf32, #tpu.memory_space<vmem>>[vector<16xi32>, vector<16xi32>], vector<16xf32>,
      %broadcast_in_dim3A_702 = arith.constant 7 : i32
      %broadcast_in_dim3A_703 = vector.broadcast %broadcast_in_dim3A_702 : i32 to vector<16xi32>
      %gather3A_704 = tpu.vector_load_idx %arg9[%add3A_682, %broadcast_in_dim3A_703] : memref<128x17xf32, #tpu.memory_space<vmem>>[vector<16xi32>, vector<16xi32>], vector<16xf32>,
      %broadcast_in_dim3A_705 = arith.constant 8 : i32
      %broadcast_in_dim3A_706 = vector.broadcast %broadcast_in_dim3A_705 : i32 to vector<16xi32>
      %gather3A_707 = tpu.vector_load_idx %arg9[%add3A_682, %broadcast_in_dim3A_706] : memref<128x17xf32, #tpu.memory_space<vmem>>[vector<16xi32>, vector<16xi32>], vector<16xf32>,
      %broadcast_in_dim3A_708 = arith.constant 9 : i32
      %broadcast_in_dim3A_709 = vector.broadcast %broadcast_in_dim3A_708 : i32 to vector<16xi32>
      %gather3A_710 = tpu.vector_load_idx %arg9[%add3A_682, %broadcast_in_dim3A_709] : memref<128x17xf32, #tpu.memory_space<vmem>>[vector<16xi32>, vector<16xi32>], vector<16xf32>,
      %broadcast_in_dim3A_711 = arith.constant 10 : i32
      %broadcast_in_dim3A_712 = vector.broadcast %broadcast_in_dim3A_711 : i32 to vector<16xi32>
      %gather3A_713 = tpu.vector_load_idx %arg9[%add3A_682, %broadcast_in_dim3A_712] : memref<128x17xf32, #tpu.memory_space<vmem>>[vector<16xi32>, vector<16xi32>], vector<16xf32>,
      %broadcast_in_dim3A_714 = arith.constant 11 : i32
      %broadcast_in_dim3A_715 = vector.broadcast %broadcast_in_dim3A_714 : i32 to vector<16xi32>
      %gather3A_716 = tpu.vector_load_idx %arg9[%add3A_682, %broadcast_in_dim3A_715] : memref<128x17xf32, #tpu.memory_space<vmem>>[vector<16xi32>, vector<16xi32>], vector<16xf32>,
      %broadcast_in_dim3A_717 = arith.constant 12 : i32
      %broadcast_in_dim3A_718 = vector.broadcast %broadcast_in_dim3A_717 : i32 to vector<16xi32>
      %gather3A_719 = tpu.vector_load_idx %arg9[%add3A_682, %broadcast_in_dim3A_718] : memref<128x17xf32, #tpu.memory_space<vmem>>[vector<16xi32>, vector<16xi32>], vector<16xf32>,
      %broadcast_in_dim3A_720 = arith.constant 13 : i32
      %broadcast_in_dim3A_721 = vector.broadcast %broadcast_in_dim3A_720 : i32 to vector<16xi32>
      %gather3A_722 = tpu.vector_load_idx %arg9[%add3A_682, %broadcast_in_dim3A_721] : memref<128x17xf32, #tpu.memory_space<vmem>>[vector<16xi32>, vector<16xi32>], vector<16xf32>,
      %broadcast_in_dim3A_723 = arith.constant 14 : i32
      %broadcast_in_dim3A_724 = vector.broadcast %broadcast_in_dim3A_723 : i32 to vector<16xi32>
      %gather3A_725 = tpu.vector_load_idx %arg9[%add3A_682, %broadcast_in_dim3A_724] : memref<128x17xf32, #tpu.memory_space<vmem>>[vector<16xi32>, vector<16xi32>], vector<16xf32>,
      %broadcast_in_dim3A_726 = arith.constant 15 : i32
      %broadcast_in_dim3A_727 = vector.broadcast %broadcast_in_dim3A_726 : i32 to vector<16xi32>
      %gather3A_728 = tpu.vector_load_idx %arg9[%add3A_682, %broadcast_in_dim3A_727] : memref<128x17xf32, #tpu.memory_space<vmem>>[vector<16xi32>, vector<16xi32>], vector<16xf32>,
      %add3A_729 = arith.addf %gather3A, %gather3A_686 : vector<16xf32>
      %add3A_730 = arith.addf %gather3A_689, %gather3A_692 : vector<16xf32>
      %add3A_731 = arith.addf %gather3A_695, %gather3A_698 : vector<16xf32>
      %add3A_732 = arith.addf %gather3A_701, %gather3A_704 : vector<16xf32>
      %add3A_733 = arith.addf %gather3A_707, %gather3A_710 : vector<16xf32>
      %add3A_734 = arith.addf %gather3A_713, %gather3A_716 : vector<16xf32>
      %add3A_735 = arith.addf %gather3A_719, %gather3A_722 : vector<16xf32>
      %add3A_736 = arith.addf %gather3A_725, %gather3A_728 : vector<16xf32>
      %add3A_737 = arith.addf %add3A_729, %add3A_730 : vector<16xf32>
      %add3A_738 = arith.addf %add3A_731, %add3A_732 : vector<16xf32>
      %add3A_739 = arith.addf %add3A_733, %add3A_734 : vector<16xf32>
      %add3A_740 = arith.addf %add3A_735, %add3A_736 : vector<16xf32>
      %add3A_741 = arith.addf %add3A_737, %add3A_738 : vector<16xf32>
      %add3A_742 = arith.addf %add3A_739, %add3A_740 : vector<16xf32>
      %add3A_743 = arith.addf %add3A_741, %add3A_742 : vector<16xf32>
      %mul3A_744 = arith.constant 16 : i32
      %mul3A_745 = arith.muli %scan3A_104, %mul3A_744 : i32
      %add3A_746 = arith.constant 256 : i32
      %add3A_747 = arith.addi %add3A_746, %mul3A_745 : i32
      %swap3A_748 = arith.index_cast %add3A_747 : i32 to index
      %swap3A_749 = tpu.vector_load %arg10[%swap3A_748] {strides = array<i32>} : memref<512xf32, #tpu.memory_space<vmem>>, vector<16xf32>,
      tpu.vector_store %arg10[%swap3A_748], %add3A_743 {strides = array<i32>} : memref<512xf32, #tpu.memory_space<vmem>>, vector<16xf32>,
    }
    %scan3A_89 = arith.constant 8 : i32
    %dma_wait3A_90 = arith.constant 0 : i32
    %dma_wait3A_91 = tpu.memref_slice %arg2[%add3A_65, %dma_wait3A_90] : memref<16384x64xf32, #tpu.memory_space<hbm>> -> memref<128x64xf32, #tpu.memory_space<hbm>>
    %dma_wait3A_92 = arith.constant 0 : i32
    %dma_wait3A_93 = tpu.memref_slice %arg2[%add3A_65, %dma_wait3A_92] : memref<16384x64xf32, #tpu.memory_space<hbm>> -> memref<128x64xf32, #tpu.memory_space<hbm>>
    tpu.wait_dma2 semaphore(%arg12 : memref<!tpu.dma_semaphore, #tpu.memory_space<semaphore_mem>>) src(%dma_wait3A_93 : memref<128x64xf32, #tpu.memory_space<hbm>>) dst(%arg7 : memref<128x64xf32, #tpu.memory_space<vmem>>)
    %dma_wait3A_94 = arith.constant 0 : i32
    %dma_wait3A_95 = tpu.memref_slice %arg3[%add3A_71, %dma_wait3A_94] : memref<16384x64xf32, #tpu.memory_space<hbm>> -> memref<128x64xf32, #tpu.memory_space<hbm>>
    %dma_wait3A_96 = arith.constant 0 : i32
    %dma_wait3A_97 = tpu.memref_slice %arg3[%add3A_71, %dma_wait3A_96] : memref<16384x64xf32, #tpu.memory_space<hbm>> -> memref<128x64xf32, #tpu.memory_space<hbm>>
    tpu.wait_dma2 semaphore(%arg12 : memref<!tpu.dma_semaphore, #tpu.memory_space<semaphore_mem>>) src(%dma_wait3A_97 : memref<128x64xf32, #tpu.memory_space<hbm>>) dst(%arg8 : memref<128x64xf32, #tpu.memory_space<vmem>>)
    %scan3A_98 = arith.constant 0 : i32
    %scan3A_99 = arith.constant 0 : i32
    %scan3A_100 = arith.constant 8 : i32
    %scan3A_101 = arith.addi %scan3A_99, %scan3A_100 : i32
    %scan3A_102 = arith.constant 1 : i32
    scf.for %scan3A_104 = %scan3A_99 to %scan3A_101 step %scan3A_102  : i32 {
      %mul3A_105 = arith.constant 16 : i32
      %mul3A_106 = arith.muli %scan3A_104, %mul3A_105 : i32
      %add3A_107 = arith.constant 0 : i32
      %add3A_108 = arith.addi %mul3A_106, %add3A_107 : i32
      %get3A = arith.index_cast %add3A_108 : i32 to index
      %get3A_109 = arith.constant 0 : index
      %get3A_110 = tpu.vector_load %arg7[%get3A, %get3A_109] {strides = array<i32>} : memref<128x64xf32, #tpu.memory_space<vmem>>, vector<16xf32>,
      %get3A_111 = arith.index_cast %add3A_108 : i32 to index
      %get3A_112 = arith.constant 0 : index
      %get3A_113 = tpu.vector_load %arg8[%get3A_111, %get3A_112] {strides = array<i32>} : memref<128x64xf32, #tpu.memory_space<vmem>>, vector<16xf32>,
      %mul3A_114 = arith.mulf %get3A_110, %get3A_113 : vector<16xf32>
      %get3A_115 = arith.index_cast %add3A_108 : i32 to index
      %get3A_116 = arith.constant 16 : index
      %get3A_117 = tpu.vector_load %arg7[%get3A_115, %get3A_116] {strides = array<i32>} : memref<128x64xf32, #tpu.memory_space<vmem>>, vector<16xf32>,
      %get3A_118 = arith.index_cast %add3A_108 : i32 to index
      %get3A_119 = arith.constant 16 : index
      %get3A_120 = tpu.vector_load %arg8[%get3A_118, %get3A_119] {strides = array<i32>} : memref<128x64xf32, #tpu.memory_space<vmem>>, vector<16xf32>,
      %mul3A_121 = arith.mulf %get3A_117, %get3A_120 : vector<16xf32>
      %add3A_122 = arith.addf %mul3A_114, %mul3A_121 : vector<16xf32>
      %get3A_123 = arith.index_cast %add3A_108 : i32 to index
      %get3A_124 = arith.constant 32 : index
      %get3A_125 = tpu.vector_load %arg7[%get3A_123, %get3A_124] {strides = array<i32>} : memref<128x64xf32, #tpu.memory_space<vmem>>, vector<16xf32>,
      %get3A_126 = arith.index_cast %add3A_108 : i32 to index
      %get3A_127 = arith.constant 32 : index
      %get3A_128 = tpu.vector_load %arg8[%get3A_126, %get3A_127] {strides = array<i32>} : memref<128x64xf32, #tpu.memory_space<vmem>>, vector<16xf32>,
      %mul3A_129 = arith.mulf %get3A_125, %get3A_128 : vector<16xf32>
      %add3A_130 = arith.addf %add3A_122, %mul3A_129 : vector<16xf32>
      %get3A_131 = arith.index_cast %add3A_108 : i32 to index
      %get3A_132 = arith.constant 48 : index
      %get3A_133 = tpu.vector_load %arg7[%get3A_131, %get3A_132] {strides = array<i32>} : memref<128x64xf32, #tpu.memory_space<vmem>>, vector<16xf32>,
      %get3A_134 = arith.index_cast %add3A_108 : i32 to index
      %get3A_135 = arith.constant 48 : index
      %get3A_136 = tpu.vector_load %arg8[%get3A_134, %get3A_135] {strides = array<i32>} : memref<128x64xf32, #tpu.memory_space<vmem>>, vector<16xf32>,
      %mul3A_137 = arith.mulf %get3A_133, %get3A_136 : vector<16xf32>
      %add3A_138 = arith.addf %add3A_130, %mul3A_137 : vector<16xf32>
      %swap3A = arith.index_cast %add3A_108 : i32 to index
      %swap3A_139 = arith.constant 0 : index
      %swap3A_140 = tpu.vector_load %arg9[%swap3A, %swap3A_139] {strides = array<i32>} : memref<128x17xf32, #tpu.memory_space<vmem>>, vector<16xf32>,
      tpu.vector_store %arg9[%swap3A, %swap3A_139], %add3A_138 {strides = array<i32>} : memref<128x17xf32, #tpu.memory_space<vmem>>, vector<16xf32>,
      %add3A_141 = arith.constant 1 : i32
      %add3A_142 = arith.addi %mul3A_106, %add3A_141 : i32
      %get3A_143 = arith.index_cast %add3A_142 : i32 to index
      %get3A_144 = arith.constant 0 : index
      %get3A_145 = tpu.vector_load %arg7[%get3A_143, %get3A_144] {strides = array<i32>} : memref<128x64xf32, #tpu.memory_space<vmem>>, vector<16xf32>,
      %get3A_146 = arith.index_cast %add3A_142 : i32 to index
      %get3A_147 = arith.constant 0 : index
      %get3A_148 = tpu.vector_load %arg8[%get3A_146, %get3A_147] {strides = array<i32>} : memref<128x64xf32, #tpu.memory_space<vmem>>, vector<16xf32>,
      %mul3A_149 = arith.mulf %get3A_145, %get3A_148 : vector<16xf32>
      %get3A_150 = arith.index_cast %add3A_142 : i32 to index
      %get3A_151 = arith.constant 16 : index
      %get3A_152 = tpu.vector_load %arg7[%get3A_150, %get3A_151] {strides = array<i32>} : memref<128x64xf32, #tpu.memory_space<vmem>>, vector<16xf32>,
      %get3A_153 = arith.index_cast %add3A_142 : i32 to index
      %get3A_154 = arith.constant 16 : index
      %get3A_155 = tpu.vector_load %arg8[%get3A_153, %get3A_154] {strides = array<i32>} : memref<128x64xf32, #tpu.memory_space<vmem>>, vector<16xf32>,
      %mul3A_156 = arith.mulf %get3A_152, %get3A_155 : vector<16xf32>
      %add3A_157 = arith.addf %mul3A_149, %mul3A_156 : vector<16xf32>
      %get3A_158 = arith.index_cast %add3A_142 : i32 to index
      %get3A_159 = arith.constant 32 : index
      %get3A_160 = tpu.vector_load %arg7[%get3A_158, %get3A_159] {strides = array<i32>} : memref<128x64xf32, #tpu.memory_space<vmem>>, vector<16xf32>,
      %get3A_161 = arith.index_cast %add3A_142 : i32 to index
      %get3A_162 = arith.constant 32 : index
      %get3A_163 = tpu.vector_load %arg8[%get3A_161, %get3A_162] {strides = array<i32>} : memref<128x64xf32, #tpu.memory_space<vmem>>, vector<16xf32>,
      %mul3A_164 = arith.mulf %get3A_160, %get3A_163 : vector<16xf32>
      %add3A_165 = arith.addf %add3A_157, %mul3A_164 : vector<16xf32>
      %get3A_166 = arith.index_cast %add3A_142 : i32 to index
      %get3A_167 = arith.constant 48 : index
      %get3A_168 = tpu.vector_load %arg7[%get3A_166, %get3A_167] {strides = array<i32>} : memref<128x64xf32, #tpu.memory_space<vmem>>, vector<16xf32>,
      %get3A_169 = arith.index_cast %add3A_142 : i32 to index
      %get3A_170 = arith.constant 48 : index
      %get3A_171 = tpu.vector_load %arg8[%get3A_169, %get3A_170] {strides = array<i32>} : memref<128x64xf32, #tpu.memory_space<vmem>>, vector<16xf32>,
      %mul3A_172 = arith.mulf %get3A_168, %get3A_171 : vector<16xf32>
      %add3A_173 = arith.addf %add3A_165, %mul3A_172 : vector<16xf32>
      %swap3A_174 = arith.index_cast %add3A_142 : i32 to index
      %swap3A_175 = arith.constant 0 : index
      %swap3A_176 = tpu.vector_load %arg9[%swap3A_174, %swap3A_175] {strides = array<i32>} : memref<128x17xf32, #tpu.memory_space<vmem>>, vector<16xf32>,
      tpu.vector_store %arg9[%swap3A_174, %swap3A_175], %add3A_173 {strides = array<i32>} : memref<128x17xf32, #tpu.memory_space<vmem>>, vector<16xf32>,
      %add3A_177 = arith.constant 2 : i32
      %add3A_178 = arith.addi %mul3A_106, %add3A_177 : i32
      %get3A_179 = arith.index_cast %add3A_178 : i32 to index
      %get3A_180 = arith.constant 0 : index
      %get3A_181 = tpu.vector_load %arg7[%get3A_179, %get3A_180] {strides = array<i32>} : memref<128x64xf32, #tpu.memory_space<vmem>>, vector<16xf32>,
      %get3A_182 = arith.index_cast %add3A_178 : i32 to index
      %get3A_183 = arith.constant 0 : index
      %get3A_184 = tpu.vector_load %arg8[%get3A_182, %get3A_183] {strides = array<i32>} : memref<128x64xf32, #tpu.memory_space<vmem>>, vector<16xf32>,
      %mul3A_185 = arith.mulf %get3A_181, %get3A_184 : vector<16xf32>
      %get3A_186 = arith.index_cast %add3A_178 : i32 to index
      %get3A_187 = arith.constant 16 : index
      %get3A_188 = tpu.vector_load %arg7[%get3A_186, %get3A_187] {strides = array<i32>} : memref<128x64xf32, #tpu.memory_space<vmem>>, vector<16xf32>,
      %get3A_189 = arith.index_cast %add3A_178 : i32 to index
      %get3A_190 = arith.constant 16 : index
      %get3A_191 = tpu.vector_load %arg8[%get3A_189, %get3A_190] {strides = array<i32>} : memref<128x64xf32, #tpu.memory_space<vmem>>, vector<16xf32>,
      %mul3A_192 = arith.mulf %get3A_188, %get3A_191 : vector<16xf32>
      %add3A_193 = arith.addf %mul3A_185, %mul3A_192 : vector<16xf32>
      %get3A_194 = arith.index_cast %add3A_178 : i32 to index
      %get3A_195 = arith.constant 32 : index
      %get3A_196 = tpu.vector_load %arg7[%get3A_194, %get3A_195] {strides = array<i32>} : memref<128x64xf32, #tpu.memory_space<vmem>>, vector<16xf32>,
      %get3A_197 = arith.index_cast %add3A_178 : i32 to index
      %get3A_198 = arith.constant 32 : index
      %get3A_199 = tpu.vector_load %arg8[%get3A_197, %get3A_198] {strides = array<i32>} : memref<128x64xf32, #tpu.memory_space<vmem>>, vector<16xf32>,
      %mul3A_200 = arith.mulf %get3A_196, %get3A_199 : vector<16xf32>
      %add3A_201 = arith.addf %add3A_193, %mul3A_200 : vector<16xf32>
      %get3A_202 = arith.index_cast %add3A_178 : i32 to index
      %get3A_203 = arith.constant 48 : index
      %get3A_204 = tpu.vector_load %arg7[%get3A_202, %get3A_203] {strides = array<i32>} : memref<128x64xf32, #tpu.memory_space<vmem>>, vector<16xf32>,
      %get3A_205 = arith.index_cast %add3A_178 : i32 to index
      %get3A_206 = arith.constant 48 : index
      %get3A_207 = tpu.vector_load %arg8[%get3A_205, %get3A_206] {strides = array<i32>} : memref<128x64xf32, #tpu.memory_space<vmem>>, vector<16xf32>,
      %mul3A_208 = arith.mulf %get3A_204, %get3A_207 : vector<16xf32>
      %add3A_209 = arith.addf %add3A_201, %mul3A_208 : vector<16xf32>
      %swap3A_210 = arith.index_cast %add3A_178 : i32 to index
      %swap3A_211 = arith.constant 0 : index
      %swap3A_212 = tpu.vector_load %arg9[%swap3A_210, %swap3A_211] {strides = array<i32>} : memref<128x17xf32, #tpu.memory_space<vmem>>, vector<16xf32>,
      tpu.vector_store %arg9[%swap3A_210, %swap3A_211], %add3A_209 {strides = array<i32>} : memref<128x17xf32, #tpu.memory_space<vmem>>, vector<16xf32>,
      %add3A_213 = arith.constant 3 : i32
      %add3A_214 = arith.addi %mul3A_106, %add3A_213 : i32
      %get3A_215 = arith.index_cast %add3A_214 : i32 to index
      %get3A_216 = arith.constant 0 : index
      %get3A_217 = tpu.vector_load %arg7[%get3A_215, %get3A_216] {strides = array<i32>} : memref<128x64xf32, #tpu.memory_space<vmem>>, vector<16xf32>,
      %get3A_218 = arith.index_cast %add3A_214 : i32 to index
      %get3A_219 = arith.constant 0 : index
      %get3A_220 = tpu.vector_load %arg8[%get3A_218, %get3A_219] {strides = array<i32>} : memref<128x64xf32, #tpu.memory_space<vmem>>, vector<16xf32>,
      %mul3A_221 = arith.mulf %get3A_217, %get3A_220 : vector<16xf32>
      %get3A_222 = arith.index_cast %add3A_214 : i32 to index
      %get3A_223 = arith.constant 16 : index
      %get3A_224 = tpu.vector_load %arg7[%get3A_222, %get3A_223] {strides = array<i32>} : memref<128x64xf32, #tpu.memory_space<vmem>>, vector<16xf32>,
      %get3A_225 = arith.index_cast %add3A_214 : i32 to index
      %get3A_226 = arith.constant 16 : index
      %get3A_227 = tpu.vector_load %arg8[%get3A_225, %get3A_226] {strides = array<i32>} : memref<128x64xf32, #tpu.memory_space<vmem>>, vector<16xf32>,
      %mul3A_228 = arith.mulf %get3A_224, %get3A_227 : vector<16xf32>
      %add3A_229 = arith.addf %mul3A_221, %mul3A_228 : vector<16xf32>
      %get3A_230 = arith.index_cast %add3A_214 : i32 to index
      %get3A_231 = arith.constant 32 : index
      %get3A_232 = tpu.vector_load %arg7[%get3A_230, %get3A_231] {strides = array<i32>} : memref<128x64xf32, #tpu.memory_space<vmem>>, vector<16xf32>,
      %get3A_233 = arith.index_cast %add3A_214 : i32 to index
      %get3A_234 = arith.constant 32 : index
      %get3A_235 = tpu.vector_load %arg8[%get3A_233, %get3A_234] {strides = array<i32>} : memref<128x64xf32, #tpu.memory_space<vmem>>, vector<16xf32>,
      %mul3A_236 = arith.mulf %get3A_232, %get3A_235 : vector<16xf32>
      %add3A_237 = arith.addf %add3A_229, %mul3A_236 : vector<16xf32>
      %get3A_238 = arith.index_cast %add3A_214 : i32 to index
      %get3A_239 = arith.constant 48 : index
      %get3A_240 = tpu.vector_load %arg7[%get3A_238, %get3A_239] {strides = array<i32>} : memref<128x64xf32, #tpu.memory_space<vmem>>, vector<16xf32>,
      %get3A_241 = arith.index_cast %add3A_214 : i32 to index
      %get3A_242 = arith.constant 48 : index
      %get3A_243 = tpu.vector_load %arg8[%get3A_241, %get3A_242] {strides = array<i32>} : memref<128x64xf32, #tpu.memory_space<vmem>>, vector<16xf32>,
      %mul3A_244 = arith.mulf %get3A_240, %get3A_243 : vector<16xf32>
      %add3A_245 = arith.addf %add3A_237, %mul3A_244 : vector<16xf32>
      %swap3A_246 = arith.index_cast %add3A_214 : i32 to index
      %swap3A_247 = arith.constant 0 : index
      %swap3A_248 = tpu.vector_load %arg9[%swap3A_246, %swap3A_247] {strides = array<i32>} : memref<128x17xf32, #tpu.memory_space<vmem>>, vector<16xf32>,
      tpu.vector_store %arg9[%swap3A_246, %swap3A_247], %add3A_245 {strides = array<i32>} : memref<128x17xf32, #tpu.memory_space<vmem>>, vector<16xf32>,
      %add3A_249 = arith.constant 4 : i32
      %add3A_250 = arith.addi %mul3A_106, %add3A_249 : i32
      %get3A_251 = arith.index_cast %add3A_250 : i32 to index
      %get3A_252 = arith.constant 0 : index
      %get3A_253 = tpu.vector_load %arg7[%get3A_251, %get3A_252] {strides = array<i32>} : memref<128x64xf32, #tpu.memory_space<vmem>>, vector<16xf32>,
      %get3A_254 = arith.index_cast %add3A_250 : i32 to index
      %get3A_255 = arith.constant 0 : index
      %get3A_256 = tpu.vector_load %arg8[%get3A_254, %get3A_255] {strides = array<i32>} : memref<128x64xf32, #tpu.memory_space<vmem>>, vector<16xf32>,
      %mul3A_257 = arith.mulf %get3A_253, %get3A_256 : vector<16xf32>
      %get3A_258 = arith.index_cast %add3A_250 : i32 to index
      %get3A_259 = arith.constant 16 : index
      %get3A_260 = tpu.vector_load %arg7[%get3A_258, %get3A_259] {strides = array<i32>} : memref<128x64xf32, #tpu.memory_space<vmem>>, vector<16xf32>,
      %get3A_261 = arith.index_cast %add3A_250 : i32 to index
      %get3A_262 = arith.constant 16 : index
      %get3A_263 = tpu.vector_load %arg8[%get3A_261, %get3A_262] {strides = array<i32>} : memref<128x64xf32, #tpu.memory_space<vmem>>, vector<16xf32>,
      %mul3A_264 = arith.mulf %get3A_260, %get3A_263 : vector<16xf32>
      %add3A_265 = arith.addf %mul3A_257, %mul3A_264 : vector<16xf32>
      %get3A_266 = arith.index_cast %add3A_250 : i32 to index
      %get3A_267 = arith.constant 32 : index
      %get3A_268 = tpu.vector_load %arg7[%get3A_266, %get3A_267] {strides = array<i32>} : memref<128x64xf32, #tpu.memory_space<vmem>>, vector<16xf32>,
      %get3A_269 = arith.index_cast %add3A_250 : i32 to index
      %get3A_270 = arith.constant 32 : index
      %get3A_271 = tpu.vector_load %arg8[%get3A_269, %get3A_270] {strides = array<i32>} : memref<128x64xf32, #tpu.memory_space<vmem>>, vector<16xf32>,
      %mul3A_272 = arith.mulf %get3A_268, %get3A_271 : vector<16xf32>
      %add3A_273 = arith.addf %add3A_265, %mul3A_272 : vector<16xf32>
      %get3A_274 = arith.index_cast %add3A_250 : i32 to index
      %get3A_275 = arith.constant 48 : index
      %get3A_276 = tpu.vector_load %arg7[%get3A_274, %get3A_275] {strides = array<i32>} : memref<128x64xf32, #tpu.memory_space<vmem>>, vector<16xf32>,
      %get3A_277 = arith.index_cast %add3A_250 : i32 to index
      %get3A_278 = arith.constant 48 : index
      %get3A_279 = tpu.vector_load %arg8[%get3A_277, %get3A_278] {strides = array<i32>} : memref<128x64xf32, #tpu.memory_space<vmem>>, vector<16xf32>,
      %mul3A_280 = arith.mulf %get3A_276, %get3A_279 : vector<16xf32>
      %add3A_281 = arith.addf %add3A_273, %mul3A_280 : vector<16xf32>
      %swap3A_282 = arith.index_cast %add3A_250 : i32 to index
      %swap3A_283 = arith.constant 0 : index
      %swap3A_284 = tpu.vector_load %arg9[%swap3A_282, %swap3A_283] {strides = array<i32>} : memref<128x17xf32, #tpu.memory_space<vmem>>, vector<16xf32>,
      tpu.vector_store %arg9[%swap3A_282, %swap3A_283], %add3A_281 {strides = array<i32>} : memref<128x17xf32, #tpu.memory_space<vmem>>, vector<16xf32>,
      %add3A_285 = arith.constant 5 : i32
      %add3A_286 = arith.addi %mul3A_106, %add3A_285 : i32
      %get3A_287 = arith.index_cast %add3A_286 : i32 to index
      %get3A_288 = arith.constant 0 : index
      %get3A_289 = tpu.vector_load %arg7[%get3A_287, %get3A_288] {strides = array<i32>} : memref<128x64xf32, #tpu.memory_space<vmem>>, vector<16xf32>,
      %get3A_290 = arith.index_cast %add3A_286 : i32 to index
      %get3A_291 = arith.constant 0 : index
      %get3A_292 = tpu.vector_load %arg8[%get3A_290, %get3A_291] {strides = array<i32>} : memref<128x64xf32, #tpu.memory_space<vmem>>, vector<16xf32>,
      %mul3A_293 = arith.mulf %get3A_289, %get3A_292 : vector<16xf32>
      %get3A_294 = arith.index_cast %add3A_286 : i32 to index
      %get3A_295 = arith.constant 16 : index
      %get3A_296 = tpu.vector_load %arg7[%get3A_294, %get3A_295] {strides = array<i32>} : memref<128x64xf32, #tpu.memory_space<vmem>>, vector<16xf32>,
      %get3A_297 = arith.index_cast %add3A_286 : i32 to index
      %get3A_298 = arith.constant 16 : index
      %get3A_299 = tpu.vector_load %arg8[%get3A_297, %get3A_298] {strides = array<i32>} : memref<128x64xf32, #tpu.memory_space<vmem>>, vector<16xf32>,
      %mul3A_300 = arith.mulf %get3A_296, %get3A_299 : vector<16xf32>
      %add3A_301 = arith.addf %mul3A_293, %mul3A_300 : vector<16xf32>
      %get3A_302 = arith.index_cast %add3A_286 : i32 to index
      %get3A_303 = arith.constant 32 : index
      %get3A_304 = tpu.vector_load %arg7[%get3A_302, %get3A_303] {strides = array<i32>} : memref<128x64xf32, #tpu.memory_space<vmem>>, vector<16xf32>,
      %get3A_305 = arith.index_cast %add3A_286 : i32 to index
      %get3A_306 = arith.constant 32 : index
      %get3A_307 = tpu.vector_load %arg8[%get3A_305, %get3A_306] {strides = array<i32>} : memref<128x64xf32, #tpu.memory_space<vmem>>, vector<16xf32>,
      %mul3A_308 = arith.mulf %get3A_304, %get3A_307 : vector<16xf32>
      %add3A_309 = arith.addf %add3A_301, %mul3A_308 : vector<16xf32>
      %get3A_310 = arith.index_cast %add3A_286 : i32 to index
      %get3A_311 = arith.constant 48 : index
      %get3A_312 = tpu.vector_load %arg7[%get3A_310, %get3A_311] {strides = array<i32>} : memref<128x64xf32, #tpu.memory_space<vmem>>, vector<16xf32>,
      %get3A_313 = arith.index_cast %add3A_286 : i32 to index
      %get3A_314 = arith.constant 48 : index
      %get3A_315 = tpu.vector_load %arg8[%get3A_313, %get3A_314] {strides = array<i32>} : memref<128x64xf32, #tpu.memory_space<vmem>>, vector<16xf32>,
      %mul3A_316 = arith.mulf %get3A_312, %get3A_315 : vector<16xf32>
      %add3A_317 = arith.addf %add3A_309, %mul3A_316 : vector<16xf32>
      %swap3A_318 = arith.index_cast %add3A_286 : i32 to index
      %swap3A_319 = arith.constant 0 : index
      %swap3A_320 = tpu.vector_load %arg9[%swap3A_318, %swap3A_319] {strides = array<i32>} : memref<128x17xf32, #tpu.memory_space<vmem>>, vector<16xf32>,
      tpu.vector_store %arg9[%swap3A_318, %swap3A_319], %add3A_317 {strides = array<i32>} : memref<128x17xf32, #tpu.memory_space<vmem>>, vector<16xf32>,
      %add3A_321 = arith.constant 6 : i32
      %add3A_322 = arith.addi %mul3A_106, %add3A_321 : i32
      %get3A_323 = arith.index_cast %add3A_322 : i32 to index
      %get3A_324 = arith.constant 0 : index
      %get3A_325 = tpu.vector_load %arg7[%get3A_323, %get3A_324] {strides = array<i32>} : memref<128x64xf32, #tpu.memory_space<vmem>>, vector<16xf32>,
      %get3A_326 = arith.index_cast %add3A_322 : i32 to index
      %get3A_327 = arith.constant 0 : index
      %get3A_328 = tpu.vector_load %arg8[%get3A_326, %get3A_327] {strides = array<i32>} : memref<128x64xf32, #tpu.memory_space<vmem>>, vector<16xf32>,
      %mul3A_329 = arith.mulf %get3A_325, %get3A_328 : vector<16xf32>
      %get3A_330 = arith.index_cast %add3A_322 : i32 to index
      %get3A_331 = arith.constant 16 : index
      %get3A_332 = tpu.vector_load %arg7[%get3A_330, %get3A_331] {strides = array<i32>} : memref<128x64xf32, #tpu.memory_space<vmem>>, vector<16xf32>,
      %get3A_333 = arith.index_cast %add3A_322 : i32 to index
      %get3A_334 = arith.constant 16 : index
      %get3A_335 = tpu.vector_load %arg8[%get3A_333, %get3A_334] {strides = array<i32>} : memref<128x64xf32, #tpu.memory_space<vmem>>, vector<16xf32>,
      %mul3A_336 = arith.mulf %get3A_332, %get3A_335 : vector<16xf32>
      %add3A_337 = arith.addf %mul3A_329, %mul3A_336 : vector<16xf32>
      %get3A_338 = arith.index_cast %add3A_322 : i32 to index
      %get3A_339 = arith.constant 32 : index
      %get3A_340 = tpu.vector_load %arg7[%get3A_338, %get3A_339] {strides = array<i32>} : memref<128x64xf32, #tpu.memory_space<vmem>>, vector<16xf32>,
      %get3A_341 = arith.index_cast %add3A_322 : i32 to index
      %get3A_342 = arith.constant 32 : index
      %get3A_343 = tpu.vector_load %arg8[%get3A_341, %get3A_342] {strides = array<i32>} : memref<128x64xf32, #tpu.memory_space<vmem>>, vector<16xf32>,
      %mul3A_344 = arith.mulf %get3A_340, %get3A_343 : vector<16xf32>
      %add3A_345 = arith.addf %add3A_337, %mul3A_344 : vector<16xf32>
      %get3A_346 = arith.index_cast %add3A_322 : i32 to index
      %get3A_347 = arith.constant 48 : index
      %get3A_348 = tpu.vector_load %arg7[%get3A_346, %get3A_347] {strides = array<i32>} : memref<128x64xf32, #tpu.memory_space<vmem>>, vector<16xf32>,
      %get3A_349 = arith.index_cast %add3A_322 : i32 to index
      %get3A_350 = arith.constant 48 : index
      %get3A_351 = tpu.vector_load %arg8[%get3A_349, %get3A_350] {strides = array<i32>} : memref<128x64xf32, #tpu.memory_space<vmem>>, vector<16xf32>,
      %mul3A_352 = arith.mulf %get3A_348, %get3A_351 : vector<16xf32>
      %add3A_353 = arith.addf %add3A_345, %mul3A_352 : vector<16xf32>
      %swap3A_354 = arith.index_cast %add3A_322 : i32 to index
      %swap3A_355 = arith.constant 0 : index
      %swap3A_356 = tpu.vector_load %arg9[%swap3A_354, %swap3A_355] {strides = array<i32>} : memref<128x17xf32, #tpu.memory_space<vmem>>, vector<16xf32>,
      tpu.vector_store %arg9[%swap3A_354, %swap3A_355], %add3A_353 {strides = array<i32>} : memref<128x17xf32, #tpu.memory_space<vmem>>, vector<16xf32>,
      %add3A_357 = arith.constant 7 : i32
      %add3A_358 = arith.addi %mul3A_106, %add3A_357 : i32
      %get3A_359 = arith.index_cast %add3A_358 : i32 to index
      %get3A_360 = arith.constant 0 : index
      %get3A_361 = tpu.vector_load %arg7[%get3A_359, %get3A_360] {strides = array<i32>} : memref<128x64xf32, #tpu.memory_space<vmem>>, vector<16xf32>,
      %get3A_362 = arith.index_cast %add3A_358 : i32 to index
      %get3A_363 = arith.constant 0 : index
      %get3A_364 = tpu.vector_load %arg8[%get3A_362, %get3A_363] {strides = array<i32>} : memref<128x64xf32, #tpu.memory_space<vmem>>, vector<16xf32>,
      %mul3A_365 = arith.mulf %get3A_361, %get3A_364 : vector<16xf32>
      %get3A_366 = arith.index_cast %add3A_358 : i32 to index
      %get3A_367 = arith.constant 16 : index
      %get3A_368 = tpu.vector_load %arg7[%get3A_366, %get3A_367] {strides = array<i32>} : memref<128x64xf32, #tpu.memory_space<vmem>>, vector<16xf32>,
      %get3A_369 = arith.index_cast %add3A_358 : i32 to index
      %get3A_370 = arith.constant 16 : index
      %get3A_371 = tpu.vector_load %arg8[%get3A_369, %get3A_370] {strides = array<i32>} : memref<128x64xf32, #tpu.memory_space<vmem>>, vector<16xf32>,
      %mul3A_372 = arith.mulf %get3A_368, %get3A_371 : vector<16xf32>
      %add3A_373 = arith.addf %mul3A_365, %mul3A_372 : vector<16xf32>
      %get3A_374 = arith.index_cast %add3A_358 : i32 to index
      %get3A_375 = arith.constant 32 : index
      %get3A_376 = tpu.vector_load %arg7[%get3A_374, %get3A_375] {strides = array<i32>} : memref<128x64xf32, #tpu.memory_space<vmem>>, vector<16xf32>,
      %get3A_377 = arith.index_cast %add3A_358 : i32 to index
      %get3A_378 = arith.constant 32 : index
      %get3A_379 = tpu.vector_load %arg8[%get3A_377, %get3A_378] {strides = array<i32>} : memref<128x64xf32, #tpu.memory_space<vmem>>, vector<16xf32>,
      %mul3A_380 = arith.mulf %get3A_376, %get3A_379 : vector<16xf32>
      %add3A_381 = arith.addf %add3A_373, %mul3A_380 : vector<16xf32>
      %get3A_382 = arith.index_cast %add3A_358 : i32 to index
      %get3A_383 = arith.constant 48 : index
      %get3A_384 = tpu.vector_load %arg7[%get3A_382, %get3A_383] {strides = array<i32>} : memref<128x64xf32, #tpu.memory_space<vmem>>, vector<16xf32>,
      %get3A_385 = arith.index_cast %add3A_358 : i32 to index
      %get3A_386 = arith.constant 48 : index
      %get3A_387 = tpu.vector_load %arg8[%get3A_385, %get3A_386] {strides = array<i32>} : memref<128x64xf32, #tpu.memory_space<vmem>>, vector<16xf32>,
      %mul3A_388 = arith.mulf %get3A_384, %get3A_387 : vector<16xf32>
      %add3A_389 = arith.addf %add3A_381, %mul3A_388 : vector<16xf32>
      %swap3A_390 = arith.index_cast %add3A_358 : i32 to index
      %swap3A_391 = arith.constant 0 : index
      %swap3A_392 = tpu.vector_load %arg9[%swap3A_390, %swap3A_391] {strides = array<i32>} : memref<128x17xf32, #tpu.memory_space<vmem>>, vector<16xf32>,
      tpu.vector_store %arg9[%swap3A_390, %swap3A_391], %add3A_389 {strides = array<i32>} : memref<128x17xf32, #tpu.memory_space<vmem>>, vector<16xf32>,
      %add3A_393 = arith.constant 8 : i32
      %add3A_394 = arith.addi %mul3A_106, %add3A_393 : i32
      %get3A_395 = arith.index_cast %add3A_394 : i32 to index
      %get3A_396 = arith.constant 0 : index
      %get3A_397 = tpu.vector_load %arg7[%get3A_395, %get3A_396] {strides = array<i32>} : memref<128x64xf32, #tpu.memory_space<vmem>>, vector<16xf32>,
      %get3A_398 = arith.index_cast %add3A_394 : i32 to index
      %get3A_399 = arith.constant 0 : index
      %get3A_400 = tpu.vector_load %arg8[%get3A_398, %get3A_399] {strides = array<i32>} : memref<128x64xf32, #tpu.memory_space<vmem>>, vector<16xf32>,
      %mul3A_401 = arith.mulf %get3A_397, %get3A_400 : vector<16xf32>
      %get3A_402 = arith.index_cast %add3A_394 : i32 to index
      %get3A_403 = arith.constant 16 : index
      %get3A_404 = tpu.vector_load %arg7[%get3A_402, %get3A_403] {strides = array<i32>} : memref<128x64xf32, #tpu.memory_space<vmem>>, vector<16xf32>,
      %get3A_405 = arith.index_cast %add3A_394 : i32 to index
      %get3A_406 = arith.constant 16 : index
      %get3A_407 = tpu.vector_load %arg8[%get3A_405, %get3A_406] {strides = array<i32>} : memref<128x64xf32, #tpu.memory_space<vmem>>, vector<16xf32>,
      %mul3A_408 = arith.mulf %get3A_404, %get3A_407 : vector<16xf32>
      %add3A_409 = arith.addf %mul3A_401, %mul3A_408 : vector<16xf32>
      %get3A_410 = arith.index_cast %add3A_394 : i32 to index
      %get3A_411 = arith.constant 32 : index
      %get3A_412 = tpu.vector_load %arg7[%get3A_410, %get3A_411] {strides = array<i32>} : memref<128x64xf32, #tpu.memory_space<vmem>>, vector<16xf32>,
      %get3A_413 = arith.index_cast %add3A_394 : i32 to index
      %get3A_414 = arith.constant 32 : index
      %get3A_415 = tpu.vector_load %arg8[%get3A_413, %get3A_414] {strides = array<i32>} : memref<128x64xf32, #tpu.memory_space<vmem>>, vector<16xf32>,
      %mul3A_416 = arith.mulf %get3A_412, %get3A_415 : vector<16xf32>
      %add3A_417 = arith.addf %add3A_409, %mul3A_416 : vector<16xf32>
      %get3A_418 = arith.index_cast %add3A_394 : i32 to index
      %get3A_419 = arith.constant 48 : index
      %get3A_420 = tpu.vector_load %arg7[%get3A_418, %get3A_419] {strides = array<i32>} : memref<128x64xf32, #tpu.memory_space<vmem>>, vector<16xf32>,
      %get3A_421 = arith.index_cast %add3A_394 : i32 to index
      %get3A_422 = arith.constant 48 : index
      %get3A_423 = tpu.vector_load %arg8[%get3A_421, %get3A_422] {strides = array<i32>} : memref<128x64xf32, #tpu.memory_space<vmem>>, vector<16xf32>,
      %mul3A_424 = arith.mulf %get3A_420, %get3A_423 : vector<16xf32>
      %add3A_425 = arith.addf %add3A_417, %mul3A_424 : vector<16xf32>
      %swap3A_426 = arith.index_cast %add3A_394 : i32 to index
      %swap3A_427 = arith.constant 0 : index
      %swap3A_428 = tpu.vector_load %arg9[%swap3A_426, %swap3A_427] {strides = array<i32>} : memref<128x17xf32, #tpu.memory_space<vmem>>, vector<16xf32>,
      tpu.vector_store %arg9[%swap3A_426, %swap3A_427], %add3A_425 {strides = array<i32>} : memref<128x17xf32, #tpu.memory_space<vmem>>, vector<16xf32>,
      %add3A_429 = arith.constant 9 : i32
      %add3A_430 = arith.addi %mul3A_106, %add3A_429 : i32
      %get3A_431 = arith.index_cast %add3A_430 : i32 to index
      %get3A_432 = arith.constant 0 : index
      %get3A_433 = tpu.vector_load %arg7[%get3A_431, %get3A_432] {strides = array<i32>} : memref<128x64xf32, #tpu.memory_space<vmem>>, vector<16xf32>,
      %get3A_434 = arith.index_cast %add3A_430 : i32 to index
      %get3A_435 = arith.constant 0 : index
      %get3A_436 = tpu.vector_load %arg8[%get3A_434, %get3A_435] {strides = array<i32>} : memref<128x64xf32, #tpu.memory_space<vmem>>, vector<16xf32>,
      %mul3A_437 = arith.mulf %get3A_433, %get3A_436 : vector<16xf32>
      %get3A_438 = arith.index_cast %add3A_430 : i32 to index
      %get3A_439 = arith.constant 16 : index
      %get3A_440 = tpu.vector_load %arg7[%get3A_438, %get3A_439] {strides = array<i32>} : memref<128x64xf32, #tpu.memory_space<vmem>>, vector<16xf32>,
      %get3A_441 = arith.index_cast %add3A_430 : i32 to index
      %get3A_442 = arith.constant 16 : index
      %get3A_443 = tpu.vector_load %arg8[%get3A_441, %get3A_442] {strides = array<i32>} : memref<128x64xf32, #tpu.memory_space<vmem>>, vector<16xf32>,
      %mul3A_444 = arith.mulf %get3A_440, %get3A_443 : vector<16xf32>
      %add3A_445 = arith.addf %mul3A_437, %mul3A_444 : vector<16xf32>
      %get3A_446 = arith.index_cast %add3A_430 : i32 to index
      %get3A_447 = arith.constant 32 : index
      %get3A_448 = tpu.vector_load %arg7[%get3A_446, %get3A_447] {strides = array<i32>} : memref<128x64xf32, #tpu.memory_space<vmem>>, vector<16xf32>,
      %get3A_449 = arith.index_cast %add3A_430 : i32 to index
      %get3A_450 = arith.constant 32 : index
      %get3A_451 = tpu.vector_load %arg8[%get3A_449, %get3A_450] {strides = array<i32>} : memref<128x64xf32, #tpu.memory_space<vmem>>, vector<16xf32>,
      %mul3A_452 = arith.mulf %get3A_448, %get3A_451 : vector<16xf32>
      %add3A_453 = arith.addf %add3A_445, %mul3A_452 : vector<16xf32>
      %get3A_454 = arith.index_cast %add3A_430 : i32 to index
      %get3A_455 = arith.constant 48 : index
      %get3A_456 = tpu.vector_load %arg7[%get3A_454, %get3A_455] {strides = array<i32>} : memref<128x64xf32, #tpu.memory_space<vmem>>, vector<16xf32>,
      %get3A_457 = arith.index_cast %add3A_430 : i32 to index
      %get3A_458 = arith.constant 48 : index
      %get3A_459 = tpu.vector_load %arg8[%get3A_457, %get3A_458] {strides = array<i32>} : memref<128x64xf32, #tpu.memory_space<vmem>>, vector<16xf32>,
      %mul3A_460 = arith.mulf %get3A_456, %get3A_459 : vector<16xf32>
      %add3A_461 = arith.addf %add3A_453, %mul3A_460 : vector<16xf32>
      %swap3A_462 = arith.index_cast %add3A_430 : i32 to index
      %swap3A_463 = arith.constant 0 : index
      %swap3A_464 = tpu.vector_load %arg9[%swap3A_462, %swap3A_463] {strides = array<i32>} : memref<128x17xf32, #tpu.memory_space<vmem>>, vector<16xf32>,
      tpu.vector_store %arg9[%swap3A_462, %swap3A_463], %add3A_461 {strides = array<i32>} : memref<128x17xf32, #tpu.memory_space<vmem>>, vector<16xf32>,
      %add3A_465 = arith.constant 10 : i32
      %add3A_466 = arith.addi %mul3A_106, %add3A_465 : i32
      %get3A_467 = arith.index_cast %add3A_466 : i32 to index
      %get3A_468 = arith.constant 0 : index
      %get3A_469 = tpu.vector_load %arg7[%get3A_467, %get3A_468] {strides = array<i32>} : memref<128x64xf32, #tpu.memory_space<vmem>>, vector<16xf32>,
      %get3A_470 = arith.index_cast %add3A_466 : i32 to index
      %get3A_471 = arith.constant 0 : index
      %get3A_472 = tpu.vector_load %arg8[%get3A_470, %get3A_471] {strides = array<i32>} : memref<128x64xf32, #tpu.memory_space<vmem>>, vector<16xf32>,
      %mul3A_473 = arith.mulf %get3A_469, %get3A_472 : vector<16xf32>
      %get3A_474 = arith.index_cast %add3A_466 : i32 to index
      %get3A_475 = arith.constant 16 : index
      %get3A_476 = tpu.vector_load %arg7[%get3A_474, %get3A_475] {strides = array<i32>} : memref<128x64xf32, #tpu.memory_space<vmem>>, vector<16xf32>,
      %get3A_477 = arith.index_cast %add3A_466 : i32 to index
      %get3A_478 = arith.constant 16 : index
      %get3A_479 = tpu.vector_load %arg8[%get3A_477, %get3A_478] {strides = array<i32>} : memref<128x64xf32, #tpu.memory_space<vmem>>, vector<16xf32>,
      %mul3A_480 = arith.mulf %get3A_476, %get3A_479 : vector<16xf32>
      %add3A_481 = arith.addf %mul3A_473, %mul3A_480 : vector<16xf32>
      %get3A_482 = arith.index_cast %add3A_466 : i32 to index
      %get3A_483 = arith.constant 32 : index
      %get3A_484 = tpu.vector_load %arg7[%get3A_482, %get3A_483] {strides = array<i32>} : memref<128x64xf32, #tpu.memory_space<vmem>>, vector<16xf32>,
      %get3A_485 = arith.index_cast %add3A_466 : i32 to index
      %get3A_486 = arith.constant 32 : index
      %get3A_487 = tpu.vector_load %arg8[%get3A_485, %get3A_486] {strides = array<i32>} : memref<128x64xf32, #tpu.memory_space<vmem>>, vector<16xf32>,
      %mul3A_488 = arith.mulf %get3A_484, %get3A_487 : vector<16xf32>
      %add3A_489 = arith.addf %add3A_481, %mul3A_488 : vector<16xf32>
      %get3A_490 = arith.index_cast %add3A_466 : i32 to index
      %get3A_491 = arith.constant 48 : index
      %get3A_492 = tpu.vector_load %arg7[%get3A_490, %get3A_491] {strides = array<i32>} : memref<128x64xf32, #tpu.memory_space<vmem>>, vector<16xf32>,
      %get3A_493 = arith.index_cast %add3A_466 : i32 to index
      %get3A_494 = arith.constant 48 : index
      %get3A_495 = tpu.vector_load %arg8[%get3A_493, %get3A_494] {strides = array<i32>} : memref<128x64xf32, #tpu.memory_space<vmem>>, vector<16xf32>,
      %mul3A_496 = arith.mulf %get3A_492, %get3A_495 : vector<16xf32>
      %add3A_497 = arith.addf %add3A_489, %mul3A_496 : vector<16xf32>
      %swap3A_498 = arith.index_cast %add3A_466 : i32 to index
      %swap3A_499 = arith.constant 0 : index
      %swap3A_500 = tpu.vector_load %arg9[%swap3A_498, %swap3A_499] {strides = array<i32>} : memref<128x17xf32, #tpu.memory_space<vmem>>, vector<16xf32>,
      tpu.vector_store %arg9[%swap3A_498, %swap3A_499], %add3A_497 {strides = array<i32>} : memref<128x17xf32, #tpu.memory_space<vmem>>, vector<16xf32>,
      %add3A_501 = arith.constant 11 : i32
      %add3A_502 = arith.addi %mul3A_106, %add3A_501 : i32
      %get3A_503 = arith.index_cast %add3A_502 : i32 to index
      %get3A_504 = arith.constant 0 : index
      %get3A_505 = tpu.vector_load %arg7[%get3A_503, %get3A_504] {strides = array<i32>} : memref<128x64xf32, #tpu.memory_space<vmem>>, vector<16xf32>,
      %get3A_506 = arith.index_cast %add3A_502 : i32 to index
      %get3A_507 = arith.constant 0 : index
      %get3A_508 = tpu.vector_load %arg8[%get3A_506, %get3A_507] {strides = array<i32>} : memref<128x64xf32, #tpu.memory_space<vmem>>, vector<16xf32>,
      %mul3A_509 = arith.mulf %get3A_505, %get3A_508 : vector<16xf32>
      %get3A_510 = arith.index_cast %add3A_502 : i32 to index
      %get3A_511 = arith.constant 16 : index
      %get3A_512 = tpu.vector_load %arg7[%get3A_510, %get3A_511] {strides = array<i32>} : memref<128x64xf32, #tpu.memory_space<vmem>>, vector<16xf32>,
      %get3A_513 = arith.index_cast %add3A_502 : i32 to index
      %get3A_514 = arith.constant 16 : index
      %get3A_515 = tpu.vector_load %arg8[%get3A_513, %get3A_514] {strides = array<i32>} : memref<128x64xf32, #tpu.memory_space<vmem>>, vector<16xf32>,
      %mul3A_516 = arith.mulf %get3A_512, %get3A_515 : vector<16xf32>
      %add3A_517 = arith.addf %mul3A_509, %mul3A_516 : vector<16xf32>
      %get3A_518 = arith.index_cast %add3A_502 : i32 to index
      %get3A_519 = arith.constant 32 : index
      %get3A_520 = tpu.vector_load %arg7[%get3A_518, %get3A_519] {strides = array<i32>} : memref<128x64xf32, #tpu.memory_space<vmem>>, vector<16xf32>,
      %get3A_521 = arith.index_cast %add3A_502 : i32 to index
      %get3A_522 = arith.constant 32 : index
      %get3A_523 = tpu.vector_load %arg8[%get3A_521, %get3A_522] {strides = array<i32>} : memref<128x64xf32, #tpu.memory_space<vmem>>, vector<16xf32>,
      %mul3A_524 = arith.mulf %get3A_520, %get3A_523 : vector<16xf32>
      %add3A_525 = arith.addf %add3A_517, %mul3A_524 : vector<16xf32>
      %get3A_526 = arith.index_cast %add3A_502 : i32 to index
      %get3A_527 = arith.constant 48 : index
      %get3A_528 = tpu.vector_load %arg7[%get3A_526, %get3A_527] {strides = array<i32>} : memref<128x64xf32, #tpu.memory_space<vmem>>, vector<16xf32>,
      %get3A_529 = arith.index_cast %add3A_502 : i32 to index
      %get3A_530 = arith.constant 48 : index
      %get3A_531 = tpu.vector_load %arg8[%get3A_529, %get3A_530] {strides = array<i32>} : memref<128x64xf32, #tpu.memory_space<vmem>>, vector<16xf32>,
      %mul3A_532 = arith.mulf %get3A_528, %get3A_531 : vector<16xf32>
      %add3A_533 = arith.addf %add3A_525, %mul3A_532 : vector<16xf32>
      %swap3A_534 = arith.index_cast %add3A_502 : i32 to index
      %swap3A_535 = arith.constant 0 : index
      %swap3A_536 = tpu.vector_load %arg9[%swap3A_534, %swap3A_535] {strides = array<i32>} : memref<128x17xf32, #tpu.memory_space<vmem>>, vector<16xf32>,
      tpu.vector_store %arg9[%swap3A_534, %swap3A_535], %add3A_533 {strides = array<i32>} : memref<128x17xf32, #tpu.memory_space<vmem>>, vector<16xf32>,
      %add3A_537 = arith.constant 12 : i32
      %add3A_538 = arith.addi %mul3A_106, %add3A_537 : i32
      %get3A_539 = arith.index_cast %add3A_538 : i32 to index
      %get3A_540 = arith.constant 0 : index
      %get3A_541 = tpu.vector_load %arg7[%get3A_539, %get3A_540] {strides = array<i32>} : memref<128x64xf32, #tpu.memory_space<vmem>>, vector<16xf32>,
      %get3A_542 = arith.index_cast %add3A_538 : i32 to index
      %get3A_543 = arith.constant 0 : index
      %get3A_544 = tpu.vector_load %arg8[%get3A_542, %get3A_543] {strides = array<i32>} : memref<128x64xf32, #tpu.memory_space<vmem>>, vector<16xf32>,
      %mul3A_545 = arith.mulf %get3A_541, %get3A_544 : vector<16xf32>
      %get3A_546 = arith.index_cast %add3A_538 : i32 to index
      %get3A_547 = arith.constant 16 : index
      %get3A_548 = tpu.vector_load %arg7[%get3A_546, %get3A_547] {strides = array<i32>} : memref<128x64xf32, #tpu.memory_space<vmem>>, vector<16xf32>,
      %get3A_549 = arith.index_cast %add3A_538 : i32 to index
      %get3A_550 = arith.constant 16 : index
      %get3A_551 = tpu.vector_load %arg8[%get3A_549, %get3A_550] {strides = array<i32>} : memref<128x64xf32, #tpu.memory_space<vmem>>, vector<16xf32>,
      %mul3A_552 = arith.mulf %get3A_548, %get3A_551 : vector<16xf32>
      %add3A_553 = arith.addf %mul3A_545, %mul3A_552 : vector<16xf32>
      %get3A_554 = arith.index_cast %add3A_538 : i32 to index
      %get3A_555 = arith.constant 32 : index
      %get3A_556 = tpu.vector_load %arg7[%get3A_554, %get3A_555] {strides = array<i32>} : memref<128x64xf32, #tpu.memory_space<vmem>>, vector<16xf32>,
      %get3A_557 = arith.index_cast %add3A_538 : i32 to index
      %get3A_558 = arith.constant 32 : index
      %get3A_559 = tpu.vector_load %arg8[%get3A_557, %get3A_558] {strides = array<i32>} : memref<128x64xf32, #tpu.memory_space<vmem>>, vector<16xf32>,
      %mul3A_560 = arith.mulf %get3A_556, %get3A_559 : vector<16xf32>
      %add3A_561 = arith.addf %add3A_553, %mul3A_560 : vector<16xf32>
      %get3A_562 = arith.index_cast %add3A_538 : i32 to index
      %get3A_563 = arith.constant 48 : index
      %get3A_564 = tpu.vector_load %arg7[%get3A_562, %get3A_563] {strides = array<i32>} : memref<128x64xf32, #tpu.memory_space<vmem>>, vector<16xf32>,
      %get3A_565 = arith.index_cast %add3A_538 : i32 to index
      %get3A_566 = arith.constant 48 : index
      %get3A_567 = tpu.vector_load %arg8[%get3A_565, %get3A_566] {strides = array<i32>} : memref<128x64xf32, #tpu.memory_space<vmem>>, vector<16xf32>,
      %mul3A_568 = arith.mulf %get3A_564, %get3A_567 : vector<16xf32>
      %add3A_569 = arith.addf %add3A_561, %mul3A_568 : vector<16xf32>
      %swap3A_570 = arith.index_cast %add3A_538 : i32 to index
      %swap3A_571 = arith.constant 0 : index
      %swap3A_572 = tpu.vector_load %arg9[%swap3A_570, %swap3A_571] {strides = array<i32>} : memref<128x17xf32, #tpu.memory_space<vmem>>, vector<16xf32>,
      tpu.vector_store %arg9[%swap3A_570, %swap3A_571], %add3A_569 {strides = array<i32>} : memref<128x17xf32, #tpu.memory_space<vmem>>, vector<16xf32>,
      %add3A_573 = arith.constant 13 : i32
      %add3A_574 = arith.addi %mul3A_106, %add3A_573 : i32
      %get3A_575 = arith.index_cast %add3A_574 : i32 to index
      %get3A_576 = arith.constant 0 : index
      %get3A_577 = tpu.vector_load %arg7[%get3A_575, %get3A_576] {strides = array<i32>} : memref<128x64xf32, #tpu.memory_space<vmem>>, vector<16xf32>,
      %get3A_578 = arith.index_cast %add3A_574 : i32 to index
      %get3A_579 = arith.constant 0 : index
      %get3A_580 = tpu.vector_load %arg8[%get3A_578, %get3A_579] {strides = array<i32>} : memref<128x64xf32, #tpu.memory_space<vmem>>, vector<16xf32>,
      %mul3A_581 = arith.mulf %get3A_577, %get3A_580 : vector<16xf32>
      %get3A_582 = arith.index_cast %add3A_574 : i32 to index
      %get3A_583 = arith.constant 16 : index
      %get3A_584 = tpu.vector_load %arg7[%get3A_582, %get3A_583] {strides = array<i32>} : memref<128x64xf32, #tpu.memory_space<vmem>>, vector<16xf32>,
      %get3A_585 = arith.index_cast %add3A_574 : i32 to index
      %get3A_586 = arith.constant 16 : index
      %get3A_587 = tpu.vector_load %arg8[%get3A_585, %get3A_586] {strides = array<i32>} : memref<128x64xf32, #tpu.memory_space<vmem>>, vector<16xf32>,
      %mul3A_588 = arith.mulf %get3A_584, %get3A_587 : vector<16xf32>
      %add3A_589 = arith.addf %mul3A_581, %mul3A_588 : vector<16xf32>
      %get3A_590 = arith.index_cast %add3A_574 : i32 to index
      %get3A_591 = arith.constant 32 : index
      %get3A_592 = tpu.vector_load %arg7[%get3A_590, %get3A_591] {strides = array<i32>} : memref<128x64xf32, #tpu.memory_space<vmem>>, vector<16xf32>,
      %get3A_593 = arith.index_cast %add3A_574 : i32 to index
      %get3A_594 = arith.constant 32 : index
      %get3A_595 = tpu.vector_load %arg8[%get3A_593, %get3A_594] {strides = array<i32>} : memref<128x64xf32, #tpu.memory_space<vmem>>, vector<16xf32>,
      %mul3A_596 = arith.mulf %get3A_592, %get3A_595 : vector<16xf32>
      %add3A_597 = arith.addf %add3A_589, %mul3A_596 : vector<16xf32>
      %get3A_598 = arith.index_cast %add3A_574 : i32 to index
      %get3A_599 = arith.constant 48 : index
      %get3A_600 = tpu.vector_load %arg7[%get3A_598, %get3A_599] {strides = array<i32>} : memref<128x64xf32, #tpu.memory_space<vmem>>, vector<16xf32>,
      %get3A_601 = arith.index_cast %add3A_574 : i32 to index
      %get3A_602 = arith.constant 48 : index
      %get3A_603 = tpu.vector_load %arg8[%get3A_601, %get3A_602] {strides = array<i32>} : memref<128x64xf32, #tpu.memory_space<vmem>>, vector<16xf32>,
      %mul3A_604 = arith.mulf %get3A_600, %get3A_603 : vector<16xf32>
      %add3A_605 = arith.addf %add3A_597, %mul3A_604 : vector<16xf32>
      %swap3A_606 = arith.index_cast %add3A_574 : i32 to index
      %swap3A_607 = arith.constant 0 : index
      %swap3A_608 = tpu.vector_load %arg9[%swap3A_606, %swap3A_607] {strides = array<i32>} : memref<128x17xf32, #tpu.memory_space<vmem>>, vector<16xf32>,
      tpu.vector_store %arg9[%swap3A_606, %swap3A_607], %add3A_605 {strides = array<i32>} : memref<128x17xf32, #tpu.memory_space<vmem>>, vector<16xf32>,
      %add3A_609 = arith.constant 14 : i32
      %add3A_610 = arith.addi %mul3A_106, %add3A_609 : i32
      %get3A_611 = arith.index_cast %add3A_610 : i32 to index
      %get3A_612 = arith.constant 0 : index
      %get3A_613 = tpu.vector_load %arg7[%get3A_611, %get3A_612] {strides = array<i32>} : memref<128x64xf32, #tpu.memory_space<vmem>>, vector<16xf32>,
      %get3A_614 = arith.index_cast %add3A_610 : i32 to index
      %get3A_615 = arith.constant 0 : index
      %get3A_616 = tpu.vector_load %arg8[%get3A_614, %get3A_615] {strides = array<i32>} : memref<128x64xf32, #tpu.memory_space<vmem>>, vector<16xf32>,
      %mul3A_617 = arith.mulf %get3A_613, %get3A_616 : vector<16xf32>
      %get3A_618 = arith.index_cast %add3A_610 : i32 to index
      %get3A_619 = arith.constant 16 : index
      %get3A_620 = tpu.vector_load %arg7[%get3A_618, %get3A_619] {strides = array<i32>} : memref<128x64xf32, #tpu.memory_space<vmem>>, vector<16xf32>,
      %get3A_621 = arith.index_cast %add3A_610 : i32 to index
      %get3A_622 = arith.constant 16 : index
      %get3A_623 = tpu.vector_load %arg8[%get3A_621, %get3A_622] {strides = array<i32>} : memref<128x64xf32, #tpu.memory_space<vmem>>, vector<16xf32>,
      %mul3A_624 = arith.mulf %get3A_620, %get3A_623 : vector<16xf32>
      %add3A_625 = arith.addf %mul3A_617, %mul3A_624 : vector<16xf32>
      %get3A_626 = arith.index_cast %add3A_610 : i32 to index
      %get3A_627 = arith.constant 32 : index
      %get3A_628 = tpu.vector_load %arg7[%get3A_626, %get3A_627] {strides = array<i32>} : memref<128x64xf32, #tpu.memory_space<vmem>>, vector<16xf32>,
      %get3A_629 = arith.index_cast %add3A_610 : i32 to index
      %get3A_630 = arith.constant 32 : index
      %get3A_631 = tpu.vector_load %arg8[%get3A_629, %get3A_630] {strides = array<i32>} : memref<128x64xf32, #tpu.memory_space<vmem>>, vector<16xf32>,
      %mul3A_632 = arith.mulf %get3A_628, %get3A_631 : vector<16xf32>
      %add3A_633 = arith.addf %add3A_625, %mul3A_632 : vector<16xf32>
      %get3A_634 = arith.index_cast %add3A_610 : i32 to index
      %get3A_635 = arith.constant 48 : index
      %get3A_636 = tpu.vector_load %arg7[%get3A_634, %get3A_635] {strides = array<i32>} : memref<128x64xf32, #tpu.memory_space<vmem>>, vector<16xf32>,
      %get3A_637 = arith.index_cast %add3A_610 : i32 to index
      %get3A_638 = arith.constant 48 : index
      %get3A_639 = tpu.vector_load %arg8[%get3A_637, %get3A_638] {strides = array<i32>} : memref<128x64xf32, #tpu.memory_space<vmem>>, vector<16xf32>,
      %mul3A_640 = arith.mulf %get3A_636, %get3A_639 : vector<16xf32>
      %add3A_641 = arith.addf %add3A_633, %mul3A_640 : vector<16xf32>
      %swap3A_642 = arith.index_cast %add3A_610 : i32 to index
      %swap3A_643 = arith.constant 0 : index
      %swap3A_644 = tpu.vector_load %arg9[%swap3A_642, %swap3A_643] {strides = array<i32>} : memref<128x17xf32, #tpu.memory_space<vmem>>, vector<16xf32>,
      tpu.vector_store %arg9[%swap3A_642, %swap3A_643], %add3A_641 {strides = array<i32>} : memref<128x17xf32, #tpu.memory_space<vmem>>, vector<16xf32>,
      %add3A_645 = arith.constant 15 : i32
      %add3A_646 = arith.addi %mul3A_106, %add3A_645 : i32
      %get3A_647 = arith.index_cast %add3A_646 : i32 to index
      %get3A_648 = arith.constant 0 : index
      %get3A_649 = tpu.vector_load %arg7[%get3A_647, %get3A_648] {strides = array<i32>} : memref<128x64xf32, #tpu.memory_space<vmem>>, vector<16xf32>,
      %get3A_650 = arith.index_cast %add3A_646 : i32 to index
      %get3A_651 = arith.constant 0 : index
      %get3A_652 = tpu.vector_load %arg8[%get3A_650, %get3A_651] {strides = array<i32>} : memref<128x64xf32, #tpu.memory_space<vmem>>, vector<16xf32>,
      %mul3A_653 = arith.mulf %get3A_649, %get3A_652 : vector<16xf32>
      %get3A_654 = arith.index_cast %add3A_646 : i32 to index
      %get3A_655 = arith.constant 16 : index
      %get3A_656 = tpu.vector_load %arg7[%get3A_654, %get3A_655] {strides = array<i32>} : memref<128x64xf32, #tpu.memory_space<vmem>>, vector<16xf32>,
      %get3A_657 = arith.index_cast %add3A_646 : i32 to index
      %get3A_658 = arith.constant 16 : index
      %get3A_659 = tpu.vector_load %arg8[%get3A_657, %get3A_658] {strides = array<i32>} : memref<128x64xf32, #tpu.memory_space<vmem>>, vector<16xf32>,
      %mul3A_660 = arith.mulf %get3A_656, %get3A_659 : vector<16xf32>
      %add3A_661 = arith.addf %mul3A_653, %mul3A_660 : vector<16xf32>
      %get3A_662 = arith.index_cast %add3A_646 : i32 to index
      %get3A_663 = arith.constant 32 : index
      %get3A_664 = tpu.vector_load %arg7[%get3A_662, %get3A_663] {strides = array<i32>} : memref<128x64xf32, #tpu.memory_space<vmem>>, vector<16xf32>,
      %get3A_665 = arith.index_cast %add3A_646 : i32 to index
      %get3A_666 = arith.constant 32 : index
      %get3A_667 = tpu.vector_load %arg8[%get3A_665, %get3A_666] {strides = array<i32>} : memref<128x64xf32, #tpu.memory_space<vmem>>, vector<16xf32>,
      %mul3A_668 = arith.mulf %get3A_664, %get3A_667 : vector<16xf32>
      %add3A_669 = arith.addf %add3A_661, %mul3A_668 : vector<16xf32>
      %get3A_670 = arith.index_cast %add3A_646 : i32 to index
      %get3A_671 = arith.constant 48 : index
      %get3A_672 = tpu.vector_load %arg7[%get3A_670, %get3A_671] {strides = array<i32>} : memref<128x64xf32, #tpu.memory_space<vmem>>, vector<16xf32>,
      %get3A_673 = arith.index_cast %add3A_646 : i32 to index
      %get3A_674 = arith.constant 48 : index
      %get3A_675 = tpu.vector_load %arg8[%get3A_673, %get3A_674] {strides = array<i32>} : memref<128x64xf32, #tpu.memory_space<vmem>>, vector<16xf32>,
      %mul3A_676 = arith.mulf %get3A_672, %get3A_675 : vector<16xf32>
      %add3A_677 = arith.addf %add3A_669, %mul3A_676 : vector<16xf32>
      %swap3A_678 = arith.index_cast %add3A_646 : i32 to index
      %swap3A_679 = arith.constant 0 : index
      %swap3A_680 = tpu.vector_load %arg9[%swap3A_678, %swap3A_679] {strides = array<i32>} : memref<128x17xf32, #tpu.memory_space<vmem>>, vector<16xf32>,
      tpu.vector_store %arg9[%swap3A_678, %swap3A_679], %add3A_677 {strides = array<i32>} : memref<128x17xf32, #tpu.memory_space<vmem>>, vector<16xf32>,
      %add3A_681 = vector.broadcast %mul3A_106 : i32 to vector<16xi32>
      %add3A_682 = arith.addi %add3A_681, %iota3A : vector<16xi32>
      %broadcast_in_dim3A = arith.constant 0 : i32
      %broadcast_in_dim3A_683 = vector.broadcast %broadcast_in_dim3A : i32 to vector<16xi32>
      %gather3A = tpu.vector_load_idx %arg9[%add3A_682, %broadcast_in_dim3A_683] : memref<128x17xf32, #tpu.memory_space<vmem>>[vector<16xi32>, vector<16xi32>], vector<16xf32>,
      %broadcast_in_dim3A_684 = arith.constant 1 : i32
      %broadcast_in_dim3A_685 = vector.broadcast %broadcast_in_dim3A_684 : i32 to vector<16xi32>
      %gather3A_686 = tpu.vector_load_idx %arg9[%add3A_682, %broadcast_in_dim3A_685] : memref<128x17xf32, #tpu.memory_space<vmem>>[vector<16xi32>, vector<16xi32>], vector<16xf32>,
      %broadcast_in_dim3A_687 = arith.constant 2 : i32
      %broadcast_in_dim3A_688 = vector.broadcast %broadcast_in_dim3A_687 : i32 to vector<16xi32>
      %gather3A_689 = tpu.vector_load_idx %arg9[%add3A_682, %broadcast_in_dim3A_688] : memref<128x17xf32, #tpu.memory_space<vmem>>[vector<16xi32>, vector<16xi32>], vector<16xf32>,
      %broadcast_in_dim3A_690 = arith.constant 3 : i32
      %broadcast_in_dim3A_691 = vector.broadcast %broadcast_in_dim3A_690 : i32 to vector<16xi32>
      %gather3A_692 = tpu.vector_load_idx %arg9[%add3A_682, %broadcast_in_dim3A_691] : memref<128x17xf32, #tpu.memory_space<vmem>>[vector<16xi32>, vector<16xi32>], vector<16xf32>,
      %broadcast_in_dim3A_693 = arith.constant 4 : i32
      %broadcast_in_dim3A_694 = vector.broadcast %broadcast_in_dim3A_693 : i32 to vector<16xi32>
      %gather3A_695 = tpu.vector_load_idx %arg9[%add3A_682, %broadcast_in_dim3A_694] : memref<128x17xf32, #tpu.memory_space<vmem>>[vector<16xi32>, vector<16xi32>], vector<16xf32>,
      %broadcast_in_dim3A_696 = arith.constant 5 : i32
      %broadcast_in_dim3A_697 = vector.broadcast %broadcast_in_dim3A_696 : i32 to vector<16xi32>
      %gather3A_698 = tpu.vector_load_idx %arg9[%add3A_682, %broadcast_in_dim3A_697] : memref<128x17xf32, #tpu.memory_space<vmem>>[vector<16xi32>, vector<16xi32>], vector<16xf32>,
      %broadcast_in_dim3A_699 = arith.constant 6 : i32
      %broadcast_in_dim3A_700 = vector.broadcast %broadcast_in_dim3A_699 : i32 to vector<16xi32>
      %gather3A_701 = tpu.vector_load_idx %arg9[%add3A_682, %broadcast_in_dim3A_700] : memref<128x17xf32, #tpu.memory_space<vmem>>[vector<16xi32>, vector<16xi32>], vector<16xf32>,
      %broadcast_in_dim3A_702 = arith.constant 7 : i32
      %broadcast_in_dim3A_703 = vector.broadcast %broadcast_in_dim3A_702 : i32 to vector<16xi32>
      %gather3A_704 = tpu.vector_load_idx %arg9[%add3A_682, %broadcast_in_dim3A_703] : memref<128x17xf32, #tpu.memory_space<vmem>>[vector<16xi32>, vector<16xi32>], vector<16xf32>,
      %broadcast_in_dim3A_705 = arith.constant 8 : i32
      %broadcast_in_dim3A_706 = vector.broadcast %broadcast_in_dim3A_705 : i32 to vector<16xi32>
      %gather3A_707 = tpu.vector_load_idx %arg9[%add3A_682, %broadcast_in_dim3A_706] : memref<128x17xf32, #tpu.memory_space<vmem>>[vector<16xi32>, vector<16xi32>], vector<16xf32>,
      %broadcast_in_dim3A_708 = arith.constant 9 : i32
      %broadcast_in_dim3A_709 = vector.broadcast %broadcast_in_dim3A_708 : i32 to vector<16xi32>
      %gather3A_710 = tpu.vector_load_idx %arg9[%add3A_682, %broadcast_in_dim3A_709] : memref<128x17xf32, #tpu.memory_space<vmem>>[vector<16xi32>, vector<16xi32>], vector<16xf32>,
      %broadcast_in_dim3A_711 = arith.constant 10 : i32
      %broadcast_in_dim3A_712 = vector.broadcast %broadcast_in_dim3A_711 : i32 to vector<16xi32>
      %gather3A_713 = tpu.vector_load_idx %arg9[%add3A_682, %broadcast_in_dim3A_712] : memref<128x17xf32, #tpu.memory_space<vmem>>[vector<16xi32>, vector<16xi32>], vector<16xf32>,
      %broadcast_in_dim3A_714 = arith.constant 11 : i32
      %broadcast_in_dim3A_715 = vector.broadcast %broadcast_in_dim3A_714 : i32 to vector<16xi32>
      %gather3A_716 = tpu.vector_load_idx %arg9[%add3A_682, %broadcast_in_dim3A_715] : memref<128x17xf32, #tpu.memory_space<vmem>>[vector<16xi32>, vector<16xi32>], vector<16xf32>,
      %broadcast_in_dim3A_717 = arith.constant 12 : i32
      %broadcast_in_dim3A_718 = vector.broadcast %broadcast_in_dim3A_717 : i32 to vector<16xi32>
      %gather3A_719 = tpu.vector_load_idx %arg9[%add3A_682, %broadcast_in_dim3A_718] : memref<128x17xf32, #tpu.memory_space<vmem>>[vector<16xi32>, vector<16xi32>], vector<16xf32>,
      %broadcast_in_dim3A_720 = arith.constant 13 : i32
      %broadcast_in_dim3A_721 = vector.broadcast %broadcast_in_dim3A_720 : i32 to vector<16xi32>
      %gather3A_722 = tpu.vector_load_idx %arg9[%add3A_682, %broadcast_in_dim3A_721] : memref<128x17xf32, #tpu.memory_space<vmem>>[vector<16xi32>, vector<16xi32>], vector<16xf32>,
      %broadcast_in_dim3A_723 = arith.constant 14 : i32
      %broadcast_in_dim3A_724 = vector.broadcast %broadcast_in_dim3A_723 : i32 to vector<16xi32>
      %gather3A_725 = tpu.vector_load_idx %arg9[%add3A_682, %broadcast_in_dim3A_724] : memref<128x17xf32, #tpu.memory_space<vmem>>[vector<16xi32>, vector<16xi32>], vector<16xf32>,
      %broadcast_in_dim3A_726 = arith.constant 15 : i32
      %broadcast_in_dim3A_727 = vector.broadcast %broadcast_in_dim3A_726 : i32 to vector<16xi32>
      %gather3A_728 = tpu.vector_load_idx %arg9[%add3A_682, %broadcast_in_dim3A_727] : memref<128x17xf32, #tpu.memory_space<vmem>>[vector<16xi32>, vector<16xi32>], vector<16xf32>,
      %add3A_729 = arith.addf %gather3A, %gather3A_686 : vector<16xf32>
      %add3A_730 = arith.addf %gather3A_689, %gather3A_692 : vector<16xf32>
      %add3A_731 = arith.addf %gather3A_695, %gather3A_698 : vector<16xf32>
      %add3A_732 = arith.addf %gather3A_701, %gather3A_704 : vector<16xf32>
      %add3A_733 = arith.addf %gather3A_707, %gather3A_710 : vector<16xf32>
      %add3A_734 = arith.addf %gather3A_713, %gather3A_716 : vector<16xf32>
      %add3A_735 = arith.addf %gather3A_719, %gather3A_722 : vector<16xf32>
      %add3A_736 = arith.addf %gather3A_725, %gather3A_728 : vector<16xf32>
      %add3A_737 = arith.addf %add3A_729, %add3A_730 : vector<16xf32>
      %add3A_738 = arith.addf %add3A_731, %add3A_732 : vector<16xf32>
      %add3A_739 = arith.addf %add3A_733, %add3A_734 : vector<16xf32>
      %add3A_740 = arith.addf %add3A_735, %add3A_736 : vector<16xf32>
      %add3A_741 = arith.addf %add3A_737, %add3A_738 : vector<16xf32>
      %add3A_742 = arith.addf %add3A_739, %add3A_740 : vector<16xf32>
      %add3A_743 = arith.addf %add3A_741, %add3A_742 : vector<16xf32>
      %mul3A_744 = arith.constant 16 : i32
      %mul3A_745 = arith.muli %scan3A_104, %mul3A_744 : i32
      %add3A_746 = arith.constant 384 : i32
      %add3A_747 = arith.addi %add3A_746, %mul3A_745 : i32
      %swap3A_748 = arith.index_cast %add3A_747 : i32 to index
      %swap3A_749 = tpu.vector_load %arg10[%swap3A_748] {strides = array<i32>} : memref<512xf32, #tpu.memory_space<vmem>>, vector<16xf32>,
      tpu.vector_store %arg10[%swap3A_748], %add3A_743 {strides = array<i32>} : memref<512xf32, #tpu.memory_space<vmem>>, vector<16xf32>,
    }
    %scan3A_103 = arith.constant 8 : i32
    "tpu.region"() ({
      %run_scoped3A = tpu.sem_alloc : memref<!tpu.dma_semaphore, #tpu.memory_space<semaphore_mem>>
      %dma_start3A_104 = tpu.memref_slice %arg4[%mul3A_2] : memref<16384xf32, #tpu.memory_space<hbm>> -> memref<512xf32, #tpu.memory_space<hbm>>
      %dma_start3A_105 = tpu.memref_slice %arg4[%mul3A_2] : memref<16384xf32, #tpu.memory_space<hbm>> -> memref<512xf32, #tpu.memory_space<hbm>>
      tpu.enqueue_dma source(%arg10 : memref<512xf32, #tpu.memory_space<vmem>>) target(%dma_start3A_105 : memref<512xf32, #tpu.memory_space<hbm>>) target_semaphore(%run_scoped3A : memref<!tpu.dma_semaphore, #tpu.memory_space<semaphore_mem>>)
      %dma_wait3A_106 = tpu.memref_slice %arg4[%mul3A_2] : memref<16384xf32, #tpu.memory_space<hbm>> -> memref<512xf32, #tpu.memory_space<hbm>>
      %dma_wait3A_107 = tpu.memref_slice %arg4[%mul3A_2] : memref<16384xf32, #tpu.memory_space<hbm>> -> memref<512xf32, #tpu.memory_space<hbm>>
      tpu.wait_dma2 semaphore(%run_scoped3A : memref<!tpu.dma_semaphore, #tpu.memory_space<semaphore_mem>>) src(%arg10 : memref<512xf32, #tpu.memory_space<vmem>>) dst(%dma_wait3A_107 : memref<512xf32, #tpu.memory_space<hbm>>)
      tpu.yield
    }) : () -> ()
    return
  }
}

</mosaic_0001>

<sc_bundles>
// kernel: kernel.3.cloned.1.call-start
scs
__scs_entry_jumppad:
0x0: {  	(pc) =	sbr.rel $0x88, $3  }
0x1: {  	(tag) =	ssettag $0x0;
	lr =	simm.s32 $0x1  }
0x2: {  	[smem:$0x3F9F] =	sst lr;
	_ =	strace $0xD0000000  }
0x3: {  	_ = 	snop  }
0x4: {  	_ = 	snop  }
0x5: {  	_ = 	snop  }
0x6: {  	_ = 	snop  }
0x7: {  	_ = 	snop  }
__scs_overlays_trampoline_lowered:
0x8: {  	[smem:$0x3FAE] =	sst s0  }
0x9: {  	[smem:$0x3FAF] =	sst s1  }
0xa: {  	[smem:$0x3FB0] =	sst s2  }
0xb: {  	[smem:$0x3FB1] =	sst s3  }
0xc: {  	[smem:$0x3FB2] =	sst s4  }
0xd: {  	[smem:$0x3FB3] =	sst s5  }
0xe: {  	[smem:$0x3FB4] =	sst s6  }
0xf: {  	[smem:$0x3FB5] =	sst s7  }
0x10: {  	[smem:$0x3FB6] =	sst s8  }
0x11: {  	[smem:$0x3FB7] =	sst s9;
	s0 =	simm.s32 @!p0 $0x0  }
0x12: {  	s1 =	sld [smem:$0x3F9D];
	s0 =	simm.s32 @p0 $0x1  }
0x13: {  	[smem:$0x3FB8] =	sst s0;
	s0 =	simm.s32 @!p1 $0x0  }
0x14: {  	s2 =	sld [smem:$0x3F9C];
	s0 =	simm.s32 @p1 $0x1  }
0x15: {  	[smem:$0x3FB9] =	sst s0;
	s0 =	simm.s32 @!p2 $0x0  }
0x16: {  	s3 =	sld [smem:$0x3FDB];
	s0 =	simm.s32 @p2 $0x1  }
0x17: {  	s4 =	simm.s32 $0x1BF5;
	[smem:$0x3FBB] =	sst s0  }
0x18: {  	s0 =	sld [smem:$0x3F9E];
	_ =	swait.ge [sflag:s4], $0x0  }
0x19: {  	s7 =	sld [smem:$0x3F9F]  }
0x1a: {  	s8 =	sadd.s32 $0xFFFFE003, lr  }
0x1b: {  	s9 =	sadd.s32 $0xFFFFFEF7, lr;
	s5 =	simm.s32 $0xFFFFFFFF;
	p2 =	slt.u32 s8, $0xFFFFF086  }
0x1c: {  	p1 =	slt.u32 s9, $0xF7A;
	s5 =	simm.s32 @!p2 $0x0  }
0x1d: {  	s5 =	simm.s32 @p1 $0x1;
	p0 =	seq.s32 s7, s2  }
0x1e: {  	s7 =	smul.u32 @!p0 $0xF7A, s2;
	p2 =	seq.s32 @!p0 s5, $0x0  }
0x1f: {  	s9 =	smul.u32 $0xF7A, s1;
	s8 =	simm.s32 @!p0 $0x1BF5;
	p2 =	por !p2, p0  }
0x20: {  	[sflag:s8] =	ssyncset.s32 @!p0 $0xFFFFF086;
	s6 =	sadd.s32 @!p0 s3, s7;
	s7 =	simm.s32 @!p0 $0x108  }
0x21: {  	s3 =	sadd.s32 s3, s9;
	s6 =	sadd.s32 @!p0 $0x88, s6;
	s7 =	simm.s32 @p2 $0x1082  }
0x22: {  	[simem:s7], [sflag:s8] =	dma.local @!p0 [hbm:s6], $0xF7A  }
0x23: {  	s9 =	sor.u32 $0xD0000000, s2;
	s6 =	simm.s32 $0x108;
	_ =	swait.ge @!p0 [sflag:s8], $0x0  }
0x24: {  	s3 =	sadd.s32 $0x88, s3;
	s6 =	simm.s32 @!p1 $0x1082;
	[sflag:s4] =	ssyncset.s32 $0xFFFFF086  }
0x25: {  	[simem:s6], [sflag:s4] =	dma.local [hbm:s3], $0xF7A  }
0x26: {  	[smem:$0x3F9F] =	sst s1;
	(tag) =	ssettag s2;
	_ =	strace s9  }
0x27: {  	s1 =	sld [smem:$0x3FAF]  }
0x28: {  	s2 =	sld [smem:$0x3FB0]  }
0x29: {  	s4 =	sld [smem:$0x3FB2]  }
0x2a: {  	p0 =	seq.s32 s5, $0x0;
	s5 =	sld [smem:$0x3FB3]  }
0x2b: {  	s6 =	sld [smem:$0x3FB4]  }
0x2c: {  	s7 =	sld [smem:$0x3FB5]  }
0x2d: {  	s3 =	simm.s32 $0x108;
	s8 =	sld [smem:$0x3FB6]  }
0x2e: {  	s3 =	simm.s32 @!p0 $0x1082;
	s9 =	sld [smem:$0x3FB7]  }
0x2f: {  	lr =	sadd.s32 s0, s3;
	s0 =	sld [smem:$0x3FAE]  }
0x30: {  	s3 =	sld [smem:$0x3FB1]  }
0x31: {  	[smem:$0x3FBA] =	sst s10  }
0x32: {  	s10 =	sld [smem:$0x3FB8];
	_ =	sdelay $0x3  }
0x33: {  	p0 =	seq.s32 s10, $0x1;
	s10 =	sld [smem:$0x3FBA];
	_ =	sdelay $0x3  }
0x34: {  	[smem:$0x3FBA] =	sst s10  }
0x35: {  	s10 =	sld [smem:$0x3FB9];
	_ =	sdelay $0x3  }
0x36: {  	p1 =	seq.s32 s10, $0x1;
	s10 =	sld [smem:$0x3FBA];
	_ =	sdelay $0x3  }
0x37: {  	[smem:$0x3FBA] =	sst s10  }
0x38: {  	s10 =	sld [smem:$0x3FBB]  }
0x39: {  	_ = 	snop;
	(pc) =	sbr.ind lr, $3  }
0x3a: {  	_ = 	snop  }
0x3b: {  	_ = 	snop  }
0x3c: {  	p2 =	seq.s32 s10, $0x1;
	s10 =	sld [smem:$0x3FBA]  }
0x3d: {  	_ =	shalt  }
0x3e: {  	_ =	shalt  }
0x3f: {  	_ =	shalt  }
0x40: {  	_ =	shalt  }
0x41: {  	_ =	shalt  }
0x42: {  	_ =	shalt  }
0x43: {  	_ =	shalt  }
0x44: {  	_ =	shalt  }
0x45: {  	_ =	shalt  }
0x46: {  	_ =	shalt  }
0x47: {  	_ =	shalt  }
0x48: {  	_ =	shalt  }
0x49: {  	_ =	shalt  }
0x4a: {  	_ =	shalt  }
0x4b: {  	_ =	shalt  }
0x4c: {  	_ =	shalt  }
0x4d: {  	_ =	shalt  }
0x4e: {  	_ =	shalt  }
0x4f: {  	_ =	shalt  }
0x50: {  	_ =	shalt  }
0x51: {  	_ =	shalt  }
0x52: {  	_ =	shalt  }
0x53: {  	_ =	shalt  }
0x54: {  	_ =	shalt  }
0x55: {  	_ =	shalt  }
0x56: {  	_ =	shalt  }
0x57: {  	_ =	shalt  }
0x58: {  	_ =	shalt  }
0x59: {  	_ =	shalt  }
0x5a: {  	_ =	shalt  }
0x5b: {  	_ =	shalt  }
0x5c: {  	_ =	shalt  }
0x5d: {  	_ =	shalt  }
0x5e: {  	_ =	shalt  }
0x5f: {  	_ =	shalt  }
0x60: {  	_ =	shalt  }
0x61: {  	_ =	shalt  }
0x62: {  	_ =	shalt  }
0x63: {  	_ =	shalt  }
0x64: {  	_ =	shalt  }
0x65: {  	_ =	shalt  }
0x66: {  	_ =	shalt  }
0x67: {  	_ =	shalt  }
0x68: {  	_ =	shalt  }
0x69: {  	_ =	shalt  }
0x6a: {  	_ =	shalt  }
0x6b: {  	_ =	shalt  }
0x6c: {  	_ =	shalt  }
0x6d: {  	_ =	shalt  }
0x6e: {  	_ =	shalt  }
0x6f: {  	_ =	shalt  }
0x70: {  	_ =	shalt  }
0x71: {  	_ =	shalt  }
0x72: {  	_ =	shalt  }
0x73: {  	_ =	shalt  }
0x74: {  	_ =	shalt  }
0x75: {  	_ =	shalt  }
0x76: {  	_ =	shalt  }
0x77: {  	_ =	shalt  }
0x78: {  	_ =	shalt  }
0x79: {  	_ =	shalt  }
0x7a: {  	_ =	shalt  }
0x7b: {  	_ =	shalt  }
0x7c: {  	_ =	shalt  }
0x7d: {  	_ =	shalt  }
0x7e: {  	_ =	shalt  }
0x7f: {  	_ =	shalt  }
0x80: {  	_ =	shalt  }
0x81: {  	_ =	shalt  }
0x82: {  	_ =	shalt  }
0x83: {  	_ =	shalt  }
0x84: {  	_ =	shalt  }
0x85: {  	_ =	shalt  }
0x86: {  	_ =	shalt  }
0x87: {  	_ =	shalt  }
.Lfunc_end0:
.L_simem_size_0:
called_computation_lowered:
.L_overlay_start_0:
0x88: {  	s2 =	sld [smem:$0x3FD9]  }
0x89: {  	s3 =	sld [smem:$0x3FFE];
	_ =	sdelay $0x1  }
0x8a: {  	s1 =	srdreg.scid  }
0x8b: {  	s0 =	sand.u32 $0x1, s1  }
0x8c: {  	s17 =	sshll.u32 s0, $0xA;
	s2 =	sadd.s32 s3, s2  }
0x8d: {  	s2 =	sadd.s32 s2, s17  }
0x8e: {  	[smem:$0x3FC6] =	sst s2  }
0x8f: {  	_ = 	snop  }
0x90: {  	s2 =	sld [smem:$0x3FD0];
	(tm) =	ssettm $0x1  }
0x91: {  	s18 =	sld [smem:$0x3FFB];
	_ =	sdelay $0x3  }
0x92: {  	_ =	strace s18  }
0x93: {  	s3 =	sld [smem:$0x3FFC];
	_ =	sdelay $0x3  }
0x94: {  	_ =	strace s3  }
0x95: {  	s3 =	sld [smem:$0x3FFD];
	_ =	sdelay $0x3  }
0x96: {  	_ =	strace s3  }
0x97: {  	_ =	strace $0x8FFFFFFF  }
0x98: {  	s19 =	sld [smem:$0x3FDB];
	_ =	sdelay $0x1  }
0x99: {  	s4 =	simm.s32 $_scs_section_size  }
0x9a: {  	s5 =	simm.s32 $_size__tile_overlayer_lowered;
	s6 =	simm.s32 $_tile_overlayer_lowered  }
0x9b: {  	s22 =	simm.s32 $0x1BFF;
	s21 =	sshll.u32 s6, $0x1;
	s3 =	sadd.s32 s4, s19  }
0x9c: {  	s7 =	simm.s32 $0x0;
	s20 =	sshll.u32 s5, $0x1;
	s5 =	sadd.s32 s21, s3  }
0x9d: {  	[timem:s7], [sflag:s22] =	dma.local [hbm:s5], s20  }
0x9e: {  	_ =	swait.ge [sflag:s22], s20  }
0x9f: {  	s4 =	ssub.s32 $0x0, s20;
	[sflag:s22] =	ssyncset.done $0x0  }
0xa0: {  	[sflag:s22] =	ssyncadd.s32 s4;
	_ =	sdelay $0x1  }
0xa1: {  	s23 =	simm.s32 $0x1B8B  }
0xa2: {  	_ =	swait.ge [sflag:s23], $0x1  }
0xa3: {  	[sflag:s23] =	ssyncset.done $0x0  }
0xa4: {  	s25 =	simm.s32 $0x1B8E;
	s24 =	sld [smem:$0x3FFE];
	[sflag:s23] =	ssyncadd.s32 $0xFFFFFFFF  }
0xa5: {  	s26 =	simm.s32 $execute0_lowered;
	[smem:$0x3FD2] =	sst s25  }
0xa6: {  	s5 =	sshll.u32 s26, $0x1;
	_ =	strace $0x80000046;
	[dreg:$0x1] =	wrdreg $0xFFFFFFFF  }
0xa7: {  	s28 =	simm.s32 $_size_execute0_lowered;
	s3 =	sadd.s32 s3, s5;
	[dreg:$0x0] =	wrdreg $0x0  }
0xa8: {  	s5 =	sshll.u32 s28, $0x1;
	[dreg:$0x2] =	wrdreg s3  }
0xa9: {  	[dreg:$0x3] =	wrdreg s5  }
0xaa: {  	[dreg:$0x4] =	wrdreg $0xC0  }
0xab: {  	_ =	task [dreg:s7], $0x5FFFF  }
0xac: {  	[dreg:$0x1] =	wrdreg $0xFFFFFFFF  }
0xad: {  	[dreg:$0x0] =	wrdreg $0x60  }
0xae: {  	[dreg:$0x2] =	wrdreg s24  }
0xaf: {  	[dreg:$0x3] =	wrdreg s2  }
0xb0: {  	[dreg:$0x4] =	wrdreg $0x9  }
0xb1: {  	_ =	task.clear_ibuf [dreg:s7], $0x5FFFF;
	_ =	strace $0x90000046  }
0xb2: {  	s29 =	simm.s32 $0x9;
	_ =	strace $0x80000048  }
0xb3: {  	_ =	swait.ge [sflag:s29], $0x1  }
0xb4: {  	[sflag:s29] =	ssyncadd.s32 $0xFFFFFFFF  }
0xb5: {  	_ =	strace $0x90000048  }
0xb6: {  	_ =	sfence  }
0xb7: {  	s30 =	sld [smem:$0x0];
	_ =	sdelay $0x2  }
0xb8: {  	s31 =	sshll.u32 s1, $0xD;
	s1 =	sshrl.u32 s1, $0x2  }
0xb9: {  	s3 =	sand.u32 $0x4000, s31;
	s1 =	sadd.s32 s1, s30  }
0xba: {  	s0 =	sor.u32 s3, s0;
	s1 =	sshll.u32 s1, $0x11  }
0xbb: {  	s0 =	sor.u32 s1, s0  }
0xbc: {  	s0 =	sadd.s32 $0x8F2B, s0  }
0xbd: {  	[sflag:s0] =	ssyncadd.remote.s32 $0x1  }
0xbe: {  	_ =	sfence.sel $0xFFFF  }
0xbf: {  	[dreg:$0x0] =	wrdreg $0xFFFFFFFF;
	(pc) =	sbr.abs _section_cstart, $3  }
0xc0: {  	[dreg:$0x1] =	wrdreg $0xFFFFFFFF  }
0xc1: {  	_ =	task.clear_ibuf [dreg:s7], $0x2FFFF;
	_ =	strace $0x9FFFFFFF  }
0xc2: {  	(tm) =	ssettm $0x7FFFFFFF  }
0xc3: {  	_ =	shalt  }
tec
execute0_lowered:
.L_overlay_start_1:
0x0: {  	(tag) =	ssettag $0x1  }
0x1: {  	s3 =	rddreg [dreg:$0x0]  }
0x2: {  	s11 =	rddreg [dreg:$0x1]  }
0x3: {  	s0 =	rddreg [dreg:$0x2];
	s2 =	simm.s32 $0x0;
	s4 =	srdreg.scid  }
0x4: {  	s1 =	stileid.u32;
	s16 =	simm.s32 $0x1;
	s17 =	simm.s32 $0x8000  }
0x5: {  	s18 =	simm.s32 $0x2;
	s19 =	simm.s32 $0x8C00;
	s20 =	simm.s32 $0x3  }
0x6: {  	s21 =	simm.s32 $0x0;
	[smem:$0x7FF] =	sst s2;
	s4 =	sand.u32 $0x1, s4  }
0x7: {  	s5 =	sshll.u32 s1, $0xA;
	s9 =	sadd.s32 $0x600, s3;
	s6 =	sshll.u32 s4, $0x9  }
0x8: {  	v0 =	vlaneseq.u32;
	s12 =	sadd.s32 $0x20600, s3;
	s4 =	ssub.s32 $0x2, s4;
	s10 =	sor.u32 s6, s5  }
0x9: {  	v0 =	vmul.u32 $0x18, v0;
	_ =	strace $0x80000047;
	s29 =	sshrl.u32 s4, $0x1;
	s8 =	sshll.u32 s10, $0x3  }
0xa: {  	s13 =	ssub.s32 s4, s29;
	s31 =	sshrl.u32 s10, $0x3;
	s3 =	sadd.s32 s9, s8  }
0xb: {  	v1 =	vor.u32 $0x1, v0;
	v2 =	vor.u32 $0x2, v0;
	v3 =	vor.u32 $0x3, v0;
	s30 =	sor.u32 $0x400, s8;
	s4 =	sadd.s32 s12, s8;
	s14 =	sor.u32 $0x800, s8  }
0xc: {  	v4 =	vor.u32 $0x4, v0;
	v5 =	vor.u32 $0x5, v0;
	v6 =	vor.u32 $0x6, v0;
	s15 =	sor.u32 $0xC00, s8;
	s11 =	sadd.s32 s11, s31;
	s5 =	sadd.s32 s9, s30  }
0xd: {  	v7 =	vor.u32 $0x7, v0;
	v8 =	vadd.s32 $0x8, v0;
	v9 =	vadd.s32 $0x9, v0;
	s6 =	sadd.s32 s12, s30;
	s7 =	sadd.s32 s9, s14;
	s8 =	sadd.s32 s12, s14  }
0xe: {  	v10 =	vadd.s32 $0xA, v0;
	v11 =	vadd.s32 $0xB, v0;
	v12 =	vadd.s32 $0xC, v0;
	s9 =	sadd.s32 s9, s15;
	s10 =	sadd.s32 s12, s15;
	s12 =	smax.u32 s13, $0x1  }
0xf: {  	v13 =	vadd.s32 $0xD, v0;
	v14 =	vadd.s32 $0xE, v0;
	v15 =	vadd.s32 $0xF, v0;
	s13 =	simm.s32 $0x2000;
	s14 =	simm.s32 $0x4000;
	s15 =	simm.s32 $0x6000  }
.LBB2_1:
0x10: {  	[tilespmem:s2], [sflag:$0x1] =	stream.linear.gather [hbm4b:s3+s2], $0x2000, $0x38;
	[tilespmem:$0x8E00] =	vst v63  }
0x11: {  	_ = 	snop  }
0x12: {  	[tilespmem:s13], [sflag:$0x1] =	stream.linear.gather [hbm4b:s4+s2], $0x2000, $0x38;
	[tilespmem:$0x8E00] =	vst v63  }
0x13: {  	_ = 	snop  }
0x14: {  	[tilespmem:s14], [sflag:$0x2] =	stream.linear.gather [hbm4b:s5+s2], $0x2000, $0x38;
	[tilespmem:$0x8E00] =	vst v63  }
0x15: {  	_ = 	snop  }
0x16: {  	[tilespmem:s15], [sflag:$0x2] =	stream.linear.gather [hbm4b:s6+s2], $0x2000, $0x38;
	[tilespmem:$0x8E00] =	vst v63  }
0x17: {  	_ =	swait.ge [sflag:s16], $0x2000  }
0x18: {  	[sflag:s16] =	ssyncset.done $0x0  }
0x19: {  	[sflag:s16] =	ssyncadd.s32 $0xFFFFE000  }
0x1a: {  	s22 =	simm.s32 $0x80C0;
	_ =	swait.ge [sflag:s16], $0x2000  }
0x1b: {  	s23 =	simm.s32 $0x200;
	s24 =	simm.s32 $0x2200;
	[sflag:s16] =	ssyncset.done $0x0  }
0x1c: {  	s25 =	simm.s32 $0x8C00;
	s26 =	simm.s32 $0x0;
	[sflag:s16] =	ssyncadd.s32 $0xFFFFE000  }
.LBB2_2:
0x1d: {  	v16 =	vld [tilespmem:s23+$0xFFFFFE00]  }
0x1e: {  	v17 =	vld [tilespmem:s24+$0xFFFFFE00]  }
0x1f: {  	v18 =	vld [tilespmem:s23+$0xFFFFFE10]  }
0x20: {  	v19 =	vld [tilespmem:s24+$0xFFFFFE10]  }
0x21: {  	v20 =	vld [tilespmem:s23+$0xFFFFFE20]  }
0x22: {  	v21 =	vld [tilespmem:s24+$0xFFFFFE20]  }
0x23: {  	v22 =	vld [tilespmem:s23+$0xFFFFFE30]  }
0x24: {  	v23 =	vld [tilespmem:s24+$0xFFFFFE30]  }
0x25: {  	v16 =	vmul.f32 v17, v16;
	v17 =	vmul.f32 v19, v18;
	_ =	sdelay $0x1  }
0x26: {  	v16 =	vadd.f32 v17, v16;
	v17 =	vmul.f32 v21, v20;
	_ =	sdelay $0x1  }
0x27: {  	v16 =	vadd.f32 v17, v16;
	v17 =	vmul.f32 v23, v22;
	_ =	sdelay $0x1  }
0x28: {  	v16 =	vadd.f32 v17, v16;
	_ =	sdelay $0x1  }
0x29: {  	[tilespmem:s22+$0xFFFFFF40] =	vst v16  }
0x2a: {  	v16 =	vld [tilespmem:s23+$0xFFFFFE40]  }
0x2b: {  	v17 =	vld [tilespmem:s24+$0xFFFFFE40]  }
0x2c: {  	v42 =	vld [tilespmem:s23+$0xFFFFFE50]  }
0x2d: {  	v43 =	vld [tilespmem:s24+$0xFFFFFE50]  }
0x2e: {  	v44 =	vld [tilespmem:s23+$0xFFFFFE60]  }
0x2f: {  	v45 =	vld [tilespmem:s24+$0xFFFFFE60]  }
0x30: {  	v46 =	vld [tilespmem:s23+$0xFFFFFE70]  }
0x31: {  	v47 =	vld [tilespmem:s24+$0xFFFFFE70]  }
0x32: {  	v16 =	vmul.f32 v17, v16;
	v17 =	vmul.f32 v43, v42;
	_ =	sdelay $0x1  }
0x33: {  	v16 =	vadd.f32 v17, v16;
	v17 =	vmul.f32 v45, v44;
	_ =	sdelay $0x1  }
0x34: {  	v16 =	vadd.f32 v17, v16;
	v17 =	vmul.f32 v47, v46;
	_ =	sdelay $0x1  }
0x35: {  	v16 =	vadd.f32 v17, v16;
	_ =	sdelay $0x1  }
0x36: {  	[tilespmem:s22+$0xFFFFFF58] =	vst v16  }
0x37: {  	v16 =	vld [tilespmem:s23+$0xFFFFFE80]  }
0x38: {  	v17 =	vld [tilespmem:s24+$0xFFFFFE80]  }
0x39: {  	v48 =	vld [tilespmem:s23+$0xFFFFFE90]  }
0x3a: {  	v49 =	vld [tilespmem:s24+$0xFFFFFE90]  }
0x3b: {  	v50 =	vld [tilespmem:s23+$0xFFFFFEA0]  }
0x3c: {  	v51 =	vld [tilespmem:s24+$0xFFFFFEA0]  }
0x3d: {  	v52 =	vld [tilespmem:s23+$0xFFFFFEB0]  }
0x3e: {  	v53 =	vld [tilespmem:s24+$0xFFFFFEB0]  }
0x3f: {  	v16 =	vmul.f32 v17, v16;
	v17 =	vmul.f32 v49, v48;
	_ =	sdelay $0x1  }
0x40: {  	v16 =	vadd.f32 v17, v16;
	v17 =	vmul.f32 v51, v50;
	_ =	sdelay $0x1  }
0x41: {  	v16 =	vadd.f32 v17, v16;
	v17 =	vmul.f32 v53, v52;
	_ =	sdelay $0x1  }
0x42: {  	v16 =	vadd.f32 v17, v16;
	_ =	sdelay $0x1  }
0x43: {  	[tilespmem:s22+$0xFFFFFF70] =	vst v16  }
0x44: {  	v16 =	vld [tilespmem:s23+$0xFFFFFEC0]  }
0x45: {  	v17 =	vld [tilespmem:s24+$0xFFFFFEC0]  }
0x46: {  	v54 =	vld [tilespmem:s23+$0xFFFFFED0]  }
0x47: {  	v55 =	vld [tilespmem:s24+$0xFFFFFED0]  }
0x48: {  	v56 =	vld [tilespmem:s23+$0xFFFFFEE0]  }
0x49: {  	v57 =	vld [tilespmem:s24+$0xFFFFFEE0]  }
0x4a: {  	v58 =	vld [tilespmem:s23+$0xFFFFFEF0]  }
0x4b: {  	v59 =	vld [tilespmem:s24+$0xFFFFFEF0]  }
0x4c: {  	v16 =	vmul.f32 v17, v16;
	v17 =	vmul.f32 v55, v54;
	_ =	sdelay $0x1  }
0x4d: {  	v16 =	vadd.f32 v17, v16;
	v17 =	vmul.f32 v57, v56;
	_ =	sdelay $0x1  }
0x4e: {  	v16 =	vadd.f32 v17, v16;
	v17 =	vmul.f32 v59, v58;
	_ =	sdelay $0x1  }
0x4f: {  	v16 =	vadd.f32 v17, v16;
	_ =	sdelay $0x1  }
0x50: {  	[tilespmem:s22+$0xFFFFFF88] =	vst v16  }
0x51: {  	v16 =	vld [tilespmem:s23+$0xFFFFFF00]  }
0x52: {  	v17 =	vld [tilespmem:s24+$0xFFFFFF00]  }
0x53: {  	v60 =	vld [tilespmem:s23+$0xFFFFFF10]  }
0x54: {  	v61 =	vld [tilespmem:s24+$0xFFFFFF10]  }
0x55: {  	v62 =	vld [tilespmem:s23+$0xFFFFFF20]  }
0x56: {  	v63 =	vld [tilespmem:s24+$0xFFFFFF20]  }
0x57: {  	v24 =	vld [tilespmem:s23+$0xFFFFFF30]  }
0x58: {  	v25 =	vld [tilespmem:s24+$0xFFFFFF30]  }
0x59: {  	v16 =	vmul.f32 v17, v16;
	v17 =	vmul.f32 v61, v60;
	_ =	sdelay $0x1  }
0x5a: {  	v16 =	vadd.f32 v17, v16;
	v17 =	vmul.f32 v63, v62;
	_ =	sdelay $0x1  }
0x5b: {  	v16 =	vadd.f32 v17, v16;
	v17 =	vmul.f32 v25, v24;
	_ =	sdelay $0x1  }
0x5c: {  	v16 =	vadd.f32 v17, v16;
	_ =	sdelay $0x1  }
0x5d: {  	[tilespmem:s22+$0xFFFFFFA0] =	vst v16  }
0x5e: {  	v16 =	vld [tilespmem:s23+$0xFFFFFF40]  }
0x5f: {  	v17 =	vld [tilespmem:s24+$0xFFFFFF40]  }
0x60: {  	v26 =	vld [tilespmem:s23+$0xFFFFFF50]  }
0x61: {  	v27 =	vld [tilespmem:s24+$0xFFFFFF50]  }
0x62: {  	v28 =	vld [tilespmem:s23+$0xFFFFFF60]  }
0x63: {  	v29 =	vld [tilespmem:s24+$0xFFFFFF60]  }
0x64: {  	v30 =	vld [tilespmem:s23+$0xFFFFFF70]  }
0x65: {  	v31 =	vld [tilespmem:s24+$0xFFFFFF70]  }
0x66: {  	v16 =	vmul.f32 v17, v16;
	v17 =	vmul.f32 v27, v26;
	_ =	sdelay $0x1  }
0x67: {  	v16 =	vadd.f32 v17, v16;
	v17 =	vmul.f32 v29, v28;
	_ =	sdelay $0x1  }
0x68: {  	v16 =	vadd.f32 v17, v16;
	v17 =	vmul.f32 v31, v30;
	_ =	sdelay $0x1  }
0x69: {  	v16 =	vadd.f32 v17, v16;
	_ =	sdelay $0x1  }
0x6a: {  	[tilespmem:s22+$0xFFFFFFB8] =	vst v16  }
0x6b: {  	v16 =	vld [tilespmem:s23+$0xFFFFFF80]  }
0x6c: {  	v17 =	vld [tilespmem:s24+$0xFFFFFF80]  }
0x6d: {  	v32 =	vld [tilespmem:s23+$0xFFFFFF90]  }
0x6e: {  	v33 =	vld [tilespmem:s24+$0xFFFFFF90]  }
0x6f: {  	v34 =	vld [tilespmem:s23+$0xFFFFFFA0]  }
0x70: {  	v35 =	vld [tilespmem:s24+$0xFFFFFFA0]  }
0x71: {  	v36 =	vld [tilespmem:s23+$0xFFFFFFB0]  }
0x72: {  	v37 =	vld [tilespmem:s24+$0xFFFFFFB0]  }
0x73: {  	v16 =	vmul.f32 v17, v16;
	v17 =	vmul.f32 v33, v32;
	_ =	sdelay $0x1  }
0x74: {  	v16 =	vadd.f32 v17, v16;
	v17 =	vmul.f32 v35, v34;
	_ =	sdelay $0x1  }
0x75: {  	v16 =	vadd.f32 v17, v16;
	v17 =	vmul.f32 v37, v36;
	_ =	sdelay $0x1  }
0x76: {  	v16 =	vadd.f32 v17, v16;
	_ =	sdelay $0x1  }
0x77: {  	[tilespmem:s22+$0xFFFFFFD0] =	vst v16  }
0x78: {  	v16 =	vld [tilespmem:s23+$0xFFFFFFC0]  }
0x79: {  	v17 =	vld [tilespmem:s24+$0xFFFFFFC0]  }
0x7a: {  	v38 =	vld [tilespmem:s23+$0xFFFFFFD0]  }
0x7b: {  	v39 =	vld [tilespmem:s24+$0xFFFFFFD0]  }
0x7c: {  	v40 =	vld [tilespmem:s23+$0xFFFFFFE0]  }
0x7d: {  	v41 =	vld [tilespmem:s24+$0xFFFFFFE0]  }
0x7e: {  	v42 =	vld [tilespmem:s23+$0xFFFFFFF0]  }
0x7f: {  	v43 =	vld [tilespmem:s24+$0xFFFFFFF0]  }
0x80: {  	v16 =	vmul.f32 v17, v16;
	v17 =	vmul.f32 v39, v38;
	_ =	sdelay $0x1  }
0x81: {  	v16 =	vadd.f32 v17, v16;
	v17 =	vmul.f32 v41, v40;
	_ =	sdelay $0x1  }
0x82: {  	v16 =	vadd.f32 v17, v16;
	v17 =	vmul.f32 v43, v42;
	_ =	sdelay $0x1  }
0x83: {  	v16 =	vadd.f32 v17, v16;
	_ =	sdelay $0x1  }
0x84: {  	[tilespmem:s22+$0xFFFFFFE8] =	vst v16  }
0x85: {  	v16 =	vld [tilespmem:s23+$0x0]  }
0x86: {  	v17 =	vld [tilespmem:s24+$0x0]  }
0x87: {  	v44 =	vld [tilespmem:s23+$0x10]  }
0x88: {  	v45 =	vld [tilespmem:s24+$0x10]  }
0x89: {  	v46 =	vld [tilespmem:s23+$0x20]  }
0x8a: {  	v47 =	vld [tilespmem:s24+$0x20]  }
0x8b: {  	v48 =	vld [tilespmem:s23+$0x30]  }
0x8c: {  	v49 =	vld [tilespmem:s24+$0x30]  }
0x8d: {  	v16 =	vmul.f32 v17, v16;
	v17 =	vmul.f32 v45, v44;
	_ =	sdelay $0x1  }
0x8e: {  	v16 =	vadd.f32 v17, v16;
	v17 =	vmul.f32 v47, v46;
	_ =	sdelay $0x1  }
0x8f: {  	v16 =	vadd.f32 v17, v16;
	v17 =	vmul.f32 v49, v48;
	_ =	sdelay $0x1  }
0x90: {  	v16 =	vadd.f32 v17, v16;
	_ =	sdelay $0x1  }
0x91: {  	[tilespmem:s22+$0x0] =	vst v16  }
0x92: {  	v16 =	vld [tilespmem:s23+$0x40]  }
0x93: {  	v17 =	vld [tilespmem:s24+$0x40]  }
0x94: {  	v50 =	vld [tilespmem:s23+$0x50]  }
0x95: {  	v51 =	vld [tilespmem:s24+$0x50]  }
0x96: {  	v52 =	vld [tilespmem:s23+$0x60]  }
0x97: {  	v53 =	vld [tilespmem:s24+$0x60]  }
0x98: {  	v54 =	vld [tilespmem:s23+$0x70]  }
0x99: {  	v55 =	vld [tilespmem:s24+$0x70]  }
0x9a: {  	v16 =	vmul.f32 v17, v16;
	v17 =	vmul.f32 v51, v50;
	_ =	sdelay $0x1  }
0x9b: {  	v16 =	vadd.f32 v17, v16;
	v17 =	vmul.f32 v53, v52;
	_ =	sdelay $0x1  }
0x9c: {  	v16 =	vadd.f32 v17, v16;
	v17 =	vmul.f32 v55, v54;
	_ =	sdelay $0x1  }
0x9d: {  	v16 =	vadd.f32 v17, v16;
	_ =	sdelay $0x1  }
0x9e: {  	[tilespmem:s22+$0x18] =	vst v16  }
0x9f: {  	v16 =	vld [tilespmem:s23+$0x80]  }
0xa0: {  	v17 =	vld [tilespmem:s24+$0x80]  }
0xa1: {  	v56 =	vld [tilespmem:s23+$0x90]  }
0xa2: {  	v57 =	vld [tilespmem:s24+$0x90]  }
0xa3: {  	v58 =	vld [tilespmem:s23+$0xA0]  }
0xa4: {  	v59 =	vld [tilespmem:s24+$0xA0]  }
0xa5: {  	v60 =	vld [tilespmem:s23+$0xB0]  }
0xa6: {  	v61 =	vld [tilespmem:s24+$0xB0]  }
0xa7: {  	v16 =	vmul.f32 v17, v16;
	v17 =	vmul.f32 v57, v56;
	_ =	sdelay $0x1  }
0xa8: {  	v16 =	vadd.f32 v17, v16;
	v17 =	vmul.f32 v59, v58;
	_ =	sdelay $0x1  }
0xa9: {  	v16 =	vadd.f32 v17, v16;
	v17 =	vmul.f32 v61, v60;
	_ =	sdelay $0x1  }
0xaa: {  	v16 =	vadd.f32 v17, v16;
	_ =	sdelay $0x1  }
0xab: {  	[tilespmem:s22+$0x30] =	vst v16  }
0xac: {  	v16 =	vld [tilespmem:s23+$0xC0]  }
0xad: {  	v17 =	vld [tilespmem:s24+$0xC0]  }
0xae: {  	v62 =	vld [tilespmem:s23+$0xD0]  }
0xaf: {  	v63 =	vld [tilespmem:s24+$0xD0]  }
0xb0: {  	v24 =	vld [tilespmem:s23+$0xE0]  }
0xb1: {  	v25 =	vld [tilespmem:s24+$0xE0]  }
0xb2: {  	v26 =	vld [tilespmem:s23+$0xF0]  }
0xb3: {  	v27 =	vld [tilespmem:s24+$0xF0]  }
0xb4: {  	v16 =	vmul.f32 v17, v16;
	v17 =	vmul.f32 v63, v62;
	_ =	sdelay $0x1  }
0xb5: {  	v16 =	vadd.f32 v17, v16;
	v17 =	vmul.f32 v25, v24;
	_ =	sdelay $0x1  }
0xb6: {  	v16 =	vadd.f32 v17, v16;
	v17 =	vmul.f32 v27, v26;
	_ =	sdelay $0x1  }
0xb7: {  	v16 =	vadd.f32 v17, v16;
	_ =	sdelay $0x1  }
0xb8: {  	[tilespmem:s22+$0x48] =	vst v16  }
0xb9: {  	v16 =	vld [tilespmem:s23+$0x100]  }
0xba: {  	v17 =	vld [tilespmem:s24+$0x100]  }
0xbb: {  	v28 =	vld [tilespmem:s23+$0x110]  }
0xbc: {  	v29 =	vld [tilespmem:s24+$0x110]  }
0xbd: {  	v30 =	vld [tilespmem:s23+$0x120]  }
0xbe: {  	v31 =	vld [tilespmem:s24+$0x120]  }
0xbf: {  	v32 =	vld [tilespmem:s23+$0x130]  }
0xc0: {  	v33 =	vld [tilespmem:s24+$0x130]  }
0xc1: {  	v16 =	vmul.f32 v17, v16;
	v17 =	vmul.f32 v29, v28;
	_ =	sdelay $0x1  }
0xc2: {  	v16 =	vadd.f32 v17, v16;
	v17 =	vmul.f32 v31, v30;
	_ =	sdelay $0x1  }
0xc3: {  	v16 =	vadd.f32 v17, v16;
	v17 =	vmul.f32 v33, v32;
	_ =	sdelay $0x1  }
0xc4: {  	v16 =	vadd.f32 v17, v16;
	_ =	sdelay $0x1  }
0xc5: {  	[tilespmem:s22+$0x60] =	vst v16  }
0xc6: {  	v16 =	vld [tilespmem:s23+$0x140]  }
0xc7: {  	v17 =	vld [tilespmem:s24+$0x140]  }
0xc8: {  	v34 =	vld [tilespmem:s23+$0x150]  }
0xc9: {  	v35 =	vld [tilespmem:s24+$0x150]  }
0xca: {  	v36 =	vld [tilespmem:s23+$0x160]  }
0xcb: {  	v37 =	vld [tilespmem:s24+$0x160]  }
0xcc: {  	v38 =	vld [tilespmem:s23+$0x170]  }
0xcd: {  	v39 =	vld [tilespmem:s24+$0x170]  }
0xce: {  	v16 =	vmul.f32 v17, v16;
	v17 =	vmul.f32 v35, v34;
	_ =	sdelay $0x1  }
0xcf: {  	v16 =	vadd.f32 v17, v16;
	v17 =	vmul.f32 v37, v36;
	_ =	sdelay $0x1  }
0xd0: {  	v16 =	vadd.f32 v17, v16;
	v17 =	vmul.f32 v39, v38;
	_ =	sdelay $0x1  }
0xd1: {  	v16 =	vadd.f32 v17, v16;
	_ =	sdelay $0x1  }
0xd2: {  	[tilespmem:s22+$0x78] =	vst v16  }
0xd3: {  	v16 =	vld [tilespmem:s23+$0x180]  }
0xd4: {  	v17 =	vld [tilespmem:s24+$0x180]  }
0xd5: {  	v40 =	vld [tilespmem:s23+$0x190]  }
0xd6: {  	v41 =	vld [tilespmem:s24+$0x190]  }
0xd7: {  	v42 =	vld [tilespmem:s23+$0x1A0]  }
0xd8: {  	v43 =	vld [tilespmem:s24+$0x1A0]  }
0xd9: {  	v44 =	vld [tilespmem:s23+$0x1B0]  }
0xda: {  	v45 =	vld [tilespmem:s24+$0x1B0]  }
0xdb: {  	v16 =	vmul.f32 v17, v16;
	v17 =	vmul.f32 v41, v40;
	_ =	sdelay $0x1  }
0xdc: {  	v16 =	vadd.f32 v17, v16;
	v17 =	vmul.f32 v43, v42;
	_ =	sdelay $0x1  }
0xdd: {  	v16 =	vadd.f32 v17, v16;
	v17 =	vmul.f32 v45, v44;
	_ =	sdelay $0x1  }
0xde: {  	v16 =	vadd.f32 v17, v16;
	_ =	sdelay $0x1  }
0xdf: {  	[tilespmem:s22+$0x90] =	vst v16  }
0xe0: {  	v16 =	vld [tilespmem:s23+$0x1C0]  }
0xe1: {  	v17 =	vld [tilespmem:s24+$0x1C0]  }
0xe2: {  	v46 =	vld [tilespmem:s23+$0x1D0]  }
0xe3: {  	v47 =	vld [tilespmem:s24+$0x1D0]  }
0xe4: {  	v48 =	vld [tilespmem:s23+$0x1E0]  }
0xe5: {  	v49 =	vld [tilespmem:s24+$0x1E0]  }
0xe6: {  	v50 =	vld [tilespmem:s23+$0x1F0]  }
0xe7: {  	v24 =	vmov s26;
	v51 =	vld [tilespmem:s24+$0x1F0]  }
0xe8: {  	v52 =	vmul.u32 $0x18, v24;
	v16 =	vmul.f32 v17, v16;
	v17 =	vmul.f32 v47, v46;
	_ =	sdelay $0x1  }
0xe9: {  	v18 =	vbroadcast v52, $0x0;
	v16 =	vadd.f32 v17, v16;
	v17 =	vmul.f32 v49, v48;
	_ =	sdelay $0x1  }
0xea: {  	v53 =	vadd.s32 v0, v18;
	v16 =	vadd.f32 v17, v16;
	v17 =	vmul.f32 v51, v50  }
0xeb: {  	v54 =	vadd.s32 v1, v18  }
0xec: {  	v55 =	vadd.s32 v3, v18;
	v16 =	vadd.f32 v17, v16  }
0xed: {  	v56 =	vadd.s32 v5, v18  }
0xee: {  	v57 =	vadd.s32 v6, v18;
	[tilespmem:s22+$0xA8] =	vst v16  }
0xef: {  	v58 =	vadd.s32 v7, v18;
	v19 =	vld.idx.msk [tilespmem:v53+s17+$0x0], $0xffff  }
0xf0: {  	v25 =	vadd.s32 v8, v18;
	v20 =	vld.idx.msk [tilespmem:v54+s17+$0x0], $0xffff  }
0xf1: {  	v26 =	vadd.s32 v9, v18;
	v21 =	vld.idx.msk [tilespmem:v55+s17+$0x0], $0xffff  }
0xf2: {  	v27 =	vadd.s32 v10, v18;
	v22 =	vld.idx.msk [tilespmem:v56+s17+$0x0], $0xffff  }
0xf3: {  	v28 =	vadd.s32 v11, v18;
	v23 =	vld.idx.msk [tilespmem:v57+s17+$0x0], $0xffff  }
0xf4: {  	v29 =	vadd.s32 v12, v18;
	v24 =	vld.idx.msk [tilespmem:v58+s17+$0x0], $0xffff  }
0xf5: {  	v30 =	vadd.s32 v13, v18;
	v25 =	vld.idx.msk [tilespmem:v25+s17+$0x0], $0xffff  }
0xf6: {  	v31 =	vadd.s32 v14, v18;
	v26 =	vld.idx.msk [tilespmem:v26+s17+$0x0], $0xffff  }
0xf7: {  	v17 =	vadd.s32 v2, v18;
	v27 =	vld.idx.msk [tilespmem:v27+s17+$0x0], $0xffff  }
0xf8: {  	v16 =	vadd.s32 v4, v18;
	v28 =	vld.idx.msk [tilespmem:v28+s17+$0x0], $0xffff  }
0xf9: {  	v18 =	vadd.s32 v15, v18;
	v29 =	vld.idx.msk [tilespmem:v29+s17+$0x0], $0xffff  }
0xfa: {  	v30 =	vld.idx.msk [tilespmem:v30+s17+$0x0], $0xffff  }
0xfb: {  	v31 =	vld.idx.msk [tilespmem:v31+s17+$0x0], $0xffff  }
0xfc: {  	v17 =	vld.idx.msk [tilespmem:v17+s17+$0x0], $0xffff  }
0xfd: {  	v16 =	vld.idx.msk [tilespmem:v16+s17+$0x0], $0xffff  }
0xfe: {  	v18 =	vld.idx.msk [tilespmem:v18+s17+$0x0], $0xffff;
	_ =	sdelay $0x1  }
0xff: {  	v19 =	vadd.f32 v20, v19;
	v59 =	vadd.f32 v24, v23  }
0x100: {  	v60 =	vadd.f32 v26, v25;
	v61 =	vadd.f32 v28, v27  }
0x101: {  	v62 =	vadd.f32 v30, v29;
	v17 =	vadd.f32 v21, v17  }
0x102: {  	v16 =	vadd.f32 v22, v16;
	v18 =	vadd.f32 v18, v31  }
0x103: {  	v63 =	vadd.f32 v61, v60;
	v17 =	vadd.f32 v17, v19  }
0x104: {  	v16 =	vadd.f32 v59, v16;
	v18 =	vadd.f32 v18, v62  }
0x105: {  	p0 =	sne.s32 s26, $0x70  }
.Ltmp0:
0x106: {  	v16 =	vadd.f32 v16, v17;
	v17 =	vadd.f32 v18, v63;
	(pc) =	sbr.rel @p0 .LBB2_2-.Ltmp0, $4  }
0x107: {  	_ = 	snop  }
0x108: {  	v16 =	vadd.f32 v17, v16  }
0x109: {  	s26 =	sadd.s32 $0x10, s26;
	s23 =	sadd.s32 $0x400, s23  }
0x10a: {  	s24 =	sadd.s32 $0x400, s24;
	s22 =	sadd.s32 $0x180, s22;
	[tilespmem:s25+$0x0] =	vst v16;
	s25 =	sadd.s32 $0x10, s25  }
0x10b: {  	s22 =	simm.s32 $0x0  }
0x10c: {  	[tilespmem:s22], [sflag:$0x1] =	stream.linear.gather [hbm4b:s7+s22], $0x2000, $0x38;
	[tilespmem:$0x8E00] =	vst v63  }
0x10d: {  	_ = 	snop  }
0x10e: {  	[tilespmem:s13], [sflag:$0x1] =	stream.linear.gather [hbm4b:s8+s22], $0x2000, $0x38;
	[tilespmem:$0x8E00] =	vst v63  }
0x10f: {  	_ =	swait.ge [sflag:s18], $0x2000  }
0x110: {  	[sflag:s18] =	ssyncset.done $0x0  }
0x111: {  	[sflag:s18] =	ssyncadd.s32 $0xFFFFE000  }
0x112: {  	_ =	swait.ge [sflag:s18], $0x2000  }
0x113: {  	s23 =	simm.s32 $0x80C0;
	s24 =	simm.s32 $0x8C80;
	[sflag:s18] =	ssyncset.done $0x0  }
0x114: {  	s25 =	simm.s32 $0x4200;
	s26 =	simm.s32 $0x6200;
	[sflag:s18] =	ssyncadd.s32 $0xFFFFE000  }
.LBB2_4:
0x115: {  	v16 =	vld [tilespmem:s25+$0xFFFFFE00]  }
0x116: {  	v17 =	vld [tilespmem:s26+$0xFFFFFE00]  }
0x117: {  	v18 =	vld [tilespmem:s25+$0xFFFFFE10]  }
0x118: {  	v19 =	vld [tilespmem:s26+$0xFFFFFE10]  }
0x119: {  	v20 =	vld [tilespmem:s25+$0xFFFFFE20]  }
0x11a: {  	v21 =	vld [tilespmem:s26+$0xFFFFFE20]  }
0x11b: {  	v22 =	vld [tilespmem:s25+$0xFFFFFE30]  }
0x11c: {  	v23 =	vld [tilespmem:s26+$0xFFFFFE30]  }
0x11d: {  	v16 =	vmul.f32 v17, v16;
	v17 =	vmul.f32 v19, v18;
	_ =	sdelay $0x1  }
0x11e: {  	v16 =	vadd.f32 v17, v16;
	v17 =	vmul.f32 v21, v20;
	_ =	sdelay $0x1  }
0x11f: {  	v16 =	vadd.f32 v17, v16;
	v17 =	vmul.f32 v23, v22;
	_ =	sdelay $0x1  }
0x120: {  	v16 =	vadd.f32 v17, v16;
	_ =	sdelay $0x1  }
0x121: {  	[tilespmem:s23+$0xFFFFFF40] =	vst v16  }
0x122: {  	v16 =	vld [tilespmem:s25+$0xFFFFFE40]  }
0x123: {  	v17 =	vld [tilespmem:s26+$0xFFFFFE40]  }
0x124: {  	v42 =	vld [tilespmem:s25+$0xFFFFFE50]  }
0x125: {  	v43 =	vld [tilespmem:s26+$0xFFFFFE50]  }
0x126: {  	v44 =	vld [tilespmem:s25+$0xFFFFFE60]  }
0x127: {  	v45 =	vld [tilespmem:s26+$0xFFFFFE60]  }
0x128: {  	v46 =	vld [tilespmem:s25+$0xFFFFFE70]  }
0x129: {  	v47 =	vld [tilespmem:s26+$0xFFFFFE70]  }
0x12a: {  	v16 =	vmul.f32 v17, v16;
	v17 =	vmul.f32 v43, v42;
	_ =	sdelay $0x1  }
0x12b: {  	v16 =	vadd.f32 v17, v16;
	v17 =	vmul.f32 v45, v44;
	_ =	sdelay $0x1  }
0x12c: {  	v16 =	vadd.f32 v17, v16;
	v17 =	vmul.f32 v47, v46;
	_ =	sdelay $0x1  }
0x12d: {  	v16 =	vadd.f32 v17, v16;
	_ =	sdelay $0x1  }
0x12e: {  	[tilespmem:s23+$0xFFFFFF58] =	vst v16  }
0x12f: {  	v16 =	vld [tilespmem:s25+$0xFFFFFE80]  }
0x130: {  	v17 =	vld [tilespmem:s26+$0xFFFFFE80]  }
0x131: {  	v48 =	vld [tilespmem:s25+$0xFFFFFE90]  }
0x132: {  	v49 =	vld [tilespmem:s26+$0xFFFFFE90]  }
0x133: {  	v50 =	vld [tilespmem:s25+$0xFFFFFEA0]  }
0x134: {  	v51 =	vld [tilespmem:s26+$0xFFFFFEA0]  }
0x135: {  	v52 =	vld [tilespmem:s25+$0xFFFFFEB0]  }
0x136: {  	v53 =	vld [tilespmem:s26+$0xFFFFFEB0]  }
0x137: {  	v16 =	vmul.f32 v17, v16;
	v17 =	vmul.f32 v49, v48;
	_ =	sdelay $0x1  }
0x138: {  	v16 =	vadd.f32 v17, v16;
	v17 =	vmul.f32 v51, v50;
	_ =	sdelay $0x1  }
0x139: {  	v16 =	vadd.f32 v17, v16;
	v17 =	vmul.f32 v53, v52;
	_ =	sdelay $0x1  }
0x13a: {  	v16 =	vadd.f32 v17, v16;
	_ =	sdelay $0x1  }
0x13b: {  	[tilespmem:s23+$0xFFFFFF70] =	vst v16  }
0x13c: {  	v16 =	vld [tilespmem:s25+$0xFFFFFEC0]  }
0x13d: {  	v17 =	vld [tilespmem:s26+$0xFFFFFEC0]  }
0x13e: {  	v54 =	vld [tilespmem:s25+$0xFFFFFED0]  }
0x13f: {  	v55 =	vld [tilespmem:s26+$0xFFFFFED0]  }
0x140: {  	v56 =	vld [tilespmem:s25+$0xFFFFFEE0]  }
0x141: {  	v57 =	vld [tilespmem:s26+$0xFFFFFEE0]  }
0x142: {  	v58 =	vld [tilespmem:s25+$0xFFFFFEF0]  }
0x143: {  	v59 =	vld [tilespmem:s26+$0xFFFFFEF0]  }
0x144: {  	v16 =	vmul.f32 v17, v16;
	v17 =	vmul.f32 v55, v54;
	_ =	sdelay $0x1  }
0x145: {  	v16 =	vadd.f32 v17, v16;
	v17 =	vmul.f32 v57, v56;
	_ =	sdelay $0x1  }
0x146: {  	v16 =	vadd.f32 v17, v16;
	v17 =	vmul.f32 v59, v58;
	_ =	sdelay $0x1  }
0x147: {  	v16 =	vadd.f32 v17, v16;
	_ =	sdelay $0x1  }
0x148: {  	[tilespmem:s23+$0xFFFFFF88] =	vst v16  }
0x149: {  	v16 =	vld [tilespmem:s25+$0xFFFFFF00]  }
0x14a: {  	v17 =	vld [tilespmem:s26+$0xFFFFFF00]  }
0x14b: {  	v60 =	vld [tilespmem:s25+$0xFFFFFF10]  }
0x14c: {  	v61 =	vld [tilespmem:s26+$0xFFFFFF10]  }
0x14d: {  	v62 =	vld [tilespmem:s25+$0xFFFFFF20]  }
0x14e: {  	v63 =	vld [tilespmem:s26+$0xFFFFFF20]  }
0x14f: {  	v24 =	vld [tilespmem:s25+$0xFFFFFF30]  }
0x150: {  	v25 =	vld [tilespmem:s26+$0xFFFFFF30]  }
0x151: {  	v16 =	vmul.f32 v17, v16;
	v17 =	vmul.f32 v61, v60;
	_ =	sdelay $0x1  }
0x152: {  	v16 =	vadd.f32 v17, v16;
	v17 =	vmul.f32 v63, v62;
	_ =	sdelay $0x1  }
0x153: {  	v16 =	vadd.f32 v17, v16;
	v17 =	vmul.f32 v25, v24;
	_ =	sdelay $0x1  }
0x154: {  	v16 =	vadd.f32 v17, v16;
	_ =	sdelay $0x1  }
0x155: {  	[tilespmem:s23+$0xFFFFFFA0] =	vst v16  }
0x156: {  	v16 =	vld [tilespmem:s25+$0xFFFFFF40]  }
0x157: {  	v17 =	vld [tilespmem:s26+$0xFFFFFF40]  }
0x158: {  	v26 =	vld [tilespmem:s25+$0xFFFFFF50]  }
0x159: {  	v27 =	vld [tilespmem:s26+$0xFFFFFF50]  }
0x15a: {  	v28 =	vld [tilespmem:s25+$0xFFFFFF60]  }
0x15b: {  	v29 =	vld [tilespmem:s26+$0xFFFFFF60]  }
0x15c: {  	v30 =	vld [tilespmem:s25+$0xFFFFFF70]  }
0x15d: {  	v31 =	vld [tilespmem:s26+$0xFFFFFF70]  }
0x15e: {  	v16 =	vmul.f32 v17, v16;
	v17 =	vmul.f32 v27, v26;
	_ =	sdelay $0x1  }
0x15f: {  	v16 =	vadd.f32 v17, v16;
	v17 =	vmul.f32 v29, v28;
	_ =	sdelay $0x1  }
0x160: {  	v16 =	vadd.f32 v17, v16;
	v17 =	vmul.f32 v31, v30;
	_ =	sdelay $0x1  }
0x161: {  	v16 =	vadd.f32 v17, v16;
	_ =	sdelay $0x1  }
0x162: {  	[tilespmem:s23+$0xFFFFFFB8] =	vst v16  }
0x163: {  	v16 =	vld [tilespmem:s25+$0xFFFFFF80]  }
0x164: {  	v17 =	vld [tilespmem:s26+$0xFFFFFF80]  }
0x165: {  	v32 =	vld [tilespmem:s25+$0xFFFFFF90]  }
0x166: {  	v33 =	vld [tilespmem:s26+$0xFFFFFF90]  }
0x167: {  	v34 =	vld [tilespmem:s25+$0xFFFFFFA0]  }
0x168: {  	v35 =	vld [tilespmem:s26+$0xFFFFFFA0]  }
0x169: {  	v36 =	vld [tilespmem:s25+$0xFFFFFFB0]  }
0x16a: {  	v37 =	vld [tilespmem:s26+$0xFFFFFFB0]  }
0x16b: {  	v16 =	vmul.f32 v17, v16;
	v17 =	vmul.f32 v33, v32;
	_ =	sdelay $0x1  }
0x16c: {  	v16 =	vadd.f32 v17, v16;
	v17 =	vmul.f32 v35, v34;
	_ =	sdelay $0x1  }
0x16d: {  	v16 =	vadd.f32 v17, v16;
	v17 =	vmul.f32 v37, v36;
	_ =	sdelay $0x1  }
0x16e: {  	v16 =	vadd.f32 v17, v16;
	_ =	sdelay $0x1  }
0x16f: {  	[tilespmem:s23+$0xFFFFFFD0] =	vst v16  }
0x170: {  	v16 =	vld [tilespmem:s25+$0xFFFFFFC0]  }
0x171: {  	v17 =	vld [tilespmem:s26+$0xFFFFFFC0]  }
0x172: {  	v38 =	vld [tilespmem:s25+$0xFFFFFFD0]  }
0x173: {  	v39 =	vld [tilespmem:s26+$0xFFFFFFD0]  }
0x174: {  	v40 =	vld [tilespmem:s25+$0xFFFFFFE0]  }
0x175: {  	v41 =	vld [tilespmem:s26+$0xFFFFFFE0]  }
0x176: {  	v42 =	vld [tilespmem:s25+$0xFFFFFFF0]  }
0x177: {  	v43 =	vld [tilespmem:s26+$0xFFFFFFF0]  }
0x178: {  	v16 =	vmul.f32 v17, v16;
	v17 =	vmul.f32 v39, v38;
	_ =	sdelay $0x1  }
0x179: {  	v16 =	vadd.f32 v17, v16;
	v17 =	vmul.f32 v41, v40;
	_ =	sdelay $0x1  }
0x17a: {  	v16 =	vadd.f32 v17, v16;
	v17 =	vmul.f32 v43, v42;
	_ =	sdelay $0x1  }
0x17b: {  	v16 =	vadd.f32 v17, v16;
	_ =	sdelay $0x1  }
0x17c: {  	[tilespmem:s23+$0xFFFFFFE8] =	vst v16  }
0x17d: {  	v16 =	vld [tilespmem:s25+$0x0]  }
0x17e: {  	v17 =	vld [tilespmem:s26+$0x0]  }
0x17f: {  	v44 =	vld [tilespmem:s25+$0x10]  }
0x180: {  	v45 =	vld [tilespmem:s26+$0x10]  }
0x181: {  	v46 =	vld [tilespmem:s25+$0x20]  }
0x182: {  	v47 =	vld [tilespmem:s26+$0x20]  }
0x183: {  	v48 =	vld [tilespmem:s25+$0x30]  }
0x184: {  	v49 =	vld [tilespmem:s26+$0x30]  }
0x185: {  	v16 =	vmul.f32 v17, v16;
	v17 =	vmul.f32 v45, v44;
	_ =	sdelay $0x1  }
0x186: {  	v16 =	vadd.f32 v17, v16;
	v17 =	vmul.f32 v47, v46;
	_ =	sdelay $0x1  }
0x187: {  	v16 =	vadd.f32 v17, v16;
	v17 =	vmul.f32 v49, v48;
	_ =	sdelay $0x1  }
0x188: {  	v16 =	vadd.f32 v17, v16;
	_ =	sdelay $0x1  }
0x189: {  	[tilespmem:s23+$0x0] =	vst v16  }
0x18a: {  	v16 =	vld [tilespmem:s25+$0x40]  }
0x18b: {  	v17 =	vld [tilespmem:s26+$0x40]  }
0x18c: {  	v50 =	vld [tilespmem:s25+$0x50]  }
0x18d: {  	v51 =	vld [tilespmem:s26+$0x50]  }
0x18e: {  	v52 =	vld [tilespmem:s25+$0x60]  }
0x18f: {  	v53 =	vld [tilespmem:s26+$0x60]  }
0x190: {  	v54 =	vld [tilespmem:s25+$0x70]  }
0x191: {  	v55 =	vld [tilespmem:s26+$0x70]  }
0x192: {  	v16 =	vmul.f32 v17, v16;
	v17 =	vmul.f32 v51, v50;
	_ =	sdelay $0x1  }
0x193: {  	v16 =	vadd.f32 v17, v16;
	v17 =	vmul.f32 v53, v52;
	_ =	sdelay $0x1  }
0x194: {  	v16 =	vadd.f32 v17, v16;
	v17 =	vmul.f32 v55, v54;
	_ =	sdelay $0x1  }
0x195: {  	v16 =	vadd.f32 v17, v16;
	_ =	sdelay $0x1  }
0x196: {  	[tilespmem:s23+$0x18] =	vst v16  }
0x197: {  	v16 =	vld [tilespmem:s25+$0x80]  }
0x198: {  	v17 =	vld [tilespmem:s26+$0x80]  }
0x199: {  	v56 =	vld [tilespmem:s25+$0x90]  }
0x19a: {  	v57 =	vld [tilespmem:s26+$0x90]  }
0x19b: {  	v58 =	vld [tilespmem:s25+$0xA0]  }
0x19c: {  	v59 =	vld [tilespmem:s26+$0xA0]  }
0x19d: {  	v60 =	vld [tilespmem:s25+$0xB0]  }
0x19e: {  	v61 =	vld [tilespmem:s26+$0xB0]  }
0x19f: {  	v16 =	vmul.f32 v17, v16;
	v17 =	vmul.f32 v57, v56;
	_ =	sdelay $0x1  }
0x1a0: {  	v16 =	vadd.f32 v17, v16;
	v17 =	vmul.f32 v59, v58;
	_ =	sdelay $0x1  }
0x1a1: {  	v16 =	vadd.f32 v17, v16;
	v17 =	vmul.f32 v61, v60;
	_ =	sdelay $0x1  }
0x1a2: {  	v16 =	vadd.f32 v17, v16;
	_ =	sdelay $0x1  }
0x1a3: {  	[tilespmem:s23+$0x30] =	vst v16  }
0x1a4: {  	v16 =	vld [tilespmem:s25+$0xC0]  }
0x1a5: {  	v17 =	vld [tilespmem:s26+$0xC0]  }
0x1a6: {  	v62 =	vld [tilespmem:s25+$0xD0]  }
0x1a7: {  	v63 =	vld [tilespmem:s26+$0xD0]  }
0x1a8: {  	v24 =	vld [tilespmem:s25+$0xE0]  }
0x1a9: {  	v25 =	vld [tilespmem:s26+$0xE0]  }
0x1aa: {  	v26 =	vld [tilespmem:s25+$0xF0]  }
0x1ab: {  	v27 =	vld [tilespmem:s26+$0xF0]  }
0x1ac: {  	v16 =	vmul.f32 v17, v16;
	v17 =	vmul.f32 v63, v62;
	_ =	sdelay $0x1  }
0x1ad: {  	v16 =	vadd.f32 v17, v16;
	v17 =	vmul.f32 v25, v24;
	_ =	sdelay $0x1  }
0x1ae: {  	v16 =	vadd.f32 v17, v16;
	v17 =	vmul.f32 v27, v26;
	_ =	sdelay $0x1  }
0x1af: {  	v16 =	vadd.f32 v17, v16;
	_ =	sdelay $0x1  }
0x1b0: {  	[tilespmem:s23+$0x48] =	vst v16  }
0x1b1: {  	v16 =	vld [tilespmem:s25+$0x100]  }
0x1b2: {  	v17 =	vld [tilespmem:s26+$0x100]  }
0x1b3: {  	v28 =	vld [tilespmem:s25+$0x110]  }
0x1b4: {  	v29 =	vld [tilespmem:s26+$0x110]  }
0x1b5: {  	v30 =	vld [tilespmem:s25+$0x120]  }
0x1b6: {  	v31 =	vld [tilespmem:s26+$0x120]  }
0x1b7: {  	v32 =	vld [tilespmem:s25+$0x130]  }
0x1b8: {  	v33 =	vld [tilespmem:s26+$0x130]  }
0x1b9: {  	v16 =	vmul.f32 v17, v16;
	v17 =	vmul.f32 v29, v28;
	_ =	sdelay $0x1  }
0x1ba: {  	v16 =	vadd.f32 v17, v16;
	v17 =	vmul.f32 v31, v30;
	_ =	sdelay $0x1  }
0x1bb: {  	v16 =	vadd.f32 v17, v16;
	v17 =	vmul.f32 v33, v32;
	_ =	sdelay $0x1  }
0x1bc: {  	v16 =	vadd.f32 v17, v16;
	_ =	sdelay $0x1  }
0x1bd: {  	[tilespmem:s23+$0x60] =	vst v16  }
0x1be: {  	v16 =	vld [tilespmem:s25+$0x140]  }
0x1bf: {  	v17 =	vld [tilespmem:s26+$0x140]  }
0x1c0: {  	v34 =	vld [tilespmem:s25+$0x150]  }
0x1c1: {  	v35 =	vld [tilespmem:s26+$0x150]  }
0x1c2: {  	v36 =	vld [tilespmem:s25+$0x160]  }
0x1c3: {  	v37 =	vld [tilespmem:s26+$0x160]  }
0x1c4: {  	v38 =	vld [tilespmem:s25+$0x170]  }
0x1c5: {  	v39 =	vld [tilespmem:s26+$0x170]  }
0x1c6: {  	v16 =	vmul.f32 v17, v16;
	v17 =	vmul.f32 v35, v34;
	_ =	sdelay $0x1  }
0x1c7: {  	v16 =	vadd.f32 v17, v16;
	v17 =	vmul.f32 v37, v36;
	_ =	sdelay $0x1  }
0x1c8: {  	v16 =	vadd.f32 v17, v16;
	v17 =	vmul.f32 v39, v38;
	_ =	sdelay $0x1  }
0x1c9: {  	v16 =	vadd.f32 v17, v16;
	_ =	sdelay $0x1  }
0x1ca: {  	[tilespmem:s23+$0x78] =	vst v16  }
0x1cb: {  	v16 =	vld [tilespmem:s25+$0x180]  }
0x1cc: {  	v17 =	vld [tilespmem:s26+$0x180]  }
0x1cd: {  	v40 =	vld [tilespmem:s25+$0x190]  }
0x1ce: {  	v41 =	vld [tilespmem:s26+$0x190]  }
0x1cf: {  	v42 =	vld [tilespmem:s25+$0x1A0]  }
0x1d0: {  	v43 =	vld [tilespmem:s26+$0x1A0]  }
0x1d1: {  	v44 =	vld [tilespmem:s25+$0x1B0]  }
0x1d2: {  	v45 =	vld [tilespmem:s26+$0x1B0]  }
0x1d3: {  	v16 =	vmul.f32 v17, v16;
	v17 =	vmul.f32 v41, v40;
	_ =	sdelay $0x1  }
0x1d4: {  	v16 =	vadd.f32 v17, v16;
	v17 =	vmul.f32 v43, v42;
	_ =	sdelay $0x1  }
0x1d5: {  	v16 =	vadd.f32 v17, v16;
	v17 =	vmul.f32 v45, v44;
	_ =	sdelay $0x1  }
0x1d6: {  	v16 =	vadd.f32 v17, v16;
	_ =	sdelay $0x1  }
0x1d7: {  	[tilespmem:s23+$0x90] =	vst v16  }
0x1d8: {  	v16 =	vld [tilespmem:s25+$0x1C0]  }
0x1d9: {  	v17 =	vld [tilespmem:s26+$0x1C0]  }
0x1da: {  	v46 =	vld [tilespmem:s25+$0x1D0]  }
0x1db: {  	v47 =	vld [tilespmem:s26+$0x1D0]  }
0x1dc: {  	v48 =	vld [tilespmem:s25+$0x1E0]  }
0x1dd: {  	v49 =	vld [tilespmem:s26+$0x1E0]  }
0x1de: {  	v50 =	vld [tilespmem:s25+$0x1F0]  }
0x1df: {  	v24 =	vmov s22;
	v51 =	vld [tilespmem:s26+$0x1F0]  }
0x1e0: {  	v52 =	vmul.u32 $0x18, v24;
	v16 =	vmul.f32 v17, v16;
	v17 =	vmul.f32 v47, v46;
	_ =	sdelay $0x1  }
0x1e1: {  	v18 =	vbroadcast v52, $0x0;
	v16 =	vadd.f32 v17, v16;
	v17 =	vmul.f32 v49, v48;
	_ =	sdelay $0x1  }
0x1e2: {  	v53 =	vadd.s32 v0, v18;
	v16 =	vadd.f32 v17, v16;
	v17 =	vmul.f32 v51, v50  }
0x1e3: {  	v54 =	vadd.s32 v1, v18  }
0x1e4: {  	v55 =	vadd.s32 v3, v18;
	v16 =	vadd.f32 v17, v16  }
0x1e5: {  	v56 =	vadd.s32 v5, v18  }
0x1e6: {  	v57 =	vadd.s32 v6, v18;
	[tilespmem:s23+$0xA8] =	vst v16  }
0x1e7: {  	v58 =	vadd.s32 v7, v18;
	v19 =	vld.idx.msk [tilespmem:v53+s17+$0x0], $0xffff  }
0x1e8: {  	v25 =	vadd.s32 v8, v18;
	v20 =	vld.idx.msk [tilespmem:v54+s17+$0x0], $0xffff  }
0x1e9: {  	v26 =	vadd.s32 v9, v18;
	v21 =	vld.idx.msk [tilespmem:v55+s17+$0x0], $0xffff  }
0x1ea: {  	v27 =	vadd.s32 v10, v18;
	v22 =	vld.idx.msk [tilespmem:v56+s17+$0x0], $0xffff  }
0x1eb: {  	v28 =	vadd.s32 v11, v18;
	v23 =	vld.idx.msk [tilespmem:v57+s17+$0x0], $0xffff  }
0x1ec: {  	v29 =	vadd.s32 v12, v18;
	v24 =	vld.idx.msk [tilespmem:v58+s17+$0x0], $0xffff  }
0x1ed: {  	v30 =	vadd.s32 v13, v18;
	v25 =	vld.idx.msk [tilespmem:v25+s17+$0x0], $0xffff  }
0x1ee: {  	v31 =	vadd.s32 v14, v18;
	v26 =	vld.idx.msk [tilespmem:v26+s17+$0x0], $0xffff  }
0x1ef: {  	v17 =	vadd.s32 v2, v18;
	v27 =	vld.idx.msk [tilespmem:v27+s17+$0x0], $0xffff  }
0x1f0: {  	v16 =	vadd.s32 v4, v18;
	v28 =	vld.idx.msk [tilespmem:v28+s17+$0x0], $0xffff  }
0x1f1: {  	v18 =	vadd.s32 v15, v18;
	v29 =	vld.idx.msk [tilespmem:v29+s17+$0x0], $0xffff  }
0x1f2: {  	v30 =	vld.idx.msk [tilespmem:v30+s17+$0x0], $0xffff  }
0x1f3: {  	v31 =	vld.idx.msk [tilespmem:v31+s17+$0x0], $0xffff  }
0x1f4: {  	v17 =	vld.idx.msk [tilespmem:v17+s17+$0x0], $0xffff  }
0x1f5: {  	v16 =	vld.idx.msk [tilespmem:v16+s17+$0x0], $0xffff  }
0x1f6: {  	v18 =	vld.idx.msk [tilespmem:v18+s17+$0x0], $0xffff;
	_ =	sdelay $0x1  }
0x1f7: {  	v19 =	vadd.f32 v20, v19;
	v59 =	vadd.f32 v24, v23  }
0x1f8: {  	v60 =	vadd.f32 v26, v25;
	v61 =	vadd.f32 v28, v27  }
0x1f9: {  	v62 =	vadd.f32 v30, v29;
	v17 =	vadd.f32 v21, v17  }
0x1fa: {  	v16 =	vadd.f32 v22, v16;
	v18 =	vadd.f32 v18, v31  }
0x1fb: {  	v63 =	vadd.f32 v61, v60;
	v17 =	vadd.f32 v17, v19  }
0x1fc: {  	v16 =	vadd.f32 v59, v16;
	v18 =	vadd.f32 v18, v62  }
0x1fd: {  	p0 =	sne.s32 s22, $0x70  }
.Ltmp1:
0x1fe: {  	v16 =	vadd.f32 v16, v17;
	v17 =	vadd.f32 v18, v63;
	(pc) =	sbr.rel @p0 .LBB2_4-.Ltmp1, $4  }
0x1ff: {  	_ = 	snop  }
0x200: {  	v16 =	vadd.f32 v17, v16  }
0x201: {  	s22 =	sadd.s32 $0x10, s22;
	s25 =	sadd.s32 $0x400, s25  }
0x202: {  	s26 =	sadd.s32 $0x400, s26;
	s23 =	sadd.s32 $0x180, s23;
	[tilespmem:s24+$0x0] =	vst v16;
	s24 =	sadd.s32 $0x10, s24  }
0x203: {  	s22 =	simm.s32 $0x0  }
0x204: {  	[tilespmem:s14], [sflag:$0x2] =	stream.linear.gather [hbm4b:s9+s22], $0x2000, $0x38;
	[tilespmem:$0x8E00] =	vst v63  }
0x205: {  	_ = 	snop  }
0x206: {  	[tilespmem:s15], [sflag:$0x2] =	stream.linear.gather [hbm4b:s10+s22], $0x2000, $0x38;
	[tilespmem:$0x8E00] =	vst v63  }
0x207: {  	_ =	swait.ge [sflag:s16], $0x2000  }
0x208: {  	[sflag:s16] =	ssyncset.done $0x0  }
0x209: {  	[sflag:s16] =	ssyncadd.s32 $0xFFFFE000  }
0x20a: {  	_ =	swait.ge [sflag:s16], $0x2000  }
0x20b: {  	s23 =	simm.s32 $0x80C0;
	s24 =	simm.s32 $0x8D00;
	[sflag:s16] =	ssyncset.done $0x0  }
0x20c: {  	s25 =	simm.s32 $0x200;
	s26 =	simm.s32 $0x2200;
	[sflag:s16] =	ssyncadd.s32 $0xFFFFE000  }
.LBB2_6:
0x20d: {  	v16 =	vld [tilespmem:s25+$0xFFFFFE00]  }
0x20e: {  	v17 =	vld [tilespmem:s26+$0xFFFFFE00]  }
0x20f: {  	v18 =	vld [tilespmem:s25+$0xFFFFFE10]  }
0x210: {  	v19 =	vld [tilespmem:s26+$0xFFFFFE10]  }
0x211: {  	v20 =	vld [tilespmem:s25+$0xFFFFFE20]  }
0x212: {  	v21 =	vld [tilespmem:s26+$0xFFFFFE20]  }
0x213: {  	v22 =	vld [tilespmem:s25+$0xFFFFFE30]  }
0x214: {  	v23 =	vld [tilespmem:s26+$0xFFFFFE30]  }
0x215: {  	v16 =	vmul.f32 v17, v16;
	v17 =	vmul.f32 v19, v18;
	_ =	sdelay $0x1  }
0x216: {  	v16 =	vadd.f32 v17, v16;
	v17 =	vmul.f32 v21, v20;
	_ =	sdelay $0x1  }
0x217: {  	v16 =	vadd.f32 v17, v16;
	v17 =	vmul.f32 v23, v22;
	_ =	sdelay $0x1  }
0x218: {  	v16 =	vadd.f32 v17, v16;
	_ =	sdelay $0x1  }
0x219: {  	[tilespmem:s23+$0xFFFFFF40] =	vst v16  }
0x21a: {  	v16 =	vld [tilespmem:s25+$0xFFFFFE40]  }
0x21b: {  	v17 =	vld [tilespmem:s26+$0xFFFFFE40]  }
0x21c: {  	v42 =	vld [tilespmem:s25+$0xFFFFFE50]  }
0x21d: {  	v43 =	vld [tilespmem:s26+$0xFFFFFE50]  }
0x21e: {  	v44 =	vld [tilespmem:s25+$0xFFFFFE60]  }
0x21f: {  	v45 =	vld [tilespmem:s26+$0xFFFFFE60]  }
0x220: {  	v46 =	vld [tilespmem:s25+$0xFFFFFE70]  }
0x221: {  	v47 =	vld [tilespmem:s26+$0xFFFFFE70]  }
0x222: {  	v16 =	vmul.f32 v17, v16;
	v17 =	vmul.f32 v43, v42;
	_ =	sdelay $0x1  }
0x223: {  	v16 =	vadd.f32 v17, v16;
	v17 =	vmul.f32 v45, v44;
	_ =	sdelay $0x1  }
0x224: {  	v16 =	vadd.f32 v17, v16;
	v17 =	vmul.f32 v47, v46;
	_ =	sdelay $0x1  }
0x225: {  	v16 =	vadd.f32 v17, v16;
	_ =	sdelay $0x1  }
0x226: {  	[tilespmem:s23+$0xFFFFFF58] =	vst v16  }
0x227: {  	v16 =	vld [tilespmem:s25+$0xFFFFFE80]  }
0x228: {  	v17 =	vld [tilespmem:s26+$0xFFFFFE80]  }
0x229: {  	v48 =	vld [tilespmem:s25+$0xFFFFFE90]  }
0x22a: {  	v49 =	vld [tilespmem:s26+$0xFFFFFE90]  }
0x22b: {  	v50 =	vld [tilespmem:s25+$0xFFFFFEA0]  }
0x22c: {  	v51 =	vld [tilespmem:s26+$0xFFFFFEA0]  }
0x22d: {  	v52 =	vld [tilespmem:s25+$0xFFFFFEB0]  }
0x22e: {  	v53 =	vld [tilespmem:s26+$0xFFFFFEB0]  }
0x22f: {  	v16 =	vmul.f32 v17, v16;
	v17 =	vmul.f32 v49, v48;
	_ =	sdelay $0x1  }
0x230: {  	v16 =	vadd.f32 v17, v16;
	v17 =	vmul.f32 v51, v50;
	_ =	sdelay $0x1  }
0x231: {  	v16 =	vadd.f32 v17, v16;
	v17 =	vmul.f32 v53, v52;
	_ =	sdelay $0x1  }
0x232: {  	v16 =	vadd.f32 v17, v16;
	_ =	sdelay $0x1  }
0x233: {  	[tilespmem:s23+$0xFFFFFF70] =	vst v16  }
0x234: {  	v16 =	vld [tilespmem:s25+$0xFFFFFEC0]  }
0x235: {  	v17 =	vld [tilespmem:s26+$0xFFFFFEC0]  }
0x236: {  	v54 =	vld [tilespmem:s25+$0xFFFFFED0]  }
0x237: {  	v55 =	vld [tilespmem:s26+$0xFFFFFED0]  }
0x238: {  	v56 =	vld [tilespmem:s25+$0xFFFFFEE0]  }
0x239: {  	v57 =	vld [tilespmem:s26+$0xFFFFFEE0]  }
0x23a: {  	v58 =	vld [tilespmem:s25+$0xFFFFFEF0]  }
0x23b: {  	v59 =	vld [tilespmem:s26+$0xFFFFFEF0]  }
0x23c: {  	v16 =	vmul.f32 v17, v16;
	v17 =	vmul.f32 v55, v54;
	_ =	sdelay $0x1  }
0x23d: {  	v16 =	vadd.f32 v17, v16;
	v17 =	vmul.f32 v57, v56;
	_ =	sdelay $0x1  }
0x23e: {  	v16 =	vadd.f32 v17, v16;
	v17 =	vmul.f32 v59, v58;
	_ =	sdelay $0x1  }
0x23f: {  	v16 =	vadd.f32 v17, v16;
	_ =	sdelay $0x1  }
0x240: {  	[tilespmem:s23+$0xFFFFFF88] =	vst v16  }
0x241: {  	v16 =	vld [tilespmem:s25+$0xFFFFFF00]  }
0x242: {  	v17 =	vld [tilespmem:s26+$0xFFFFFF00]  }
0x243: {  	v60 =	vld [tilespmem:s25+$0xFFFFFF10]  }
0x244: {  	v61 =	vld [tilespmem:s26+$0xFFFFFF10]  }
0x245: {  	v62 =	vld [tilespmem:s25+$0xFFFFFF20]  }
0x246: {  	v63 =	vld [tilespmem:s26+$0xFFFFFF20]  }
0x247: {  	v24 =	vld [tilespmem:s25+$0xFFFFFF30]  }
0x248: {  	v25 =	vld [tilespmem:s26+$0xFFFFFF30]  }
0x249: {  	v16 =	vmul.f32 v17, v16;
	v17 =	vmul.f32 v61, v60;
	_ =	sdelay $0x1  }
0x24a: {  	v16 =	vadd.f32 v17, v16;
	v17 =	vmul.f32 v63, v62;
	_ =	sdelay $0x1  }
0x24b: {  	v16 =	vadd.f32 v17, v16;
	v17 =	vmul.f32 v25, v24;
	_ =	sdelay $0x1  }
0x24c: {  	v16 =	vadd.f32 v17, v16;
	_ =	sdelay $0x1  }
0x24d: {  	[tilespmem:s23+$0xFFFFFFA0] =	vst v16  }
0x24e: {  	v16 =	vld [tilespmem:s25+$0xFFFFFF40]  }
0x24f: {  	v17 =	vld [tilespmem:s26+$0xFFFFFF40]  }
0x250: {  	v26 =	vld [tilespmem:s25+$0xFFFFFF50]  }
0x251: {  	v27 =	vld [tilespmem:s26+$0xFFFFFF50]  }
0x252: {  	v28 =	vld [tilespmem:s25+$0xFFFFFF60]  }
0x253: {  	v29 =	vld [tilespmem:s26+$0xFFFFFF60]  }
0x254: {  	v30 =	vld [tilespmem:s25+$0xFFFFFF70]  }
0x255: {  	v31 =	vld [tilespmem:s26+$0xFFFFFF70]  }
0x256: {  	v16 =	vmul.f32 v17, v16;
	v17 =	vmul.f32 v27, v26;
	_ =	sdelay $0x1  }
0x257: {  	v16 =	vadd.f32 v17, v16;
	v17 =	vmul.f32 v29, v28;
	_ =	sdelay $0x1  }
0x258: {  	v16 =	vadd.f32 v17, v16;
	v17 =	vmul.f32 v31, v30;
	_ =	sdelay $0x1  }
0x259: {  	v16 =	vadd.f32 v17, v16;
	_ =	sdelay $0x1  }
0x25a: {  	[tilespmem:s23+$0xFFFFFFB8] =	vst v16  }
0x25b: {  	v16 =	vld [tilespmem:s25+$0xFFFFFF80]  }
0x25c: {  	v17 =	vld [tilespmem:s26+$0xFFFFFF80]  }
0x25d: {  	v32 =	vld [tilespmem:s25+$0xFFFFFF90]  }
0x25e: {  	v33 =	vld [tilespmem:s26+$0xFFFFFF90]  }
0x25f: {  	v34 =	vld [tilespmem:s25+$0xFFFFFFA0]  }
0x260: {  	v35 =	vld [tilespmem:s26+$0xFFFFFFA0]  }
0x261: {  	v36 =	vld [tilespmem:s25+$0xFFFFFFB0]  }
0x262: {  	v37 =	vld [tilespmem:s26+$0xFFFFFFB0]  }
0x263: {  	v16 =	vmul.f32 v17, v16;
	v17 =	vmul.f32 v33, v32;
	_ =	sdelay $0x1  }
0x264: {  	v16 =	vadd.f32 v17, v16;
	v17 =	vmul.f32 v35, v34;
	_ =	sdelay $0x1  }
0x265: {  	v16 =	vadd.f32 v17, v16;
	v17 =	vmul.f32 v37, v36;
	_ =	sdelay $0x1  }
0x266: {  	v16 =	vadd.f32 v17, v16;
	_ =	sdelay $0x1  }
0x267: {  	[tilespmem:s23+$0xFFFFFFD0] =	vst v16  }
0x268: {  	v16 =	vld [tilespmem:s25+$0xFFFFFFC0]  }
0x269: {  	v17 =	vld [tilespmem:s26+$0xFFFFFFC0]  }
0x26a: {  	v38 =	vld [tilespmem:s25+$0xFFFFFFD0]  }
0x26b: {  	v39 =	vld [tilespmem:s26+$0xFFFFFFD0]  }
0x26c: {  	v40 =	vld [tilespmem:s25+$0xFFFFFFE0]  }
0x26d: {  	v41 =	vld [tilespmem:s26+$0xFFFFFFE0]  }
0x26e: {  	v42 =	vld [tilespmem:s25+$0xFFFFFFF0]  }
0x26f: {  	v43 =	vld [tilespmem:s26+$0xFFFFFFF0]  }
0x270: {  	v16 =	vmul.f32 v17, v16;
	v17 =	vmul.f32 v39, v38;
	_ =	sdelay $0x1  }
0x271: {  	v16 =	vadd.f32 v17, v16;
	v17 =	vmul.f32 v41, v40;
	_ =	sdelay $0x1  }
0x272: {  	v16 =	vadd.f32 v17, v16;
	v17 =	vmul.f32 v43, v42;
	_ =	sdelay $0x1  }
0x273: {  	v16 =	vadd.f32 v17, v16;
	_ =	sdelay $0x1  }
0x274: {  	[tilespmem:s23+$0xFFFFFFE8] =	vst v16  }
0x275: {  	v16 =	vld [tilespmem:s25+$0x0]  }
0x276: {  	v17 =	vld [tilespmem:s26+$0x0]  }
0x277: {  	v44 =	vld [tilespmem:s25+$0x10]  }
0x278: {  	v45 =	vld [tilespmem:s26+$0x10]  }
0x279: {  	v46 =	vld [tilespmem:s25+$0x20]  }
0x27a: {  	v47 =	vld [tilespmem:s26+$0x20]  }
0x27b: {  	v48 =	vld [tilespmem:s25+$0x30]  }
0x27c: {  	v49 =	vld [tilespmem:s26+$0x30]  }
0x27d: {  	v16 =	vmul.f32 v17, v16;
	v17 =	vmul.f32 v45, v44;
	_ =	sdelay $0x1  }
0x27e: {  	v16 =	vadd.f32 v17, v16;
	v17 =	vmul.f32 v47, v46;
	_ =	sdelay $0x1  }
0x27f: {  	v16 =	vadd.f32 v17, v16;
	v17 =	vmul.f32 v49, v48;
	_ =	sdelay $0x1  }
0x280: {  	v16 =	vadd.f32 v17, v16;
	_ =	sdelay $0x1  }
0x281: {  	[tilespmem:s23+$0x0] =	vst v16  }
0x282: {  	v16 =	vld [tilespmem:s25+$0x40]  }
0x283: {  	v17 =	vld [tilespmem:s26+$0x40]  }
0x284: {  	v50 =	vld [tilespmem:s25+$0x50]  }
0x285: {  	v51 =	vld [tilespmem:s26+$0x50]  }
0x286: {  	v52 =	vld [tilespmem:s25+$0x60]  }
0x287: {  	v53 =	vld [tilespmem:s26+$0x60]  }
0x288: {  	v54 =	vld [tilespmem:s25+$0x70]  }
0x289: {  	v55 =	vld [tilespmem:s26+$0x70]  }
0x28a: {  	v16 =	vmul.f32 v17, v16;
	v17 =	vmul.f32 v51, v50;
	_ =	sdelay $0x1  }
0x28b: {  	v16 =	vadd.f32 v17, v16;
	v17 =	vmul.f32 v53, v52;
	_ =	sdelay $0x1  }
0x28c: {  	v16 =	vadd.f32 v17, v16;
	v17 =	vmul.f32 v55, v54;
	_ =	sdelay $0x1  }
0x28d: {  	v16 =	vadd.f32 v17, v16;
	_ =	sdelay $0x1  }
0x28e: {  	[tilespmem:s23+$0x18] =	vst v16  }
0x28f: {  	v16 =	vld [tilespmem:s25+$0x80]  }
0x290: {  	v17 =	vld [tilespmem:s26+$0x80]  }
0x291: {  	v56 =	vld [tilespmem:s25+$0x90]  }
0x292: {  	v57 =	vld [tilespmem:s26+$0x90]  }
0x293: {  	v58 =	vld [tilespmem:s25+$0xA0]  }
0x294: {  	v59 =	vld [tilespmem:s26+$0xA0]  }
0x295: {  	v60 =	vld [tilespmem:s25+$0xB0]  }
0x296: {  	v61 =	vld [tilespmem:s26+$0xB0]  }
0x297: {  	v16 =	vmul.f32 v17, v16;
	v17 =	vmul.f32 v57, v56;
	_ =	sdelay $0x1  }
0x298: {  	v16 =	vadd.f32 v17, v16;
	v17 =	vmul.f32 v59, v58;
	_ =	sdelay $0x1  }
0x299: {  	v16 =	vadd.f32 v17, v16;
	v17 =	vmul.f32 v61, v60;
	_ =	sdelay $0x1  }
0x29a: {  	v16 =	vadd.f32 v17, v16;
	_ =	sdelay $0x1  }
0x29b: {  	[tilespmem:s23+$0x30] =	vst v16  }
0x29c: {  	v16 =	vld [tilespmem:s25+$0xC0]  }
0x29d: {  	v17 =	vld [tilespmem:s26+$0xC0]  }
0x29e: {  	v62 =	vld [tilespmem:s25+$0xD0]  }
0x29f: {  	v63 =	vld [tilespmem:s26+$0xD0]  }
0x2a0: {  	v24 =	vld [tilespmem:s25+$0xE0]  }
0x2a1: {  	v25 =	vld [tilespmem:s26+$0xE0]  }
0x2a2: {  	v26 =	vld [tilespmem:s25+$0xF0]  }
0x2a3: {  	v27 =	vld [tilespmem:s26+$0xF0]  }
0x2a4: {  	v16 =	vmul.f32 v17, v16;
	v17 =	vmul.f32 v63, v62;
	_ =	sdelay $0x1  }
0x2a5: {  	v16 =	vadd.f32 v17, v16;
	v17 =	vmul.f32 v25, v24;
	_ =	sdelay $0x1  }
0x2a6: {  	v16 =	vadd.f32 v17, v16;
	v17 =	vmul.f32 v27, v26;
	_ =	sdelay $0x1  }
0x2a7: {  	v16 =	vadd.f32 v17, v16;
	_ =	sdelay $0x1  }
0x2a8: {  	[tilespmem:s23+$0x48] =	vst v16  }
0x2a9: {  	v16 =	vld [tilespmem:s25+$0x100]  }
0x2aa: {  	v17 =	vld [tilespmem:s26+$0x100]  }
0x2ab: {  	v28 =	vld [tilespmem:s25+$0x110]  }
0x2ac: {  	v29 =	vld [tilespmem:s26+$0x110]  }
0x2ad: {  	v30 =	vld [tilespmem:s25+$0x120]  }
0x2ae: {  	v31 =	vld [tilespmem:s26+$0x120]  }
0x2af: {  	v32 =	vld [tilespmem:s25+$0x130]  }
0x2b0: {  	v33 =	vld [tilespmem:s26+$0x130]  }
0x2b1: {  	v16 =	vmul.f32 v17, v16;
	v17 =	vmul.f32 v29, v28;
	_ =	sdelay $0x1  }
0x2b2: {  	v16 =	vadd.f32 v17, v16;
	v17 =	vmul.f32 v31, v30;
	_ =	sdelay $0x1  }
0x2b3: {  	v16 =	vadd.f32 v17, v16;
	v17 =	vmul.f32 v33, v32;
	_ =	sdelay $0x1  }
0x2b4: {  	v16 =	vadd.f32 v17, v16;
	_ =	sdelay $0x1  }
0x2b5: {  	[tilespmem:s23+$0x60] =	vst v16  }
0x2b6: {  	v16 =	vld [tilespmem:s25+$0x140]  }
0x2b7: {  	v17 =	vld [tilespmem:s26+$0x140]  }
0x2b8: {  	v34 =	vld [tilespmem:s25+$0x150]  }
0x2b9: {  	v35 =	vld [tilespmem:s26+$0x150]  }
0x2ba: {  	v36 =	vld [tilespmem:s25+$0x160]  }
0x2bb: {  	v37 =	vld [tilespmem:s26+$0x160]  }
0x2bc: {  	v38 =	vld [tilespmem:s25+$0x170]  }
0x2bd: {  	v39 =	vld [tilespmem:s26+$0x170]  }
0x2be: {  	v16 =	vmul.f32 v17, v16;
	v17 =	vmul.f32 v35, v34;
	_ =	sdelay $0x1  }
0x2bf: {  	v16 =	vadd.f32 v17, v16;
	v17 =	vmul.f32 v37, v36;
	_ =	sdelay $0x1  }
0x2c0: {  	v16 =	vadd.f32 v17, v16;
	v17 =	vmul.f32 v39, v38;
	_ =	sdelay $0x1  }
0x2c1: {  	v16 =	vadd.f32 v17, v16;
	_ =	sdelay $0x1  }
0x2c2: {  	[tilespmem:s23+$0x78] =	vst v16  }
0x2c3: {  	v16 =	vld [tilespmem:s25+$0x180]  }
0x2c4: {  	v17 =	vld [tilespmem:s26+$0x180]  }
0x2c5: {  	v40 =	vld [tilespmem:s25+$0x190]  }
0x2c6: {  	v41 =	vld [tilespmem:s26+$0x190]  }
0x2c7: {  	v42 =	vld [tilespmem:s25+$0x1A0]  }
0x2c8: {  	v43 =	vld [tilespmem:s26+$0x1A0]  }
0x2c9: {  	v44 =	vld [tilespmem:s25+$0x1B0]  }
0x2ca: {  	v45 =	vld [tilespmem:s26+$0x1B0]  }
0x2cb: {  	v16 =	vmul.f32 v17, v16;
	v17 =	vmul.f32 v41, v40;
	_ =	sdelay $0x1  }
0x2cc: {  	v16 =	vadd.f32 v17, v16;
	v17 =	vmul.f32 v43, v42;
	_ =	sdelay $0x1  }
0x2cd: {  	v16 =	vadd.f32 v17, v16;
	v17 =	vmul.f32 v45, v44;
	_ =	sdelay $0x1  }
0x2ce: {  	v16 =	vadd.f32 v17, v16;
	_ =	sdelay $0x1  }
0x2cf: {  	[tilespmem:s23+$0x90] =	vst v16  }
0x2d0: {  	v16 =	vld [tilespmem:s25+$0x1C0]  }
0x2d1: {  	v17 =	vld [tilespmem:s26+$0x1C0]  }
0x2d2: {  	v46 =	vld [tilespmem:s25+$0x1D0]  }
0x2d3: {  	v47 =	vld [tilespmem:s26+$0x1D0]  }
0x2d4: {  	v48 =	vld [tilespmem:s25+$0x1E0]  }
0x2d5: {  	v49 =	vld [tilespmem:s26+$0x1E0]  }
0x2d6: {  	v50 =	vld [tilespmem:s25+$0x1F0]  }
0x2d7: {  	v24 =	vmov s22;
	v51 =	vld [tilespmem:s26+$0x1F0]  }
0x2d8: {  	v52 =	vmul.u32 $0x18, v24;
	v16 =	vmul.f32 v17, v16;
	v17 =	vmul.f32 v47, v46;
	_ =	sdelay $0x1  }
0x2d9: {  	v18 =	vbroadcast v52, $0x0;
	v16 =	vadd.f32 v17, v16;
	v17 =	vmul.f32 v49, v48;
	_ =	sdelay $0x1  }
0x2da: {  	v53 =	vadd.s32 v0, v18;
	v16 =	vadd.f32 v17, v16;
	v17 =	vmul.f32 v51, v50  }
0x2db: {  	v54 =	vadd.s32 v1, v18  }
0x2dc: {  	v55 =	vadd.s32 v3, v18;
	v16 =	vadd.f32 v17, v16  }
0x2dd: {  	v56 =	vadd.s32 v5, v18  }
0x2de: {  	v57 =	vadd.s32 v6, v18;
	[tilespmem:s23+$0xA8] =	vst v16  }
0x2df: {  	v58 =	vadd.s32 v7, v18;
	v19 =	vld.idx.msk [tilespmem:v53+s17+$0x0], $0xffff  }
0x2e0: {  	v25 =	vadd.s32 v8, v18;
	v20 =	vld.idx.msk [tilespmem:v54+s17+$0x0], $0xffff  }
0x2e1: {  	v26 =	vadd.s32 v9, v18;
	v21 =	vld.idx.msk [tilespmem:v55+s17+$0x0], $0xffff  }
0x2e2: {  	v27 =	vadd.s32 v10, v18;
	v22 =	vld.idx.msk [tilespmem:v56+s17+$0x0], $0xffff  }
0x2e3: {  	v28 =	vadd.s32 v11, v18;
	v23 =	vld.idx.msk [tilespmem:v57+s17+$0x0], $0xffff  }
0x2e4: {  	v29 =	vadd.s32 v12, v18;
	v24 =	vld.idx.msk [tilespmem:v58+s17+$0x0], $0xffff  }
0x2e5: {  	v30 =	vadd.s32 v13, v18;
	v25 =	vld.idx.msk [tilespmem:v25+s17+$0x0], $0xffff  }
0x2e6: {  	v31 =	vadd.s32 v14, v18;
	v26 =	vld.idx.msk [tilespmem:v26+s17+$0x0], $0xffff  }
0x2e7: {  	v17 =	vadd.s32 v2, v18;
	v27 =	vld.idx.msk [tilespmem:v27+s17+$0x0], $0xffff  }
0x2e8: {  	v16 =	vadd.s32 v4, v18;
	v28 =	vld.idx.msk [tilespmem:v28+s17+$0x0], $0xffff  }
0x2e9: {  	v18 =	vadd.s32 v15, v18;
	v29 =	vld.idx.msk [tilespmem:v29+s17+$0x0], $0xffff  }
0x2ea: {  	v30 =	vld.idx.msk [tilespmem:v30+s17+$0x0], $0xffff  }
0x2eb: {  	v31 =	vld.idx.msk [tilespmem:v31+s17+$0x0], $0xffff  }
0x2ec: {  	v17 =	vld.idx.msk [tilespmem:v17+s17+$0x0], $0xffff  }
0x2ed: {  	v16 =	vld.idx.msk [tilespmem:v16+s17+$0x0], $0xffff  }
0x2ee: {  	v18 =	vld.idx.msk [tilespmem:v18+s17+$0x0], $0xffff;
	_ =	sdelay $0x1  }
0x2ef: {  	v19 =	vadd.f32 v20, v19;
	v59 =	vadd.f32 v24, v23  }
0x2f0: {  	v60 =	vadd.f32 v26, v25;
	v61 =	vadd.f32 v28, v27  }
0x2f1: {  	v62 =	vadd.f32 v30, v29;
	v17 =	vadd.f32 v21, v17  }
0x2f2: {  	v16 =	vadd.f32 v22, v16;
	v18 =	vadd.f32 v18, v31  }
0x2f3: {  	v63 =	vadd.f32 v61, v60;
	v17 =	vadd.f32 v17, v19  }
0x2f4: {  	v16 =	vadd.f32 v59, v16;
	v18 =	vadd.f32 v18, v62  }
0x2f5: {  	p0 =	sne.s32 s22, $0x70  }
.Ltmp2:
0x2f6: {  	v16 =	vadd.f32 v16, v17;
	v17 =	vadd.f32 v18, v63;
	(pc) =	sbr.rel @p0 .LBB2_6-.Ltmp2, $4  }
0x2f7: {  	_ = 	snop  }
0x2f8: {  	v16 =	vadd.f32 v17, v16  }
0x2f9: {  	s22 =	sadd.s32 $0x10, s22;
	s25 =	sadd.s32 $0x400, s25  }
0x2fa: {  	s26 =	sadd.s32 $0x400, s26;
	s23 =	sadd.s32 $0x180, s23;
	[tilespmem:s24+$0x0] =	vst v16;
	s24 =	sadd.s32 $0x10, s24  }
0x2fb: {  	_ =	swait.ge [sflag:s18], $0x2000  }
0x2fc: {  	[sflag:s18] =	ssyncset.done $0x0  }
0x2fd: {  	[sflag:s18] =	ssyncadd.s32 $0xFFFFE000  }
0x2fe: {  	s22 =	simm.s32 $0x0;
	_ =	swait.ge [sflag:s18], $0x2000  }
0x2ff: {  	s23 =	simm.s32 $0x80C0;
	s24 =	simm.s32 $0x8D80;
	[sflag:s18] =	ssyncset.done $0x0  }
0x300: {  	s25 =	simm.s32 $0x4200;
	s26 =	simm.s32 $0x6200;
	[sflag:s18] =	ssyncadd.s32 $0xFFFFE000  }
.LBB2_8:
0x301: {  	v16 =	vld [tilespmem:s25+$0xFFFFFE00]  }
0x302: {  	v17 =	vld [tilespmem:s26+$0xFFFFFE00]  }
0x303: {  	v18 =	vld [tilespmem:s25+$0xFFFFFE10]  }
0x304: {  	v19 =	vld [tilespmem:s26+$0xFFFFFE10]  }
0x305: {  	v20 =	vld [tilespmem:s25+$0xFFFFFE20]  }
0x306: {  	v21 =	vld [tilespmem:s26+$0xFFFFFE20]  }
0x307: {  	v22 =	vld [tilespmem:s25+$0xFFFFFE30]  }
0x308: {  	v23 =	vld [tilespmem:s26+$0xFFFFFE30]  }
0x309: {  	v16 =	vmul.f32 v17, v16;
	v17 =	vmul.f32 v19, v18;
	_ =	sdelay $0x1  }
0x30a: {  	v16 =	vadd.f32 v17, v16;
	v17 =	vmul.f32 v21, v20;
	_ =	sdelay $0x1  }
0x30b: {  	v16 =	vadd.f32 v17, v16;
	v17 =	vmul.f32 v23, v22;
	_ =	sdelay $0x1  }
0x30c: {  	v16 =	vadd.f32 v17, v16;
	_ =	sdelay $0x1  }
0x30d: {  	[tilespmem:s23+$0xFFFFFF40] =	vst v16  }
0x30e: {  	v16 =	vld [tilespmem:s25+$0xFFFFFE40]  }
0x30f: {  	v17 =	vld [tilespmem:s26+$0xFFFFFE40]  }
0x310: {  	v42 =	vld [tilespmem:s25+$0xFFFFFE50]  }
0x311: {  	v43 =	vld [tilespmem:s26+$0xFFFFFE50]  }
0x312: {  	v44 =	vld [tilespmem:s25+$0xFFFFFE60]  }
0x313: {  	v45 =	vld [tilespmem:s26+$0xFFFFFE60]  }
0x314: {  	v46 =	vld [tilespmem:s25+$0xFFFFFE70]  }
0x315: {  	v47 =	vld [tilespmem:s26+$0xFFFFFE70]  }
0x316: {  	v16 =	vmul.f32 v17, v16;
	v17 =	vmul.f32 v43, v42;
	_ =	sdelay $0x1  }
0x317: {  	v16 =	vadd.f32 v17, v16;
	v17 =	vmul.f32 v45, v44;
	_ =	sdelay $0x1  }
0x318: {  	v16 =	vadd.f32 v17, v16;
	v17 =	vmul.f32 v47, v46;
	_ =	sdelay $0x1  }
0x319: {  	v16 =	vadd.f32 v17, v16;
	_ =	sdelay $0x1  }
0x31a: {  	[tilespmem:s23+$0xFFFFFF58] =	vst v16  }
0x31b: {  	v16 =	vld [tilespmem:s25+$0xFFFFFE80]  }
0x31c: {  	v17 =	vld [tilespmem:s26+$0xFFFFFE80]  }
0x31d: {  	v48 =	vld [tilespmem:s25+$0xFFFFFE90]  }
0x31e: {  	v49 =	vld [tilespmem:s26+$0xFFFFFE90]  }
0x31f: {  	v50 =	vld [tilespmem:s25+$0xFFFFFEA0]  }
0x320: {  	v51 =	vld [tilespmem:s26+$0xFFFFFEA0]  }
0x321: {  	v52 =	vld [tilespmem:s25+$0xFFFFFEB0]  }
0x322: {  	v53 =	vld [tilespmem:s26+$0xFFFFFEB0]  }
0x323: {  	v16 =	vmul.f32 v17, v16;
	v17 =	vmul.f32 v49, v48;
	_ =	sdelay $0x1  }
0x324: {  	v16 =	vadd.f32 v17, v16;
	v17 =	vmul.f32 v51, v50;
	_ =	sdelay $0x1  }
0x325: {  	v16 =	vadd.f32 v17, v16;
	v17 =	vmul.f32 v53, v52;
	_ =	sdelay $0x1  }
0x326: {  	v16 =	vadd.f32 v17, v16;
	_ =	sdelay $0x1  }
0x327: {  	[tilespmem:s23+$0xFFFFFF70] =	vst v16  }
0x328: {  	v16 =	vld [tilespmem:s25+$0xFFFFFEC0]  }
0x329: {  	v17 =	vld [tilespmem:s26+$0xFFFFFEC0]  }
0x32a: {  	v54 =	vld [tilespmem:s25+$0xFFFFFED0]  }
0x32b: {  	v55 =	vld [tilespmem:s26+$0xFFFFFED0]  }
0x32c: {  	v56 =	vld [tilespmem:s25+$0xFFFFFEE0]  }
0x32d: {  	v57 =	vld [tilespmem:s26+$0xFFFFFEE0]  }
0x32e: {  	v58 =	vld [tilespmem:s25+$0xFFFFFEF0]  }
0x32f: {  	v59 =	vld [tilespmem:s26+$0xFFFFFEF0]  }
0x330: {  	v16 =	vmul.f32 v17, v16;
	v17 =	vmul.f32 v55, v54;
	_ =	sdelay $0x1  }
0x331: {  	v16 =	vadd.f32 v17, v16;
	v17 =	vmul.f32 v57, v56;
	_ =	sdelay $0x1  }
0x332: {  	v16 =	vadd.f32 v17, v16;
	v17 =	vmul.f32 v59, v58;
	_ =	sdelay $0x1  }
0x333: {  	v16 =	vadd.f32 v17, v16;
	_ =	sdelay $0x1  }
0x334: {  	[tilespmem:s23+$0xFFFFFF88] =	vst v16  }
0x335: {  	v16 =	vld [tilespmem:s25+$0xFFFFFF00]  }
0x336: {  	v17 =	vld [tilespmem:s26+$0xFFFFFF00]  }
0x337: {  	v60 =	vld [tilespmem:s25+$0xFFFFFF10]  }
0x338: {  	v61 =	vld [tilespmem:s26+$0xFFFFFF10]  }
0x339: {  	v62 =	vld [tilespmem:s25+$0xFFFFFF20]  }
0x33a: {  	v63 =	vld [tilespmem:s26+$0xFFFFFF20]  }
0x33b: {  	v24 =	vld [tilespmem:s25+$0xFFFFFF30]  }
0x33c: {  	v25 =	vld [tilespmem:s26+$0xFFFFFF30]  }
0x33d: {  	v16 =	vmul.f32 v17, v16;
	v17 =	vmul.f32 v61, v60;
	_ =	sdelay $0x1  }
0x33e: {  	v16 =	vadd.f32 v17, v16;
	v17 =	vmul.f32 v63, v62;
	_ =	sdelay $0x1  }
0x33f: {  	v16 =	vadd.f32 v17, v16;
	v17 =	vmul.f32 v25, v24;
	_ =	sdelay $0x1  }
0x340: {  	v16 =	vadd.f32 v17, v16;
	_ =	sdelay $0x1  }
0x341: {  	[tilespmem:s23+$0xFFFFFFA0] =	vst v16  }
0x342: {  	v16 =	vld [tilespmem:s25+$0xFFFFFF40]  }
0x343: {  	v17 =	vld [tilespmem:s26+$0xFFFFFF40]  }
0x344: {  	v26 =	vld [tilespmem:s25+$0xFFFFFF50]  }
0x345: {  	v27 =	vld [tilespmem:s26+$0xFFFFFF50]  }
0x346: {  	v28 =	vld [tilespmem:s25+$0xFFFFFF60]  }
0x347: {  	v29 =	vld [tilespmem:s26+$0xFFFFFF60]  }
0x348: {  	v30 =	vld [tilespmem:s25+$0xFFFFFF70]  }
0x349: {  	v31 =	vld [tilespmem:s26+$0xFFFFFF70]  }
0x34a: {  	v16 =	vmul.f32 v17, v16;
	v17 =	vmul.f32 v27, v26;
	_ =	sdelay $0x1  }
0x34b: {  	v16 =	vadd.f32 v17, v16;
	v17 =	vmul.f32 v29, v28;
	_ =	sdelay $0x1  }
0x34c: {  	v16 =	vadd.f32 v17, v16;
	v17 =	vmul.f32 v31, v30;
	_ =	sdelay $0x1  }
0x34d: {  	v16 =	vadd.f32 v17, v16;
	_ =	sdelay $0x1  }
0x34e: {  	[tilespmem:s23+$0xFFFFFFB8] =	vst v16  }
0x34f: {  	v16 =	vld [tilespmem:s25+$0xFFFFFF80]  }
0x350: {  	v17 =	vld [tilespmem:s26+$0xFFFFFF80]  }
0x351: {  	v32 =	vld [tilespmem:s25+$0xFFFFFF90]  }
0x352: {  	v33 =	vld [tilespmem:s26+$0xFFFFFF90]  }
0x353: {  	v34 =	vld [tilespmem:s25+$0xFFFFFFA0]  }
0x354: {  	v35 =	vld [tilespmem:s26+$0xFFFFFFA0]  }
0x355: {  	v36 =	vld [tilespmem:s25+$0xFFFFFFB0]  }
0x356: {  	v37 =	vld [tilespmem:s26+$0xFFFFFFB0]  }
0x357: {  	v16 =	vmul.f32 v17, v16;
	v17 =	vmul.f32 v33, v32;
	_ =	sdelay $0x1  }
0x358: {  	v16 =	vadd.f32 v17, v16;
	v17 =	vmul.f32 v35, v34;
	_ =	sdelay $0x1  }
0x359: {  	v16 =	vadd.f32 v17, v16;
	v17 =	vmul.f32 v37, v36;
	_ =	sdelay $0x1  }
0x35a: {  	v16 =	vadd.f32 v17, v16;
	_ =	sdelay $0x1  }
0x35b: {  	[tilespmem:s23+$0xFFFFFFD0] =	vst v16  }
0x35c: {  	v16 =	vld [tilespmem:s25+$0xFFFFFFC0]  }
0x35d: {  	v17 =	vld [tilespmem:s26+$0xFFFFFFC0]  }
0x35e: {  	v38 =	vld [tilespmem:s25+$0xFFFFFFD0]  }
0x35f: {  	v39 =	vld [tilespmem:s26+$0xFFFFFFD0]  }
0x360: {  	v40 =	vld [tilespmem:s25+$0xFFFFFFE0]  }
0x361: {  	v41 =	vld [tilespmem:s26+$0xFFFFFFE0]  }
0x362: {  	v42 =	vld [tilespmem:s25+$0xFFFFFFF0]  }
0x363: {  	v43 =	vld [tilespmem:s26+$0xFFFFFFF0]  }
0x364: {  	v16 =	vmul.f32 v17, v16;
	v17 =	vmul.f32 v39, v38;
	_ =	sdelay $0x1  }
0x365: {  	v16 =	vadd.f32 v17, v16;
	v17 =	vmul.f32 v41, v40;
	_ =	sdelay $0x1  }
0x366: {  	v16 =	vadd.f32 v17, v16;
	v17 =	vmul.f32 v43, v42;
	_ =	sdelay $0x1  }
0x367: {  	v16 =	vadd.f32 v17, v16;
	_ =	sdelay $0x1  }
0x368: {  	[tilespmem:s23+$0xFFFFFFE8] =	vst v16  }
0x369: {  	v16 =	vld [tilespmem:s25+$0x0]  }
0x36a: {  	v17 =	vld [tilespmem:s26+$0x0]  }
0x36b: {  	v44 =	vld [tilespmem:s25+$0x10]  }
0x36c: {  	v45 =	vld [tilespmem:s26+$0x10]  }
0x36d: {  	v46 =	vld [tilespmem:s25+$0x20]  }
0x36e: {  	v47 =	vld [tilespmem:s26+$0x20]  }
0x36f: {  	v48 =	vld [tilespmem:s25+$0x30]  }
0x370: {  	v49 =	vld [tilespmem:s26+$0x30]  }
0x371: {  	v16 =	vmul.f32 v17, v16;
	v17 =	vmul.f32 v45, v44;
	_ =	sdelay $0x1  }
0x372: {  	v16 =	vadd.f32 v17, v16;
	v17 =	vmul.f32 v47, v46;
	_ =	sdelay $0x1  }
0x373: {  	v16 =	vadd.f32 v17, v16;
	v17 =	vmul.f32 v49, v48;
	_ =	sdelay $0x1  }
0x374: {  	v16 =	vadd.f32 v17, v16;
	_ =	sdelay $0x1  }
0x375: {  	[tilespmem:s23+$0x0] =	vst v16  }
0x376: {  	v16 =	vld [tilespmem:s25+$0x40]  }
0x377: {  	v17 =	vld [tilespmem:s26+$0x40]  }
0x378: {  	v50 =	vld [tilespmem:s25+$0x50]  }
0x379: {  	v51 =	vld [tilespmem:s26+$0x50]  }
0x37a: {  	v52 =	vld [tilespmem:s25+$0x60]  }
0x37b: {  	v53 =	vld [tilespmem:s26+$0x60]  }
0x37c: {  	v54 =	vld [tilespmem:s25+$0x70]  }
0x37d: {  	v55 =	vld [tilespmem:s26+$0x70]  }
0x37e: {  	v16 =	vmul.f32 v17, v16;
	v17 =	vmul.f32 v51, v50;
	_ =	sdelay $0x1  }
0x37f: {  	v16 =	vadd.f32 v17, v16;
	v17 =	vmul.f32 v53, v52;
	_ =	sdelay $0x1  }
0x380: {  	v16 =	vadd.f32 v17, v16;
	v17 =	vmul.f32 v55, v54;
	_ =	sdelay $0x1  }
0x381: {  	v16 =	vadd.f32 v17, v16;
	_ =	sdelay $0x1  }
0x382: {  	[tilespmem:s23+$0x18] =	vst v16  }
0x383: {  	v16 =	vld [tilespmem:s25+$0x80]  }
0x384: {  	v17 =	vld [tilespmem:s26+$0x80]  }
0x385: {  	v56 =	vld [tilespmem:s25+$0x90]  }
0x386: {  	v57 =	vld [tilespmem:s26+$0x90]  }
0x387: {  	v58 =	vld [tilespmem:s25+$0xA0]  }
0x388: {  	v59 =	vld [tilespmem:s26+$0xA0]  }
0x389: {  	v60 =	vld [tilespmem:s25+$0xB0]  }
0x38a: {  	v61 =	vld [tilespmem:s26+$0xB0]  }
0x38b: {  	v16 =	vmul.f32 v17, v16;
	v17 =	vmul.f32 v57, v56;
	_ =	sdelay $0x1  }
0x38c: {  	v16 =	vadd.f32 v17, v16;
	v17 =	vmul.f32 v59, v58;
	_ =	sdelay $0x1  }
0x38d: {  	v16 =	vadd.f32 v17, v16;
	v17 =	vmul.f32 v61, v60;
	_ =	sdelay $0x1  }
0x38e: {  	v16 =	vadd.f32 v17, v16;
	_ =	sdelay $0x1  }
0x38f: {  	[tilespmem:s23+$0x30] =	vst v16  }
0x390: {  	v16 =	vld [tilespmem:s25+$0xC0]  }
0x391: {  	v17 =	vld [tilespmem:s26+$0xC0]  }
0x392: {  	v62 =	vld [tilespmem:s25+$0xD0]  }
0x393: {  	v63 =	vld [tilespmem:s26+$0xD0]  }
0x394: {  	v24 =	vld [tilespmem:s25+$0xE0]  }
0x395: {  	v25 =	vld [tilespmem:s26+$0xE0]  }
0x396: {  	v26 =	vld [tilespmem:s25+$0xF0]  }
0x397: {  	v27 =	vld [tilespmem:s26+$0xF0]  }
0x398: {  	v16 =	vmul.f32 v17, v16;
	v17 =	vmul.f32 v63, v62;
	_ =	sdelay $0x1  }
0x399: {  	v16 =	vadd.f32 v17, v16;
	v17 =	vmul.f32 v25, v24;
	_ =	sdelay $0x1  }
0x39a: {  	v16 =	vadd.f32 v17, v16;
	v17 =	vmul.f32 v27, v26;
	_ =	sdelay $0x1  }
0x39b: {  	v16 =	vadd.f32 v17, v16;
	_ =	sdelay $0x1  }
0x39c: {  	[tilespmem:s23+$0x48] =	vst v16  }
0x39d: {  	v16 =	vld [tilespmem:s25+$0x100]  }
0x39e: {  	v17 =	vld [tilespmem:s26+$0x100]  }
0x39f: {  	v28 =	vld [tilespmem:s25+$0x110]  }
0x3a0: {  	v29 =	vld [tilespmem:s26+$0x110]  }
0x3a1: {  	v30 =	vld [tilespmem:s25+$0x120]  }
0x3a2: {  	v31 =	vld [tilespmem:s26+$0x120]  }
0x3a3: {  	v32 =	vld [tilespmem:s25+$0x130]  }
0x3a4: {  	v33 =	vld [tilespmem:s26+$0x130]  }
0x3a5: {  	v16 =	vmul.f32 v17, v16;
	v17 =	vmul.f32 v29, v28;
	_ =	sdelay $0x1  }
0x3a6: {  	v16 =	vadd.f32 v17, v16;
	v17 =	vmul.f32 v31, v30;
	_ =	sdelay $0x1  }
0x3a7: {  	v16 =	vadd.f32 v17, v16;
	v17 =	vmul.f32 v33, v32;
	_ =	sdelay $0x1  }
0x3a8: {  	v16 =	vadd.f32 v17, v16;
	_ =	sdelay $0x1  }
0x3a9: {  	[tilespmem:s23+$0x60] =	vst v16  }
0x3aa: {  	v16 =	vld [tilespmem:s25+$0x140]  }
0x3ab: {  	v17 =	vld [tilespmem:s26+$0x140]  }
0x3ac: {  	v34 =	vld [tilespmem:s25+$0x150]  }
0x3ad: {  	v35 =	vld [tilespmem:s26+$0x150]  }
0x3ae: {  	v36 =	vld [tilespmem:s25+$0x160]  }
0x3af: {  	v37 =	vld [tilespmem:s26+$0x160]  }
0x3b0: {  	v38 =	vld [tilespmem:s25+$0x170]  }
0x3b1: {  	v39 =	vld [tilespmem:s26+$0x170]  }
0x3b2: {  	v16 =	vmul.f32 v17, v16;
	v17 =	vmul.f32 v35, v34;
	_ =	sdelay $0x1  }
0x3b3: {  	v16 =	vadd.f32 v17, v16;
	v17 =	vmul.f32 v37, v36;
	_ =	sdelay $0x1  }
0x3b4: {  	v16 =	vadd.f32 v17, v16;
	v17 =	vmul.f32 v39, v38;
	_ =	sdelay $0x1  }
0x3b5: {  	v16 =	vadd.f32 v17, v16;
	_ =	sdelay $0x1  }
0x3b6: {  	[tilespmem:s23+$0x78] =	vst v16  }
0x3b7: {  	v16 =	vld [tilespmem:s25+$0x180]  }
0x3b8: {  	v17 =	vld [tilespmem:s26+$0x180]  }
0x3b9: {  	v40 =	vld [tilespmem:s25+$0x190]  }
0x3ba: {  	v41 =	vld [tilespmem:s26+$0x190]  }
0x3bb: {  	v42 =	vld [tilespmem:s25+$0x1A0]  }
0x3bc: {  	v43 =	vld [tilespmem:s26+$0x1A0]  }
0x3bd: {  	v44 =	vld [tilespmem:s25+$0x1B0]  }
0x3be: {  	v45 =	vld [tilespmem:s26+$0x1B0]  }
0x3bf: {  	v16 =	vmul.f32 v17, v16;
	v17 =	vmul.f32 v41, v40;
	_ =	sdelay $0x1  }
0x3c0: {  	v16 =	vadd.f32 v17, v16;
	v17 =	vmul.f32 v43, v42;
	_ =	sdelay $0x1  }
0x3c1: {  	v16 =	vadd.f32 v17, v16;
	v17 =	vmul.f32 v45, v44;
	_ =	sdelay $0x1  }
0x3c2: {  	v16 =	vadd.f32 v17, v16;
	_ =	sdelay $0x1  }
0x3c3: {  	[tilespmem:s23+$0x90] =	vst v16  }
0x3c4: {  	v16 =	vld [tilespmem:s25+$0x1C0]  }
0x3c5: {  	v17 =	vld [tilespmem:s26+$0x1C0]  }
0x3c6: {  	v46 =	vld [tilespmem:s25+$0x1D0]  }
0x3c7: {  	v47 =	vld [tilespmem:s26+$0x1D0]  }
0x3c8: {  	v48 =	vld [tilespmem:s25+$0x1E0]  }
0x3c9: {  	v49 =	vld [tilespmem:s26+$0x1E0]  }
0x3ca: {  	v50 =	vld [tilespmem:s25+$0x1F0]  }
0x3cb: {  	v24 =	vmov s22;
	v51 =	vld [tilespmem:s26+$0x1F0]  }
0x3cc: {  	v52 =	vmul.u32 $0x18, v24;
	v16 =	vmul.f32 v17, v16;
	v17 =	vmul.f32 v47, v46;
	_ =	sdelay $0x1  }
0x3cd: {  	v18 =	vbroadcast v52, $0x0;
	v16 =	vadd.f32 v17, v16;
	v17 =	vmul.f32 v49, v48;
	_ =	sdelay $0x1  }
0x3ce: {  	v53 =	vadd.s32 v0, v18;
	v16 =	vadd.f32 v17, v16;
	v17 =	vmul.f32 v51, v50  }
0x3cf: {  	v54 =	vadd.s32 v1, v18  }
0x3d0: {  	v55 =	vadd.s32 v3, v18;
	v16 =	vadd.f32 v17, v16  }
0x3d1: {  	v56 =	vadd.s32 v5, v18  }
0x3d2: {  	v57 =	vadd.s32 v6, v18;
	[tilespmem:s23+$0xA8] =	vst v16  }
0x3d3: {  	v58 =	vadd.s32 v7, v18;
	v19 =	vld.idx.msk [tilespmem:v53+s17+$0x0], $0xffff  }
0x3d4: {  	v25 =	vadd.s32 v8, v18;
	v20 =	vld.idx.msk [tilespmem:v54+s17+$0x0], $0xffff  }
0x3d5: {  	v26 =	vadd.s32 v9, v18;
	v21 =	vld.idx.msk [tilespmem:v55+s17+$0x0], $0xffff  }
0x3d6: {  	v27 =	vadd.s32 v10, v18;
	v22 =	vld.idx.msk [tilespmem:v56+s17+$0x0], $0xffff  }
0x3d7: {  	v28 =	vadd.s32 v11, v18;
	v23 =	vld.idx.msk [tilespmem:v57+s17+$0x0], $0xffff  }
0x3d8: {  	v29 =	vadd.s32 v12, v18;
	v24 =	vld.idx.msk [tilespmem:v58+s17+$0x0], $0xffff  }
0x3d9: {  	v30 =	vadd.s32 v13, v18;
	v25 =	vld.idx.msk [tilespmem:v25+s17+$0x0], $0xffff  }
0x3da: {  	v31 =	vadd.s32 v14, v18;
	v26 =	vld.idx.msk [tilespmem:v26+s17+$0x0], $0xffff  }
0x3db: {  	v17 =	vadd.s32 v2, v18;
	v27 =	vld.idx.msk [tilespmem:v27+s17+$0x0], $0xffff  }
0x3dc: {  	v16 =	vadd.s32 v4, v18;
	v28 =	vld.idx.msk [tilespmem:v28+s17+$0x0], $0xffff  }
0x3dd: {  	v18 =	vadd.s32 v15, v18;
	v29 =	vld.idx.msk [tilespmem:v29+s17+$0x0], $0xffff  }
0x3de: {  	v30 =	vld.idx.msk [tilespmem:v30+s17+$0x0], $0xffff  }
0x3df: {  	v31 =	vld.idx.msk [tilespmem:v31+s17+$0x0], $0xffff  }
0x3e0: {  	v17 =	vld.idx.msk [tilespmem:v17+s17+$0x0], $0xffff  }
0x3e1: {  	v16 =	vld.idx.msk [tilespmem:v16+s17+$0x0], $0xffff  }
0x3e2: {  	v18 =	vld.idx.msk [tilespmem:v18+s17+$0x0], $0xffff;
	_ =	sdelay $0x1  }
0x3e3: {  	v19 =	vadd.f32 v20, v19;
	v59 =	vadd.f32 v24, v23  }
0x3e4: {  	v60 =	vadd.f32 v26, v25;
	v61 =	vadd.f32 v28, v27  }
0x3e5: {  	v62 =	vadd.f32 v30, v29;
	v17 =	vadd.f32 v21, v17  }
0x3e6: {  	v16 =	vadd.f32 v22, v16;
	v18 =	vadd.f32 v18, v31  }
0x3e7: {  	v63 =	vadd.f32 v61, v60;
	v17 =	vadd.f32 v17, v19  }
0x3e8: {  	v16 =	vadd.f32 v59, v16;
	v18 =	vadd.f32 v18, v62  }
0x3e9: {  	p0 =	sne.s32 s22, $0x70  }
.Ltmp3:
0x3ea: {  	v16 =	vadd.f32 v16, v17;
	v17 =	vadd.f32 v18, v63;
	(pc) =	sbr.rel @p0 .LBB2_8-.Ltmp3, $4  }
0x3eb: {  	_ = 	snop  }
0x3ec: {  	v16 =	vadd.f32 v17, v16  }
0x3ed: {  	s22 =	sadd.s32 $0x10, s22;
	s25 =	sadd.s32 $0x400, s25  }
0x3ee: {  	s26 =	sadd.s32 $0x400, s26;
	s23 =	sadd.s32 $0x180, s23;
	[tilespmem:s24+$0x0] =	vst v16;
	s24 =	sadd.s32 $0x10, s24  }
0x3ef: {  	s21 =	sadd.s32 $0x1, s21  }
0x3f0: {  	p0 =	sne.s32 s21, s12  }
.Ltmp4:
0x3f1: {  	_ = 	snop;
	(pc) =	sbr.rel @p0 .LBB2_1-.Ltmp4, $4  }
0x3f2: {  	[hbm4b:s11+s2] =	stream.linear.scatter [tilespmem:s19], [sflag:$0x3], $0x200, $0x38;
	[tilespmem:$0x8E00] =	vst v63  }
0x3f3: {  	_ =	swait.ge [sflag:s20], $0x200  }
0x3f4: {  	[sflag:s20] =	ssyncset.done $0x0  }
0x3f5: {  	[sflag:s20] =	ssyncadd.s32 $0xFFFFFE00  }
0x3f6: {  	_ =	sfence.sel $0x180000  }
0x3f7: {  	[bflag:$0x0] =	sbarrier.arrive $0xFFFF  }
0x3f8: {  	p0 =	sne.s32 s1, $0x0;
	_ =	strace $0x90000047  }
0x3f9: {  	s0 =	sadd.s32 @!p0 $0x100000, s0;
	[bflag:$0x2] =	sbarrier.arrive $0xFFFF  }
0x3fa: {  	[sflag:s0] =	ssyncadd.tile.s32 @!p0 $0x1;
	_ =	shalt  }
.Lfunc_end2:
_tile_overlayer_lowered:
.L_overlay_start_2:
0x3fb: {  	(tag) =	ssettag $0x2  }
0x3fc: {  	s0 =	rddreg [dreg:$0x0];
	s2 =	stileid.u32  }
0x3fd: {  	s1 =	rddreg [dreg:$0x1];
	p0 =	sne.s32 s2, $0x0  }
0x3fe: {  	s3 =	rddreg [dreg:$0x2];
	[bflag:$0x3] =	sbarrier.arrive $0xFFFF;
	s2 =	simm.s32 @!p0 $0x1C03  }
0x3ff: {  	[timem:s3], [sflag:s2] =	dma.local @!p0 [hbm:s0], s1  }
0x400: {  	s0 =	simm.s32 @!p0 $0x3  }
0x401: {  	_ =	swait.ge @!p0 [sflag:s0], s1  }
0x402: {  	s1 =	ssub.s32 @!p0 $0x0, s1;
	[sflag:s0] =	ssyncset.done @!p0 $0x0  }
0x403: {  	[sflag:s0] =	ssyncadd.s32 @!p0 s1  }
0x404: {  	[bflag:$0x3] =	sbarrier.arrive $0xFFFF  }
0x405: {  	_ =	shalt  }

</sc_bundles>
